<compile_context>
chip_gen: v7x
topology: tpu7x:2x2x1
jax: 0.10.2.dev20260603
libtpu: 0.0.44.dev20260713+nightly
codegen_flags: <defaults>
</compile_context>

<pallas_src>
import functools

import jax
import jax.numpy as jnp
from jax import lax
from jax.experimental import pallas as pl
from jax.experimental.pallas import tpu as pltpu
from jax.experimental.pallas import tpu_sc as plsc

_EPS = 1e-12
_TC_GRID = 2

_D = 256
_LANES = 16
_NW = 32
_CHUNK = 64


def _tc_norm_kernel(z_ref, oz_ref):
    z = z_ref[...]
    n = jnp.sqrt(jnp.sum(z * z, axis=1, keepdims=True))
    oz_ref[...] = z * (1.0 / jnp.maximum(n, _EPS))


def _tc_normalize(z):
    bz = z.shape[0] // _TC_GRID
    return pl.pallas_call(
        _tc_norm_kernel,
        grid=(_TC_GRID,),
        in_specs=[pl.BlockSpec((bz, z.shape[1]), lambda i: (i, 0))],
        out_specs=pl.BlockSpec((bz, z.shape[1]), lambda i: (i, 0)),
        out_shape=jax.ShapeDtypeStruct(z.shape, z.dtype),
    )(z)


_GDN = lax.GatherDimensionNumbers(
    offset_dims=(), collapsed_slice_dims=(0,), start_index_map=(0,)
)


def _lane_perm(x, idx):
    return lax.gather(
        x, idx[:, None], dimension_numbers=_GDN, slice_sizes=(1,),
        mode=lax.GatherScatterMode.PROMISE_IN_BOUNDS,
    )


def _row_normalize_in_place(buf, r, perm_idx):
    accs = [jnp.zeros((_LANES,), jnp.float32) for _ in range(4)]
    chunks = []
    for j in range(_D // _LANES):
        x = buf[r, pl.ds(j * _LANES, _LANES)]
        chunks.append(x)
        accs[j % 4] = accs[j % 4] + x * x
    acc = (accs[0] + accs[1]) + (accs[2] + accs[3])
    for idx in perm_idx:
        acc = acc + _lane_perm(acc, idx)
    sv = acc
    i = plsc.bitcast(sv, jnp.int32)
    i = 0x5F3759DF - lax.shift_right_logical(i, 1)
    rs = plsc.bitcast(i, jnp.float32)
    half = sv * 0.5
    for _ in range(3):
        rs = rs * (1.5 - half * rs * rs)
    rs = jnp.minimum(rs, 1.0 / _EPS)
    for j in range(_D // _LANES):
        buf[r, pl.ds(j * _LANES, _LANES)] = chunks[j] * rs


def _sc_normalize(centroids):
    n_rows = centroids.shape[0]
    rows_per_w = n_rows // _NW
    n_chunks = rows_per_w // _CHUNK
    mesh = plsc.VectorSubcoreMesh(core_axis_name="c", subcore_axis_name="s")

    @functools.partial(
        pl.kernel,
        mesh=mesh,
        out_type=jax.ShapeDtypeStruct(centroids.shape, centroids.dtype),
        scratch_types=[
            pltpu.VMEM((_CHUNK, _D), jnp.float32),
            pltpu.VMEM((_CHUNK, _D), jnp.float32),
            pltpu.SemaphoreType.DMA,
            pltpu.SemaphoreType.DMA,
            pltpu.SemaphoreType.DMA,
            pltpu.SemaphoreType.DMA,
        ],
        compiler_params=pltpu.CompilerParams(needs_layout_passes=False),
    )
    def sc_norm(c_hbm, out_hbm, buf0, buf1, si0, si1, so0, so1):
        wid = lax.axis_index("s") * 2 + lax.axis_index("c")
        base = wid * rows_per_w
        iota = lax.iota(jnp.int32, _LANES)
        perm_idx = [lax.bitwise_xor(iota, k) for k in (1, 2, 4, 8)]
        bufs = (buf0, buf1)
        in_sems = (si0, si1)
        out_sems = (so0, so1)

        def in_copy(chunk):
            row0 = base + chunk * _CHUNK
            return pltpu.async_copy(
                c_hbm.at[pl.ds(row0, _CHUNK)], bufs[chunk % 2], in_sems[chunk % 2]
            )

        def out_copy(chunk):
            row0 = base + chunk * _CHUNK
            return pltpu.async_copy(
                bufs[chunk % 2], out_hbm.at[pl.ds(row0, _CHUNK)], out_sems[chunk % 2]
            )

        in_flight = {0: in_copy(0)}
        out_flight = {}
        for chunk in range(n_chunks):
            in_flight.pop(chunk).wait()
            if chunk + 1 < n_chunks:
                if chunk - 1 in out_flight:
                    out_flight.pop(chunk - 1).wait()
                in_flight[chunk + 1] = in_copy(chunk + 1)
            buf = bufs[chunk % 2]

            def body(r2, carry):
                _row_normalize_in_place(buf, r2 * 2, perm_idx)
                _row_normalize_in_place(buf, r2 * 2 + 1, perm_idx)
                return carry

            lax.fori_loop(0, _CHUNK // 2, body, 0)
            out_flight[chunk] = out_copy(chunk)
        for c in sorted(out_flight):
            out_flight.pop(c).wait()

    return sc_norm(centroids)


def kernel(z, centroids):
    return (z, _sc_normalize(centroids))

# --- scband reference (transcript-rebuilt; emitter-appended) ---
"""Pipeline reference for scband-euc-centroids-loss-34213709479973 (READ-ONLY COPY).

The authoritative reference and input builder live on the scoring server;
editing this copy changes nothing except your own understanding.
"""

import jax, jax.numpy as jnp
import numpy as np

N_CLASS = 1024
N_CENTROIDS = 8
OUT_DIM = 256
B = 16384


def _normalize(x, eps=1e-12):
    # Faithful to torch.nn.functional.normalize(p=2, dim=1, eps=1e-12):
    # x / max(||x||_2, eps)
    n = jnp.sqrt(jnp.sum(x * x, axis=1, keepdims=True))
    return x / jnp.maximum(n, eps)


def setup_inputs(seed: int = 0) -> dict:
    key = jax.random.key(seed)
    k1, k2 = jax.random.split(key)
    z = jax.random.normal(k1, (B, OUT_DIM), dtype=jnp.float32)
    # centroids parameter: xavier_uniform_ on a [n_class*n_centroids, out_dim] tensor
    fan_out = N_CLASS * N_CENTROIDS
    fan_in = OUT_DIM
    bound = float(np.sqrt(6.0 / (fan_in + fan_out)))
    centroids = jax.random.uniform(
        k2, (N_CLASS * N_CENTROIDS, OUT_DIM), minval=-bound, maxval=bound, dtype=jnp.float32
    )
    return {"z": z, "centroids": centroids}


def reference(z, centroids):
    norm_z = _normalize(z)
    norm_c = _normalize(centroids)
    return (norm_z, norm_c)

if __name__ == "__main__":
    import jax
    _d = setup_inputs()
    print(jax.jit(kernel)(*tuple(_d.values())))

</pallas_src>

<mosaic_0001>
#map = affine_map<(d0, d1) -> (0, 0)>
module attributes {stable_mosaic.version = 14 : i64} {
  func.func @sc_norm(%arg0: i32, %arg1: i32, %arg2: memref<8192x256xf32, #tpu.memory_space<hbm>>, %arg3: memref<8192x256xf32, #tpu.memory_space<hbm>>, %arg4: memref<64x256xf32, #tpu.memory_space<vmem>>, %arg5: memref<64x256xf32, #tpu.memory_space<vmem>>, %arg6: memref<!tpu.dma_semaphore, #tpu.memory_space<semaphore_mem>>, %arg7: memref<!tpu.dma_semaphore, #tpu.memory_space<semaphore_mem>>, %arg8: memref<!tpu.dma_semaphore, #tpu.memory_space<semaphore_mem>>, %arg9: memref<!tpu.dma_semaphore, #tpu.memory_space<semaphore_mem>>) attributes {dimension_semantics = [#tpu.dimension_semantics<core_parallel>, #tpu.dimension_semantics<subcore_parallel>], iteration_bounds = array<i64: 2, 16>, scalar_prefetch = 0 : i64, scratch_operands = 6 : i64, tpu.core_type = #tpu.core_type<sc_vector_subcore>, window_params = [{transform_indices = #map}, {transform_indices = #map}]} {
    %mul3A = arith.constant 2 : i32
    %mul3A_0 = arith.muli %arg1, %mul3A : i32
    %add3A = arith.addi %mul3A_0, %arg0 : i32
    %mul3A_1 = arith.constant 256 : i32
    %mul3A_2 = arith.muli %add3A, %mul3A_1 : i32
    %iota3A = tpu.iota {dimensions = array<i32: 0>} : vector<16xi32>
    %xor3A = arith.constant 1 : i32
    %xor3A_3 = vector.broadcast %xor3A : i32 to vector<16xi32>
    %xor3A_4 = arith.xori %iota3A, %xor3A_3 : vector<16xi32>
    %xor3A_5 = arith.constant 2 : i32
    %xor3A_6 = vector.broadcast %xor3A_5 : i32 to vector<16xi32>
    %xor3A_7 = arith.xori %iota3A, %xor3A_6 : vector<16xi32>
    %xor3A_8 = arith.constant 4 : i32
    %xor3A_9 = vector.broadcast %xor3A_8 : i32 to vector<16xi32>
    %xor3A_10 = arith.xori %iota3A, %xor3A_9 : vector<16xi32>
    %xor3A_11 = arith.constant 8 : i32
    %xor3A_12 = vector.broadcast %xor3A_11 : i32 to vector<16xi32>
    %xor3A_13 = arith.xori %iota3A, %xor3A_12 : vector<16xi32>
    %add3A_14 = arith.constant 0 : i32
    %add3A_15 = arith.addi %mul3A_2, %add3A_14 : i32
    %dma_start3A = arith.constant 0 : i32
    %dma_start3A_16 = tpu.memref_slice %arg2[%add3A_15, %dma_start3A] : memref<8192x256xf32, #tpu.memory_space<hbm>> -> memref<64x256xf32, #tpu.memory_space<hbm>>
    %dma_start3A_17 = arith.constant 0 : i32
    %dma_start3A_18 = tpu.memref_slice %arg2[%add3A_15, %dma_start3A_17] : memref<8192x256xf32, #tpu.memory_space<hbm>> -> memref<64x256xf32, #tpu.memory_space<hbm>>
    tpu.enqueue_dma source(%dma_start3A_18 : memref<64x256xf32, #tpu.memory_space<hbm>>) target(%arg4 : memref<64x256xf32, #tpu.memory_space<vmem>>) target_semaphore(%arg6 : memref<!tpu.dma_semaphore, #tpu.memory_space<semaphore_mem>>)
    %dma_wait3A = arith.constant 0 : i32
    %dma_wait3A_19 = tpu.memref_slice %arg2[%add3A_15, %dma_wait3A] : memref<8192x256xf32, #tpu.memory_space<hbm>> -> memref<64x256xf32, #tpu.memory_space<hbm>>
    %dma_wait3A_20 = arith.constant 0 : i32
    %dma_wait3A_21 = tpu.memref_slice %arg2[%add3A_15, %dma_wait3A_20] : memref<8192x256xf32, #tpu.memory_space<hbm>> -> memref<64x256xf32, #tpu.memory_space<hbm>>
    tpu.wait_dma2 semaphore(%arg6 : memref<!tpu.dma_semaphore, #tpu.memory_space<semaphore_mem>>) src(%dma_wait3A_21 : memref<64x256xf32, #tpu.memory_space<hbm>>) dst(%arg4 : memref<64x256xf32, #tpu.memory_space<vmem>>)
    %add3A_22 = arith.constant 64 : i32
    %add3A_23 = arith.addi %mul3A_2, %add3A_22 : i32
    %dma_start3A_24 = arith.constant 0 : i32
    %dma_start3A_25 = tpu.memref_slice %arg2[%add3A_23, %dma_start3A_24] : memref<8192x256xf32, #tpu.memory_space<hbm>> -> memref<64x256xf32, #tpu.memory_space<hbm>>
    %dma_start3A_26 = arith.constant 0 : i32
    %dma_start3A_27 = tpu.memref_slice %arg2[%add3A_23, %dma_start3A_26] : memref<8192x256xf32, #tpu.memory_space<hbm>> -> memref<64x256xf32, #tpu.memory_space<hbm>>
    tpu.enqueue_dma source(%dma_start3A_27 : memref<64x256xf32, #tpu.memory_space<hbm>>) target(%arg5 : memref<64x256xf32, #tpu.memory_space<vmem>>) target_semaphore(%arg7 : memref<!tpu.dma_semaphore, #tpu.memory_space<semaphore_mem>>)
    %scan3A = arith.constant 0 : i32
    %scan3A_28 = arith.constant 0 : i32
    %scan3A_29 = arith.constant 32 : i32
    %scan3A_30 = arith.addi %scan3A_28, %scan3A_29 : i32
    %scan3A_31 = arith.constant 1 : i32
    scf.for %scan3A_115 = %scan3A_28 to %scan3A_30 step %scan3A_31  : i32 {
      %mul3A_116 = arith.constant 2 : i32
      %mul3A_117 = arith.muli %scan3A_115, %mul3A_116 : i32
      %broadcast_in_dim3A = arith.constant 0.000000e+00 : f32
      %broadcast_in_dim3A_118 = vector.broadcast %broadcast_in_dim3A : f32 to vector<16xf32>
      %broadcast_in_dim3A_119 = arith.constant 0.000000e+00 : f32
      %broadcast_in_dim3A_120 = vector.broadcast %broadcast_in_dim3A_119 : f32 to vector<16xf32>
      %broadcast_in_dim3A_121 = arith.constant 0.000000e+00 : f32
      %broadcast_in_dim3A_122 = vector.broadcast %broadcast_in_dim3A_121 : f32 to vector<16xf32>
      %broadcast_in_dim3A_123 = arith.constant 0.000000e+00 : f32
      %broadcast_in_dim3A_124 = vector.broadcast %broadcast_in_dim3A_123 : f32 to vector<16xf32>
      %get3A = arith.index_cast %mul3A_117 : i32 to index
      %get3A_125 = arith.constant 0 : index
      %get3A_126 = tpu.vector_load %arg4[%get3A, %get3A_125] {strides = array<i32>} : memref<64x256xf32, #tpu.memory_space<vmem>>, vector<16xf32>,
      %mul3A_127 = arith.mulf %get3A_126, %get3A_126 : vector<16xf32>
      %add3A_128 = arith.addf %broadcast_in_dim3A_118, %mul3A_127 : vector<16xf32>
      %get3A_129 = arith.index_cast %mul3A_117 : i32 to index
      %get3A_130 = arith.constant 16 : index
      %get3A_131 = tpu.vector_load %arg4[%get3A_129, %get3A_130] {strides = array<i32>} : memref<64x256xf32, #tpu.memory_space<vmem>>, vector<16xf32>,
      %mul3A_132 = arith.mulf %get3A_131, %get3A_131 : vector<16xf32>
      %add3A_133 = arith.addf %broadcast_in_dim3A_120, %mul3A_132 : vector<16xf32>
      %get3A_134 = arith.index_cast %mul3A_117 : i32 to index
      %get3A_135 = arith.constant 32 : index
      %get3A_136 = tpu.vector_load %arg4[%get3A_134, %get3A_135] {strides = array<i32>} : memref<64x256xf32, #tpu.memory_space<vmem>>, vector<16xf32>,
      %mul3A_137 = arith.mulf %get3A_136, %get3A_136 : vector<16xf32>
      %add3A_138 = arith.addf %broadcast_in_dim3A_122, %mul3A_137 : vector<16xf32>
      %get3A_139 = arith.index_cast %mul3A_117 : i32 to index
      %get3A_140 = arith.constant 48 : index
      %get3A_141 = tpu.vector_load %arg4[%get3A_139, %get3A_140] {strides = array<i32>} : memref<64x256xf32, #tpu.memory_space<vmem>>, vector<16xf32>,
      %mul3A_142 = arith.mulf %get3A_141, %get3A_141 : vector<16xf32>
      %add3A_143 = arith.addf %broadcast_in_dim3A_124, %mul3A_142 : vector<16xf32>
      %get3A_144 = arith.index_cast %mul3A_117 : i32 to index
      %get3A_145 = arith.constant 64 : index
      %get3A_146 = tpu.vector_load %arg4[%get3A_144, %get3A_145] {strides = array<i32>} : memref<64x256xf32, #tpu.memory_space<vmem>>, vector<16xf32>,
      %mul3A_147 = arith.mulf %get3A_146, %get3A_146 : vector<16xf32>
      %add3A_148 = arith.addf %add3A_128, %mul3A_147 : vector<16xf32>
      %get3A_149 = arith.index_cast %mul3A_117 : i32 to index
      %get3A_150 = arith.constant 80 : index
      %get3A_151 = tpu.vector_load %arg4[%get3A_149, %get3A_150] {strides = array<i32>} : memref<64x256xf32, #tpu.memory_space<vmem>>, vector<16xf32>,
      %mul3A_152 = arith.mulf %get3A_151, %get3A_151 : vector<16xf32>
      %add3A_153 = arith.addf %add3A_133, %mul3A_152 : vector<16xf32>
      %get3A_154 = arith.index_cast %mul3A_117 : i32 to index
      %get3A_155 = arith.constant 96 : index
      %get3A_156 = tpu.vector_load %arg4[%get3A_154, %get3A_155] {strides = array<i32>} : memref<64x256xf32, #tpu.memory_space<vmem>>, vector<16xf32>,
      %mul3A_157 = arith.mulf %get3A_156, %get3A_156 : vector<16xf32>
      %add3A_158 = arith.addf %add3A_138, %mul3A_157 : vector<16xf32>
      %get3A_159 = arith.index_cast %mul3A_117 : i32 to index
      %get3A_160 = arith.constant 112 : index
      %get3A_161 = tpu.vector_load %arg4[%get3A_159, %get3A_160] {strides = array<i32>} : memref<64x256xf32, #tpu.memory_space<vmem>>, vector<16xf32>,
      %mul3A_162 = arith.mulf %get3A_161, %get3A_161 : vector<16xf32>
      %add3A_163 = arith.addf %add3A_143, %mul3A_162 : vector<16xf32>
      %get3A_164 = arith.index_cast %mul3A_117 : i32 to index
      %get3A_165 = arith.constant 128 : index
      %get3A_166 = tpu.vector_load %arg4[%get3A_164, %get3A_165] {strides = array<i32>} : memref<64x256xf32, #tpu.memory_space<vmem>>, vector<16xf32>,
      %mul3A_167 = arith.mulf %get3A_166, %get3A_166 : vector<16xf32>
      %add3A_168 = arith.addf %add3A_148, %mul3A_167 : vector<16xf32>
      %get3A_169 = arith.index_cast %mul3A_117 : i32 to index
      %get3A_170 = arith.constant 144 : index
      %get3A_171 = tpu.vector_load %arg4[%get3A_169, %get3A_170] {strides = array<i32>} : memref<64x256xf32, #tpu.memory_space<vmem>>, vector<16xf32>,
      %mul3A_172 = arith.mulf %get3A_171, %get3A_171 : vector<16xf32>
      %add3A_173 = arith.addf %add3A_153, %mul3A_172 : vector<16xf32>
      %get3A_174 = arith.index_cast %mul3A_117 : i32 to index
      %get3A_175 = arith.constant 160 : index
      %get3A_176 = tpu.vector_load %arg4[%get3A_174, %get3A_175] {strides = array<i32>} : memref<64x256xf32, #tpu.memory_space<vmem>>, vector<16xf32>,
      %mul3A_177 = arith.mulf %get3A_176, %get3A_176 : vector<16xf32>
      %add3A_178 = arith.addf %add3A_158, %mul3A_177 : vector<16xf32>
      %get3A_179 = arith.index_cast %mul3A_117 : i32 to index
      %get3A_180 = arith.constant 176 : index
      %get3A_181 = tpu.vector_load %arg4[%get3A_179, %get3A_180] {strides = array<i32>} : memref<64x256xf32, #tpu.memory_space<vmem>>, vector<16xf32>,
      %mul3A_182 = arith.mulf %get3A_181, %get3A_181 : vector<16xf32>
      %add3A_183 = arith.addf %add3A_163, %mul3A_182 : vector<16xf32>
      %get3A_184 = arith.index_cast %mul3A_117 : i32 to index
      %get3A_185 = arith.constant 192 : index
      %get3A_186 = tpu.vector_load %arg4[%get3A_184, %get3A_185] {strides = array<i32>} : memref<64x256xf32, #tpu.memory_space<vmem>>, vector<16xf32>,
      %mul3A_187 = arith.mulf %get3A_186, %get3A_186 : vector<16xf32>
      %add3A_188 = arith.addf %add3A_168, %mul3A_187 : vector<16xf32>
      %get3A_189 = arith.index_cast %mul3A_117 : i32 to index
      %get3A_190 = arith.constant 208 : index
      %get3A_191 = tpu.vector_load %arg4[%get3A_189, %get3A_190] {strides = array<i32>} : memref<64x256xf32, #tpu.memory_space<vmem>>, vector<16xf32>,
      %mul3A_192 = arith.mulf %get3A_191, %get3A_191 : vector<16xf32>
      %add3A_193 = arith.addf %add3A_173, %mul3A_192 : vector<16xf32>
      %get3A_194 = arith.index_cast %mul3A_117 : i32 to index
      %get3A_195 = arith.constant 224 : index
      %get3A_196 = tpu.vector_load %arg4[%get3A_194, %get3A_195] {strides = array<i32>} : memref<64x256xf32, #tpu.memory_space<vmem>>, vector<16xf32>,
      %mul3A_197 = arith.mulf %get3A_196, %get3A_196 : vector<16xf32>
      %add3A_198 = arith.addf %add3A_178, %mul3A_197 : vector<16xf32>
      %get3A_199 = arith.index_cast %mul3A_117 : i32 to index
      %get3A_200 = arith.constant 240 : index
      %get3A_201 = tpu.vector_load %arg4[%get3A_199, %get3A_200] {strides = array<i32>} : memref<64x256xf32, #tpu.memory_space<vmem>>, vector<16xf32>,
      %mul3A_202 = arith.mulf %get3A_201, %get3A_201 : vector<16xf32>
      %add3A_203 = arith.addf %add3A_183, %mul3A_202 : vector<16xf32>
      %add3A_204 = arith.addf %add3A_188, %add3A_193 : vector<16xf32>
      %add3A_205 = arith.addf %add3A_198, %add3A_203 : vector<16xf32>
      %add3A_206 = arith.addf %add3A_204, %add3A_205 : vector<16xf32>
      %broadcast_in_dim3A_207 = vector.shape_cast %xor3A_4 : vector<16xi32> to vector<16x1xi32>
      %gather3A = vector.shape_cast %broadcast_in_dim3A_207 : vector<16x1xi32> to vector<16xi32>
      %gather3A_208 = tpu.dynamic_gather %add3A_206[%gather3A] in [0] : vector<16xf32>, vector<16xi32> -> vector<16xf32>
      %add3A_209 = arith.addf %add3A_206, %gather3A_208 : vector<16xf32>
      %broadcast_in_dim3A_210 = vector.shape_cast %xor3A_7 : vector<16xi32> to vector<16x1xi32>
      %gather3A_211 = vector.shape_cast %broadcast_in_dim3A_210 : vector<16x1xi32> to vector<16xi32>
      %gather3A_212 = tpu.dynamic_gather %add3A_209[%gather3A_211] in [0] : vector<16xf32>, vector<16xi32> -> vector<16xf32>
      %add3A_213 = arith.addf %add3A_209, %gather3A_212 : vector<16xf32>
      %broadcast_in_dim3A_214 = vector.shape_cast %xor3A_10 : vector<16xi32> to vector<16x1xi32>
      %gather3A_215 = vector.shape_cast %broadcast_in_dim3A_214 : vector<16x1xi32> to vector<16xi32>
      %gather3A_216 = tpu.dynamic_gather %add3A_213[%gather3A_215] in [0] : vector<16xf32>, vector<16xi32> -> vector<16xf32>
      %add3A_217 = arith.addf %add3A_213, %gather3A_216 : vector<16xf32>
      %broadcast_in_dim3A_218 = vector.shape_cast %xor3A_13 : vector<16xi32> to vector<16x1xi32>
      %gather3A_219 = vector.shape_cast %broadcast_in_dim3A_218 : vector<16x1xi32> to vector<16xi32>
      %gather3A_220 = tpu.dynamic_gather %add3A_217[%gather3A_219] in [0] : vector<16xf32>, vector<16xi32> -> vector<16xf32>
      %add3A_221 = arith.addf %add3A_217, %gather3A_220 : vector<16xf32>
      %bitcast3A = vector.bitcast %add3A_221 : vector<16xf32> to vector<16xi32>
      %shift_right_logical3A = arith.constant 1 : i32
      %shift_right_logical3A_222 = vector.broadcast %shift_right_logical3A : i32 to vector<16xi32>
      %shift_right_logical3A_223 = arith.shrui %bitcast3A, %shift_right_logical3A_222 : vector<16xi32>
      %sub3A = arith.constant 1597463007 : i32
      %sub3A_224 = vector.broadcast %sub3A : i32 to vector<16xi32>
      %sub3A_225 = arith.subi %sub3A_224, %shift_right_logical3A_223 : vector<16xi32>
      %bitcast3A_226 = vector.bitcast %sub3A_225 : vector<16xi32> to vector<16xf32>
      %mul3A_227 = arith.constant 5.000000e-01 : f32
      %mul3A_228 = vector.broadcast %mul3A_227 : f32 to vector<16xf32>
      %mul3A_229 = arith.mulf %add3A_221, %mul3A_228 : vector<16xf32>
      %mul3A_230 = arith.mulf %mul3A_229, %bitcast3A_226 : vector<16xf32>
      %mul3A_231 = arith.mulf %mul3A_230, %bitcast3A_226 : vector<16xf32>
      %sub3A_232 = arith.constant 1.500000e+00 : f32
      %sub3A_233 = vector.broadcast %sub3A_232 : f32 to vector<16xf32>
      %sub3A_234 = arith.subf %sub3A_233, %mul3A_231 : vector<16xf32>
      %mul3A_235 = arith.mulf %bitcast3A_226, %sub3A_234 : vector<16xf32>
      %mul3A_236 = arith.mulf %mul3A_229, %mul3A_235 : vector<16xf32>
      %mul3A_237 = arith.mulf %mul3A_236, %mul3A_235 : vector<16xf32>
      %sub3A_238 = arith.constant 1.500000e+00 : f32
      %sub3A_239 = vector.broadcast %sub3A_238 : f32 to vector<16xf32>
      %sub3A_240 = arith.subf %sub3A_239, %mul3A_237 : vector<16xf32>
      %mul3A_241 = arith.mulf %mul3A_235, %sub3A_240 : vector<16xf32>
      %mul3A_242 = arith.mulf %mul3A_229, %mul3A_241 : vector<16xf32>
      %mul3A_243 = arith.mulf %mul3A_242, %mul3A_241 : vector<16xf32>
      %sub3A_244 = arith.constant 1.500000e+00 : f32
      %sub3A_245 = vector.broadcast %sub3A_244 : f32 to vector<16xf32>
      %sub3A_246 = arith.subf %sub3A_245, %mul3A_243 : vector<16xf32>
      %mul3A_247 = arith.mulf %mul3A_241, %sub3A_246 : vector<16xf32>
      %min3A = arith.constant 9.99999995E+11 : f32
      %min3A_248 = vector.broadcast %min3A : f32 to vector<16xf32>
      %min3A_249 = arith.minimumf %mul3A_247, %min3A_248 : vector<16xf32>
      %mul3A_250 = arith.mulf %get3A_126, %min3A_249 : vector<16xf32>
      %swap3A = arith.index_cast %mul3A_117 : i32 to index
      %swap3A_251 = arith.constant 0 : index
      %swap3A_252 = tpu.vector_load %arg4[%swap3A, %swap3A_251] {strides = array<i32>} : memref<64x256xf32, #tpu.memory_space<vmem>>, vector<16xf32>,
      tpu.vector_store %arg4[%swap3A, %swap3A_251], %mul3A_250 {strides = array<i32>} : memref<64x256xf32, #tpu.memory_space<vmem>>, vector<16xf32>,
      %mul3A_253 = arith.mulf %get3A_131, %min3A_249 : vector<16xf32>
      %swap3A_254 = arith.index_cast %mul3A_117 : i32 to index
      %swap3A_255 = arith.constant 16 : index
      %swap3A_256 = tpu.vector_load %arg4[%swap3A_254, %swap3A_255] {strides = array<i32>} : memref<64x256xf32, #tpu.memory_space<vmem>>, vector<16xf32>,
      tpu.vector_store %arg4[%swap3A_254, %swap3A_255], %mul3A_253 {strides = array<i32>} : memref<64x256xf32, #tpu.memory_space<vmem>>, vector<16xf32>,
      %mul3A_257 = arith.mulf %get3A_136, %min3A_249 : vector<16xf32>
      %swap3A_258 = arith.index_cast %mul3A_117 : i32 to index
      %swap3A_259 = arith.constant 32 : index
      %swap3A_260 = tpu.vector_load %arg4[%swap3A_258, %swap3A_259] {strides = array<i32>} : memref<64x256xf32, #tpu.memory_space<vmem>>, vector<16xf32>,
      tpu.vector_store %arg4[%swap3A_258, %swap3A_259], %mul3A_257 {strides = array<i32>} : memref<64x256xf32, #tpu.memory_space<vmem>>, vector<16xf32>,
      %mul3A_261 = arith.mulf %get3A_141, %min3A_249 : vector<16xf32>
      %swap3A_262 = arith.index_cast %mul3A_117 : i32 to index
      %swap3A_263 = arith.constant 48 : index
      %swap3A_264 = tpu.vector_load %arg4[%swap3A_262, %swap3A_263] {strides = array<i32>} : memref<64x256xf32, #tpu.memory_space<vmem>>, vector<16xf32>,
      tpu.vector_store %arg4[%swap3A_262, %swap3A_263], %mul3A_261 {strides = array<i32>} : memref<64x256xf32, #tpu.memory_space<vmem>>, vector<16xf32>,
      %mul3A_265 = arith.mulf %get3A_146, %min3A_249 : vector<16xf32>
      %swap3A_266 = arith.index_cast %mul3A_117 : i32 to index
      %swap3A_267 = arith.constant 64 : index
      %swap3A_268 = tpu.vector_load %arg4[%swap3A_266, %swap3A_267] {strides = array<i32>} : memref<64x256xf32, #tpu.memory_space<vmem>>, vector<16xf32>,
      tpu.vector_store %arg4[%swap3A_266, %swap3A_267], %mul3A_265 {strides = array<i32>} : memref<64x256xf32, #tpu.memory_space<vmem>>, vector<16xf32>,
      %mul3A_269 = arith.mulf %get3A_151, %min3A_249 : vector<16xf32>
      %swap3A_270 = arith.index_cast %mul3A_117 : i32 to index
      %swap3A_271 = arith.constant 80 : index
      %swap3A_272 = tpu.vector_load %arg4[%swap3A_270, %swap3A_271] {strides = array<i32>} : memref<64x256xf32, #tpu.memory_space<vmem>>, vector<16xf32>,
      tpu.vector_store %arg4[%swap3A_270, %swap3A_271], %mul3A_269 {strides = array<i32>} : memref<64x256xf32, #tpu.memory_space<vmem>>, vector<16xf32>,
      %mul3A_273 = arith.mulf %get3A_156, %min3A_249 : vector<16xf32>
      %swap3A_274 = arith.index_cast %mul3A_117 : i32 to index
      %swap3A_275 = arith.constant 96 : index
      %swap3A_276 = tpu.vector_load %arg4[%swap3A_274, %swap3A_275] {strides = array<i32>} : memref<64x256xf32, #tpu.memory_space<vmem>>, vector<16xf32>,
      tpu.vector_store %arg4[%swap3A_274, %swap3A_275], %mul3A_273 {strides = array<i32>} : memref<64x256xf32, #tpu.memory_space<vmem>>, vector<16xf32>,
      %mul3A_277 = arith.mulf %get3A_161, %min3A_249 : vector<16xf32>
      %swap3A_278 = arith.index_cast %mul3A_117 : i32 to index
      %swap3A_279 = arith.constant 112 : index
      %swap3A_280 = tpu.vector_load %arg4[%swap3A_278, %swap3A_279] {strides = array<i32>} : memref<64x256xf32, #tpu.memory_space<vmem>>, vector<16xf32>,
      tpu.vector_store %arg4[%swap3A_278, %swap3A_279], %mul3A_277 {strides = array<i32>} : memref<64x256xf32, #tpu.memory_space<vmem>>, vector<16xf32>,
      %mul3A_281 = arith.mulf %get3A_166, %min3A_249 : vector<16xf32>
      %swap3A_282 = arith.index_cast %mul3A_117 : i32 to index
      %swap3A_283 = arith.constant 128 : index
      %swap3A_284 = tpu.vector_load %arg4[%swap3A_282, %swap3A_283] {strides = array<i32>} : memref<64x256xf32, #tpu.memory_space<vmem>>, vector<16xf32>,
      tpu.vector_store %arg4[%swap3A_282, %swap3A_283], %mul3A_281 {strides = array<i32>} : memref<64x256xf32, #tpu.memory_space<vmem>>, vector<16xf32>,
      %mul3A_285 = arith.mulf %get3A_171, %min3A_249 : vector<16xf32>
      %swap3A_286 = arith.index_cast %mul3A_117 : i32 to index
      %swap3A_287 = arith.constant 144 : index
      %swap3A_288 = tpu.vector_load %arg4[%swap3A_286, %swap3A_287] {strides = array<i32>} : memref<64x256xf32, #tpu.memory_space<vmem>>, vector<16xf32>,
      tpu.vector_store %arg4[%swap3A_286, %swap3A_287], %mul3A_285 {strides = array<i32>} : memref<64x256xf32, #tpu.memory_space<vmem>>, vector<16xf32>,
      %mul3A_289 = arith.mulf %get3A_176, %min3A_249 : vector<16xf32>
      %swap3A_290 = arith.index_cast %mul3A_117 : i32 to index
      %swap3A_291 = arith.constant 160 : index
      %swap3A_292 = tpu.vector_load %arg4[%swap3A_290, %swap3A_291] {strides = array<i32>} : memref<64x256xf32, #tpu.memory_space<vmem>>, vector<16xf32>,
      tpu.vector_store %arg4[%swap3A_290, %swap3A_291], %mul3A_289 {strides = array<i32>} : memref<64x256xf32, #tpu.memory_space<vmem>>, vector<16xf32>,
      %mul3A_293 = arith.mulf %get3A_181, %min3A_249 : vector<16xf32>
      %swap3A_294 = arith.index_cast %mul3A_117 : i32 to index
      %swap3A_295 = arith.constant 176 : index
      %swap3A_296 = tpu.vector_load %arg4[%swap3A_294, %swap3A_295] {strides = array<i32>} : memref<64x256xf32, #tpu.memory_space<vmem>>, vector<16xf32>,
      tpu.vector_store %arg4[%swap3A_294, %swap3A_295], %mul3A_293 {strides = array<i32>} : memref<64x256xf32, #tpu.memory_space<vmem>>, vector<16xf32>,
      %mul3A_297 = arith.mulf %get3A_186, %min3A_249 : vector<16xf32>
      %swap3A_298 = arith.index_cast %mul3A_117 : i32 to index
      %swap3A_299 = arith.constant 192 : index
      %swap3A_300 = tpu.vector_load %arg4[%swap3A_298, %swap3A_299] {strides = array<i32>} : memref<64x256xf32, #tpu.memory_space<vmem>>, vector<16xf32>,
      tpu.vector_store %arg4[%swap3A_298, %swap3A_299], %mul3A_297 {strides = array<i32>} : memref<64x256xf32, #tpu.memory_space<vmem>>, vector<16xf32>,
      %mul3A_301 = arith.mulf %get3A_191, %min3A_249 : vector<16xf32>
      %swap3A_302 = arith.index_cast %mul3A_117 : i32 to index
      %swap3A_303 = arith.constant 208 : index
      %swap3A_304 = tpu.vector_load %arg4[%swap3A_302, %swap3A_303] {strides = array<i32>} : memref<64x256xf32, #tpu.memory_space<vmem>>, vector<16xf32>,
      tpu.vector_store %arg4[%swap3A_302, %swap3A_303], %mul3A_301 {strides = array<i32>} : memref<64x256xf32, #tpu.memory_space<vmem>>, vector<16xf32>,
      %mul3A_305 = arith.mulf %get3A_196, %min3A_249 : vector<16xf32>
      %swap3A_306 = arith.index_cast %mul3A_117 : i32 to index
      %swap3A_307 = arith.constant 224 : index
      %swap3A_308 = tpu.vector_load %arg4[%swap3A_306, %swap3A_307] {strides = array<i32>} : memref<64x256xf32, #tpu.memory_space<vmem>>, vector<16xf32>,
      tpu.vector_store %arg4[%swap3A_306, %swap3A_307], %mul3A_305 {strides = array<i32>} : memref<64x256xf32, #tpu.memory_space<vmem>>, vector<16xf32>,
      %mul3A_309 = arith.mulf %get3A_201, %min3A_249 : vector<16xf32>
      %swap3A_310 = arith.index_cast %mul3A_117 : i32 to index
      %swap3A_311 = arith.constant 240 : index
      %swap3A_312 = tpu.vector_load %arg4[%swap3A_310, %swap3A_311] {strides = array<i32>} : memref<64x256xf32, #tpu.memory_space<vmem>>, vector<16xf32>,
      tpu.vector_store %arg4[%swap3A_310, %swap3A_311], %mul3A_309 {strides = array<i32>} : memref<64x256xf32, #tpu.memory_space<vmem>>, vector<16xf32>,
      %mul3A_313 = arith.constant 2 : i32
      %mul3A_314 = arith.muli %scan3A_115, %mul3A_313 : i32
      %add3A_315 = arith.constant 1 : i32
      %add3A_316 = arith.addi %mul3A_314, %add3A_315 : i32
      %broadcast_in_dim3A_317 = arith.constant 0.000000e+00 : f32
      %broadcast_in_dim3A_318 = vector.broadcast %broadcast_in_dim3A_317 : f32 to vector<16xf32>
      %broadcast_in_dim3A_319 = arith.constant 0.000000e+00 : f32
      %broadcast_in_dim3A_320 = vector.broadcast %broadcast_in_dim3A_319 : f32 to vector<16xf32>
      %broadcast_in_dim3A_321 = arith.constant 0.000000e+00 : f32
      %broadcast_in_dim3A_322 = vector.broadcast %broadcast_in_dim3A_321 : f32 to vector<16xf32>
      %broadcast_in_dim3A_323 = arith.constant 0.000000e+00 : f32
      %broadcast_in_dim3A_324 = vector.broadcast %broadcast_in_dim3A_323 : f32 to vector<16xf32>
      %get3A_325 = arith.index_cast %add3A_316 : i32 to index
      %get3A_326 = arith.constant 0 : index
      %get3A_327 = tpu.vector_load %arg4[%get3A_325, %get3A_326] {strides = array<i32>} : memref<64x256xf32, #tpu.memory_space<vmem>>, vector<16xf32>,
      %mul3A_328 = arith.mulf %get3A_327, %get3A_327 : vector<16xf32>
      %add3A_329 = arith.addf %broadcast_in_dim3A_318, %mul3A_328 : vector<16xf32>
      %get3A_330 = arith.index_cast %add3A_316 : i32 to index
      %get3A_331 = arith.constant 16 : index
      %get3A_332 = tpu.vector_load %arg4[%get3A_330, %get3A_331] {strides = array<i32>} : memref<64x256xf32, #tpu.memory_space<vmem>>, vector<16xf32>,
      %mul3A_333 = arith.mulf %get3A_332, %get3A_332 : vector<16xf32>
      %add3A_334 = arith.addf %broadcast_in_dim3A_320, %mul3A_333 : vector<16xf32>
      %get3A_335 = arith.index_cast %add3A_316 : i32 to index
      %get3A_336 = arith.constant 32 : index
      %get3A_337 = tpu.vector_load %arg4[%get3A_335, %get3A_336] {strides = array<i32>} : memref<64x256xf32, #tpu.memory_space<vmem>>, vector<16xf32>,
      %mul3A_338 = arith.mulf %get3A_337, %get3A_337 : vector<16xf32>
      %add3A_339 = arith.addf %broadcast_in_dim3A_322, %mul3A_338 : vector<16xf32>
      %get3A_340 = arith.index_cast %add3A_316 : i32 to index
      %get3A_341 = arith.constant 48 : index
      %get3A_342 = tpu.vector_load %arg4[%get3A_340, %get3A_341] {strides = array<i32>} : memref<64x256xf32, #tpu.memory_space<vmem>>, vector<16xf32>,
      %mul3A_343 = arith.mulf %get3A_342, %get3A_342 : vector<16xf32>
      %add3A_344 = arith.addf %broadcast_in_dim3A_324, %mul3A_343 : vector<16xf32>
      %get3A_345 = arith.index_cast %add3A_316 : i32 to index
      %get3A_346 = arith.constant 64 : index
      %get3A_347 = tpu.vector_load %arg4[%get3A_345, %get3A_346] {strides = array<i32>} : memref<64x256xf32, #tpu.memory_space<vmem>>, vector<16xf32>,
      %mul3A_348 = arith.mulf %get3A_347, %get3A_347 : vector<16xf32>
      %add3A_349 = arith.addf %add3A_329, %mul3A_348 : vector<16xf32>
      %get3A_350 = arith.index_cast %add3A_316 : i32 to index
      %get3A_351 = arith.constant 80 : index
      %get3A_352 = tpu.vector_load %arg4[%get3A_350, %get3A_351] {strides = array<i32>} : memref<64x256xf32, #tpu.memory_space<vmem>>, vector<16xf32>,
      %mul3A_353 = arith.mulf %get3A_352, %get3A_352 : vector<16xf32>
      %add3A_354 = arith.addf %add3A_334, %mul3A_353 : vector<16xf32>
      %get3A_355 = arith.index_cast %add3A_316 : i32 to index
      %get3A_356 = arith.constant 96 : index
      %get3A_357 = tpu.vector_load %arg4[%get3A_355, %get3A_356] {strides = array<i32>} : memref<64x256xf32, #tpu.memory_space<vmem>>, vector<16xf32>,
      %mul3A_358 = arith.mulf %get3A_357, %get3A_357 : vector<16xf32>
      %add3A_359 = arith.addf %add3A_339, %mul3A_358 : vector<16xf32>
      %get3A_360 = arith.index_cast %add3A_316 : i32 to index
      %get3A_361 = arith.constant 112 : index
      %get3A_362 = tpu.vector_load %arg4[%get3A_360, %get3A_361] {strides = array<i32>} : memref<64x256xf32, #tpu.memory_space<vmem>>, vector<16xf32>,
      %mul3A_363 = arith.mulf %get3A_362, %get3A_362 : vector<16xf32>
      %add3A_364 = arith.addf %add3A_344, %mul3A_363 : vector<16xf32>
      %get3A_365 = arith.index_cast %add3A_316 : i32 to index
      %get3A_366 = arith.constant 128 : index
      %get3A_367 = tpu.vector_load %arg4[%get3A_365, %get3A_366] {strides = array<i32>} : memref<64x256xf32, #tpu.memory_space<vmem>>, vector<16xf32>,
      %mul3A_368 = arith.mulf %get3A_367, %get3A_367 : vector<16xf32>
      %add3A_369 = arith.addf %add3A_349, %mul3A_368 : vector<16xf32>
      %get3A_370 = arith.index_cast %add3A_316 : i32 to index
      %get3A_371 = arith.constant 144 : index
      %get3A_372 = tpu.vector_load %arg4[%get3A_370, %get3A_371] {strides = array<i32>} : memref<64x256xf32, #tpu.memory_space<vmem>>, vector<16xf32>,
      %mul3A_373 = arith.mulf %get3A_372, %get3A_372 : vector<16xf32>
      %add3A_374 = arith.addf %add3A_354, %mul3A_373 : vector<16xf32>
      %get3A_375 = arith.index_cast %add3A_316 : i32 to index
      %get3A_376 = arith.constant 160 : index
      %get3A_377 = tpu.vector_load %arg4[%get3A_375, %get3A_376] {strides = array<i32>} : memref<64x256xf32, #tpu.memory_space<vmem>>, vector<16xf32>,
      %mul3A_378 = arith.mulf %get3A_377, %get3A_377 : vector<16xf32>
      %add3A_379 = arith.addf %add3A_359, %mul3A_378 : vector<16xf32>
      %get3A_380 = arith.index_cast %add3A_316 : i32 to index
      %get3A_381 = arith.constant 176 : index
      %get3A_382 = tpu.vector_load %arg4[%get3A_380, %get3A_381] {strides = array<i32>} : memref<64x256xf32, #tpu.memory_space<vmem>>, vector<16xf32>,
      %mul3A_383 = arith.mulf %get3A_382, %get3A_382 : vector<16xf32>
      %add3A_384 = arith.addf %add3A_364, %mul3A_383 : vector<16xf32>
      %get3A_385 = arith.index_cast %add3A_316 : i32 to index
      %get3A_386 = arith.constant 192 : index
      %get3A_387 = tpu.vector_load %arg4[%get3A_385, %get3A_386] {strides = array<i32>} : memref<64x256xf32, #tpu.memory_space<vmem>>, vector<16xf32>,
      %mul3A_388 = arith.mulf %get3A_387, %get3A_387 : vector<16xf32>
      %add3A_389 = arith.addf %add3A_369, %mul3A_388 : vector<16xf32>
      %get3A_390 = arith.index_cast %add3A_316 : i32 to index
      %get3A_391 = arith.constant 208 : index
      %get3A_392 = tpu.vector_load %arg4[%get3A_390, %get3A_391] {strides = array<i32>} : memref<64x256xf32, #tpu.memory_space<vmem>>, vector<16xf32>,
      %mul3A_393 = arith.mulf %get3A_392, %get3A_392 : vector<16xf32>
      %add3A_394 = arith.addf %add3A_374, %mul3A_393 : vector<16xf32>
      %get3A_395 = arith.index_cast %add3A_316 : i32 to index
      %get3A_396 = arith.constant 224 : index
      %get3A_397 = tpu.vector_load %arg4[%get3A_395, %get3A_396] {strides = array<i32>} : memref<64x256xf32, #tpu.memory_space<vmem>>, vector<16xf32>,
      %mul3A_398 = arith.mulf %get3A_397, %get3A_397 : vector<16xf32>
      %add3A_399 = arith.addf %add3A_379, %mul3A_398 : vector<16xf32>
      %get3A_400 = arith.index_cast %add3A_316 : i32 to index
      %get3A_401 = arith.constant 240 : index
      %get3A_402 = tpu.vector_load %arg4[%get3A_400, %get3A_401] {strides = array<i32>} : memref<64x256xf32, #tpu.memory_space<vmem>>, vector<16xf32>,
      %mul3A_403 = arith.mulf %get3A_402, %get3A_402 : vector<16xf32>
      %add3A_404 = arith.addf %add3A_384, %mul3A_403 : vector<16xf32>
      %add3A_405 = arith.addf %add3A_389, %add3A_394 : vector<16xf32>
      %add3A_406 = arith.addf %add3A_399, %add3A_404 : vector<16xf32>
      %add3A_407 = arith.addf %add3A_405, %add3A_406 : vector<16xf32>
      %broadcast_in_dim3A_408 = vector.shape_cast %xor3A_4 : vector<16xi32> to vector<16x1xi32>
      %gather3A_409 = vector.shape_cast %broadcast_in_dim3A_408 : vector<16x1xi32> to vector<16xi32>
      %gather3A_410 = tpu.dynamic_gather %add3A_407[%gather3A_409] in [0] : vector<16xf32>, vector<16xi32> -> vector<16xf32>
      %add3A_411 = arith.addf %add3A_407, %gather3A_410 : vector<16xf32>
      %broadcast_in_dim3A_412 = vector.shape_cast %xor3A_7 : vector<16xi32> to vector<16x1xi32>
      %gather3A_413 = vector.shape_cast %broadcast_in_dim3A_412 : vector<16x1xi32> to vector<16xi32>
      %gather3A_414 = tpu.dynamic_gather %add3A_411[%gather3A_413] in [0] : vector<16xf32>, vector<16xi32> -> vector<16xf32>
      %add3A_415 = arith.addf %add3A_411, %gather3A_414 : vector<16xf32>
      %broadcast_in_dim3A_416 = vector.shape_cast %xor3A_10 : vector<16xi32> to vector<16x1xi32>
      %gather3A_417 = vector.shape_cast %broadcast_in_dim3A_416 : vector<16x1xi32> to vector<16xi32>
      %gather3A_418 = tpu.dynamic_gather %add3A_415[%gather3A_417] in [0] : vector<16xf32>, vector<16xi32> -> vector<16xf32>
      %add3A_419 = arith.addf %add3A_415, %gather3A_418 : vector<16xf32>
      %broadcast_in_dim3A_420 = vector.shape_cast %xor3A_13 : vector<16xi32> to vector<16x1xi32>
      %gather3A_421 = vector.shape_cast %broadcast_in_dim3A_420 : vector<16x1xi32> to vector<16xi32>
      %gather3A_422 = tpu.dynamic_gather %add3A_419[%gather3A_421] in [0] : vector<16xf32>, vector<16xi32> -> vector<16xf32>
      %add3A_423 = arith.addf %add3A_419, %gather3A_422 : vector<16xf32>
      %bitcast3A_424 = vector.bitcast %add3A_423 : vector<16xf32> to vector<16xi32>
      %shift_right_logical3A_425 = arith.constant 1 : i32
      %shift_right_logical3A_426 = vector.broadcast %shift_right_logical3A_425 : i32 to vector<16xi32>
      %shift_right_logical3A_427 = arith.shrui %bitcast3A_424, %shift_right_logical3A_426 : vector<16xi32>
      %sub3A_428 = arith.constant 1597463007 : i32
      %sub3A_429 = vector.broadcast %sub3A_428 : i32 to vector<16xi32>
      %sub3A_430 = arith.subi %sub3A_429, %shift_right_logical3A_427 : vector<16xi32>
      %bitcast3A_431 = vector.bitcast %sub3A_430 : vector<16xi32> to vector<16xf32>
      %mul3A_432 = arith.constant 5.000000e-01 : f32
      %mul3A_433 = vector.broadcast %mul3A_432 : f32 to vector<16xf32>
      %mul3A_434 = arith.mulf %add3A_423, %mul3A_433 : vector<16xf32>
      %mul3A_435 = arith.mulf %mul3A_434, %bitcast3A_431 : vector<16xf32>
      %mul3A_436 = arith.mulf %mul3A_435, %bitcast3A_431 : vector<16xf32>
      %sub3A_437 = arith.constant 1.500000e+00 : f32
      %sub3A_438 = vector.broadcast %sub3A_437 : f32 to vector<16xf32>
      %sub3A_439 = arith.subf %sub3A_438, %mul3A_436 : vector<16xf32>
      %mul3A_440 = arith.mulf %bitcast3A_431, %sub3A_439 : vector<16xf32>
      %mul3A_441 = arith.mulf %mul3A_434, %mul3A_440 : vector<16xf32>
      %mul3A_442 = arith.mulf %mul3A_441, %mul3A_440 : vector<16xf32>
      %sub3A_443 = arith.constant 1.500000e+00 : f32
      %sub3A_444 = vector.broadcast %sub3A_443 : f32 to vector<16xf32>
      %sub3A_445 = arith.subf %sub3A_444, %mul3A_442 : vector<16xf32>
      %mul3A_446 = arith.mulf %mul3A_440, %sub3A_445 : vector<16xf32>
      %mul3A_447 = arith.mulf %mul3A_434, %mul3A_446 : vector<16xf32>
      %mul3A_448 = arith.mulf %mul3A_447, %mul3A_446 : vector<16xf32>
      %sub3A_449 = arith.constant 1.500000e+00 : f32
      %sub3A_450 = vector.broadcast %sub3A_449 : f32 to vector<16xf32>
      %sub3A_451 = arith.subf %sub3A_450, %mul3A_448 : vector<16xf32>
      %mul3A_452 = arith.mulf %mul3A_446, %sub3A_451 : vector<16xf32>
      %min3A_453 = arith.constant 9.99999995E+11 : f32
      %min3A_454 = vector.broadcast %min3A_453 : f32 to vector<16xf32>
      %min3A_455 = arith.minimumf %mul3A_452, %min3A_454 : vector<16xf32>
      %mul3A_456 = arith.mulf %get3A_327, %min3A_455 : vector<16xf32>
      %swap3A_457 = arith.index_cast %add3A_316 : i32 to index
      %swap3A_458 = arith.constant 0 : index
      %swap3A_459 = tpu.vector_load %arg4[%swap3A_457, %swap3A_458] {strides = array<i32>} : memref<64x256xf32, #tpu.memory_space<vmem>>, vector<16xf32>,
      tpu.vector_store %arg4[%swap3A_457, %swap3A_458], %mul3A_456 {strides = array<i32>} : memref<64x256xf32, #tpu.memory_space<vmem>>, vector<16xf32>,
      %mul3A_460 = arith.mulf %get3A_332, %min3A_455 : vector<16xf32>
      %swap3A_461 = arith.index_cast %add3A_316 : i32 to index
      %swap3A_462 = arith.constant 16 : index
      %swap3A_463 = tpu.vector_load %arg4[%swap3A_461, %swap3A_462] {strides = array<i32>} : memref<64x256xf32, #tpu.memory_space<vmem>>, vector<16xf32>,
      tpu.vector_store %arg4[%swap3A_461, %swap3A_462], %mul3A_460 {strides = array<i32>} : memref<64x256xf32, #tpu.memory_space<vmem>>, vector<16xf32>,
      %mul3A_464 = arith.mulf %get3A_337, %min3A_455 : vector<16xf32>
      %swap3A_465 = arith.index_cast %add3A_316 : i32 to index
      %swap3A_466 = arith.constant 32 : index
      %swap3A_467 = tpu.vector_load %arg4[%swap3A_465, %swap3A_466] {strides = array<i32>} : memref<64x256xf32, #tpu.memory_space<vmem>>, vector<16xf32>,
      tpu.vector_store %arg4[%swap3A_465, %swap3A_466], %mul3A_464 {strides = array<i32>} : memref<64x256xf32, #tpu.memory_space<vmem>>, vector<16xf32>,
      %mul3A_468 = arith.mulf %get3A_342, %min3A_455 : vector<16xf32>
      %swap3A_469 = arith.index_cast %add3A_316 : i32 to index
      %swap3A_470 = arith.constant 48 : index
      %swap3A_471 = tpu.vector_load %arg4[%swap3A_469, %swap3A_470] {strides = array<i32>} : memref<64x256xf32, #tpu.memory_space<vmem>>, vector<16xf32>,
      tpu.vector_store %arg4[%swap3A_469, %swap3A_470], %mul3A_468 {strides = array<i32>} : memref<64x256xf32, #tpu.memory_space<vmem>>, vector<16xf32>,
      %mul3A_472 = arith.mulf %get3A_347, %min3A_455 : vector<16xf32>
      %swap3A_473 = arith.index_cast %add3A_316 : i32 to index
      %swap3A_474 = arith.constant 64 : index
      %swap3A_475 = tpu.vector_load %arg4[%swap3A_473, %swap3A_474] {strides = array<i32>} : memref<64x256xf32, #tpu.memory_space<vmem>>, vector<16xf32>,
      tpu.vector_store %arg4[%swap3A_473, %swap3A_474], %mul3A_472 {strides = array<i32>} : memref<64x256xf32, #tpu.memory_space<vmem>>, vector<16xf32>,
      %mul3A_476 = arith.mulf %get3A_352, %min3A_455 : vector<16xf32>
      %swap3A_477 = arith.index_cast %add3A_316 : i32 to index
      %swap3A_478 = arith.constant 80 : index
      %swap3A_479 = tpu.vector_load %arg4[%swap3A_477, %swap3A_478] {strides = array<i32>} : memref<64x256xf32, #tpu.memory_space<vmem>>, vector<16xf32>,
      tpu.vector_store %arg4[%swap3A_477, %swap3A_478], %mul3A_476 {strides = array<i32>} : memref<64x256xf32, #tpu.memory_space<vmem>>, vector<16xf32>,
      %mul3A_480 = arith.mulf %get3A_357, %min3A_455 : vector<16xf32>
      %swap3A_481 = arith.index_cast %add3A_316 : i32 to index
      %swap3A_482 = arith.constant 96 : index
      %swap3A_483 = tpu.vector_load %arg4[%swap3A_481, %swap3A_482] {strides = array<i32>} : memref<64x256xf32, #tpu.memory_space<vmem>>, vector<16xf32>,
      tpu.vector_store %arg4[%swap3A_481, %swap3A_482], %mul3A_480 {strides = array<i32>} : memref<64x256xf32, #tpu.memory_space<vmem>>, vector<16xf32>,
      %mul3A_484 = arith.mulf %get3A_362, %min3A_455 : vector<16xf32>
      %swap3A_485 = arith.index_cast %add3A_316 : i32 to index
      %swap3A_486 = arith.constant 112 : index
      %swap3A_487 = tpu.vector_load %arg4[%swap3A_485, %swap3A_486] {strides = array<i32>} : memref<64x256xf32, #tpu.memory_space<vmem>>, vector<16xf32>,
      tpu.vector_store %arg4[%swap3A_485, %swap3A_486], %mul3A_484 {strides = array<i32>} : memref<64x256xf32, #tpu.memory_space<vmem>>, vector<16xf32>,
      %mul3A_488 = arith.mulf %get3A_367, %min3A_455 : vector<16xf32>
      %swap3A_489 = arith.index_cast %add3A_316 : i32 to index
      %swap3A_490 = arith.constant 128 : index
      %swap3A_491 = tpu.vector_load %arg4[%swap3A_489, %swap3A_490] {strides = array<i32>} : memref<64x256xf32, #tpu.memory_space<vmem>>, vector<16xf32>,
      tpu.vector_store %arg4[%swap3A_489, %swap3A_490], %mul3A_488 {strides = array<i32>} : memref<64x256xf32, #tpu.memory_space<vmem>>, vector<16xf32>,
      %mul3A_492 = arith.mulf %get3A_372, %min3A_455 : vector<16xf32>
      %swap3A_493 = arith.index_cast %add3A_316 : i32 to index
      %swap3A_494 = arith.constant 144 : index
      %swap3A_495 = tpu.vector_load %arg4[%swap3A_493, %swap3A_494] {strides = array<i32>} : memref<64x256xf32, #tpu.memory_space<vmem>>, vector<16xf32>,
      tpu.vector_store %arg4[%swap3A_493, %swap3A_494], %mul3A_492 {strides = array<i32>} : memref<64x256xf32, #tpu.memory_space<vmem>>, vector<16xf32>,
      %mul3A_496 = arith.mulf %get3A_377, %min3A_455 : vector<16xf32>
      %swap3A_497 = arith.index_cast %add3A_316 : i32 to index
      %swap3A_498 = arith.constant 160 : index
      %swap3A_499 = tpu.vector_load %arg4[%swap3A_497, %swap3A_498] {strides = array<i32>} : memref<64x256xf32, #tpu.memory_space<vmem>>, vector<16xf32>,
      tpu.vector_store %arg4[%swap3A_497, %swap3A_498], %mul3A_496 {strides = array<i32>} : memref<64x256xf32, #tpu.memory_space<vmem>>, vector<16xf32>,
      %mul3A_500 = arith.mulf %get3A_382, %min3A_455 : vector<16xf32>
      %swap3A_501 = arith.index_cast %add3A_316 : i32 to index
      %swap3A_502 = arith.constant 176 : index
      %swap3A_503 = tpu.vector_load %arg4[%swap3A_501, %swap3A_502] {strides = array<i32>} : memref<64x256xf32, #tpu.memory_space<vmem>>, vector<16xf32>,
      tpu.vector_store %arg4[%swap3A_501, %swap3A_502], %mul3A_500 {strides = array<i32>} : memref<64x256xf32, #tpu.memory_space<vmem>>, vector<16xf32>,
      %mul3A_504 = arith.mulf %get3A_387, %min3A_455 : vector<16xf32>
      %swap3A_505 = arith.index_cast %add3A_316 : i32 to index
      %swap3A_506 = arith.constant 192 : index
      %swap3A_507 = tpu.vector_load %arg4[%swap3A_505, %swap3A_506] {strides = array<i32>} : memref<64x256xf32, #tpu.memory_space<vmem>>, vector<16xf32>,
      tpu.vector_store %arg4[%swap3A_505, %swap3A_506], %mul3A_504 {strides = array<i32>} : memref<64x256xf32, #tpu.memory_space<vmem>>, vector<16xf32>,
      %mul3A_508 = arith.mulf %get3A_392, %min3A_455 : vector<16xf32>
      %swap3A_509 = arith.index_cast %add3A_316 : i32 to index
      %swap3A_510 = arith.constant 208 : index
      %swap3A_511 = tpu.vector_load %arg4[%swap3A_509, %swap3A_510] {strides = array<i32>} : memref<64x256xf32, #tpu.memory_space<vmem>>, vector<16xf32>,
      tpu.vector_store %arg4[%swap3A_509, %swap3A_510], %mul3A_508 {strides = array<i32>} : memref<64x256xf32, #tpu.memory_space<vmem>>, vector<16xf32>,
      %mul3A_512 = arith.mulf %get3A_397, %min3A_455 : vector<16xf32>
      %swap3A_513 = arith.index_cast %add3A_316 : i32 to index
      %swap3A_514 = arith.constant 224 : index
      %swap3A_515 = tpu.vector_load %arg4[%swap3A_513, %swap3A_514] {strides = array<i32>} : memref<64x256xf32, #tpu.memory_space<vmem>>, vector<16xf32>,
      tpu.vector_store %arg4[%swap3A_513, %swap3A_514], %mul3A_512 {strides = array<i32>} : memref<64x256xf32, #tpu.memory_space<vmem>>, vector<16xf32>,
      %mul3A_516 = arith.mulf %get3A_402, %min3A_455 : vector<16xf32>
      %swap3A_517 = arith.index_cast %add3A_316 : i32 to index
      %swap3A_518 = arith.constant 240 : index
      %swap3A_519 = tpu.vector_load %arg4[%swap3A_517, %swap3A_518] {strides = array<i32>} : memref<64x256xf32, #tpu.memory_space<vmem>>, vector<16xf32>,
      tpu.vector_store %arg4[%swap3A_517, %swap3A_518], %mul3A_516 {strides = array<i32>} : memref<64x256xf32, #tpu.memory_space<vmem>>, vector<16xf32>,
    }
    %scan3A_32 = arith.constant 32 : i32
    %add3A_33 = arith.constant 0 : i32
    %add3A_34 = arith.addi %mul3A_2, %add3A_33 : i32
    %dma_start3A_35 = arith.constant 0 : i32
    %dma_start3A_36 = tpu.memref_slice %arg3[%add3A_34, %dma_start3A_35] : memref<8192x256xf32, #tpu.memory_space<hbm>> -> memref<64x256xf32, #tpu.memory_space<hbm>>
    %dma_start3A_37 = arith.constant 0 : i32
    %dma_start3A_38 = tpu.memref_slice %arg3[%add3A_34, %dma_start3A_37] : memref<8192x256xf32, #tpu.memory_space<hbm>> -> memref<64x256xf32, #tpu.memory_space<hbm>>
    tpu.enqueue_dma source(%arg4 : memref<64x256xf32, #tpu.memory_space<vmem>>) target(%dma_start3A_38 : memref<64x256xf32, #tpu.memory_space<hbm>>) target_semaphore(%arg8 : memref<!tpu.dma_semaphore, #tpu.memory_space<semaphore_mem>>)
    %dma_wait3A_39 = arith.constant 0 : i32
    %dma_wait3A_40 = tpu.memref_slice %arg2[%add3A_23, %dma_wait3A_39] : memref<8192x256xf32, #tpu.memory_space<hbm>> -> memref<64x256xf32, #tpu.memory_space<hbm>>
    %dma_wait3A_41 = arith.constant 0 : i32
    %dma_wait3A_42 = tpu.memref_slice %arg2[%add3A_23, %dma_wait3A_41] : memref<8192x256xf32, #tpu.memory_space<hbm>> -> memref<64x256xf32, #tpu.memory_space<hbm>>
    tpu.wait_dma2 semaphore(%arg7 : memref<!tpu.dma_semaphore, #tpu.memory_space<semaphore_mem>>) src(%dma_wait3A_42 : memref<64x256xf32, #tpu.memory_space<hbm>>) dst(%arg5 : memref<64x256xf32, #tpu.memory_space<vmem>>)
    %dma_wait3A_43 = arith.constant 0 : i32
    %dma_wait3A_44 = tpu.memref_slice %arg3[%add3A_34, %dma_wait3A_43] : memref<8192x256xf32, #tpu.memory_space<hbm>> -> memref<64x256xf32, #tpu.memory_space<hbm>>
    %dma_wait3A_45 = arith.constant 0 : i32
    %dma_wait3A_46 = tpu.memref_slice %arg3[%add3A_34, %dma_wait3A_45] : memref<8192x256xf32, #tpu.memory_space<hbm>> -> memref<64x256xf32, #tpu.memory_space<hbm>>
    tpu.wait_dma2 semaphore(%arg8 : memref<!tpu.dma_semaphore, #tpu.memory_space<semaphore_mem>>) src(%arg4 : memref<64x256xf32, #tpu.memory_space<vmem>>) dst(%dma_wait3A_46 : memref<64x256xf32, #tpu.memory_space<hbm>>)
    %add3A_47 = arith.constant 128 : i32
    %add3A_48 = arith.addi %mul3A_2, %add3A_47 : i32
    %dma_start3A_49 = arith.constant 0 : i32
    %dma_start3A_50 = tpu.memref_slice %arg2[%add3A_48, %dma_start3A_49] : memref<8192x256xf32, #tpu.memory_space<hbm>> -> memref<64x256xf32, #tpu.memory_space<hbm>>
    %dma_start3A_51 = arith.constant 0 : i32
    %dma_start3A_52 = tpu.memref_slice %arg2[%add3A_48, %dma_start3A_51] : memref<8192x256xf32, #tpu.memory_space<hbm>> -> memref<64x256xf32, #tpu.memory_space<hbm>>
    tpu.enqueue_dma source(%dma_start3A_52 : memref<64x256xf32, #tpu.memory_space<hbm>>) target(%arg4 : memref<64x256xf32, #tpu.memory_space<vmem>>) target_semaphore(%arg6 : memref<!tpu.dma_semaphore, #tpu.memory_space<semaphore_mem>>)
    %scan3A_53 = arith.constant 0 : i32
    %scan3A_54 = arith.constant 0 : i32
    %scan3A_55 = arith.constant 32 : i32
    %scan3A_56 = arith.addi %scan3A_54, %scan3A_55 : i32
    %scan3A_57 = arith.constant 1 : i32
    scf.for %scan3A_115 = %scan3A_54 to %scan3A_56 step %scan3A_57  : i32 {
      %mul3A_116 = arith.constant 2 : i32
      %mul3A_117 = arith.muli %scan3A_115, %mul3A_116 : i32
      %broadcast_in_dim3A = arith.constant 0.000000e+00 : f32
      %broadcast_in_dim3A_118 = vector.broadcast %broadcast_in_dim3A : f32 to vector<16xf32>
      %broadcast_in_dim3A_119 = arith.constant 0.000000e+00 : f32
      %broadcast_in_dim3A_120 = vector.broadcast %broadcast_in_dim3A_119 : f32 to vector<16xf32>
      %broadcast_in_dim3A_121 = arith.constant 0.000000e+00 : f32
      %broadcast_in_dim3A_122 = vector.broadcast %broadcast_in_dim3A_121 : f32 to vector<16xf32>
      %broadcast_in_dim3A_123 = arith.constant 0.000000e+00 : f32
      %broadcast_in_dim3A_124 = vector.broadcast %broadcast_in_dim3A_123 : f32 to vector<16xf32>
      %get3A = arith.index_cast %mul3A_117 : i32 to index
      %get3A_125 = arith.constant 0 : index
      %get3A_126 = tpu.vector_load %arg5[%get3A, %get3A_125] {strides = array<i32>} : memref<64x256xf32, #tpu.memory_space<vmem>>, vector<16xf32>,
      %mul3A_127 = arith.mulf %get3A_126, %get3A_126 : vector<16xf32>
      %add3A_128 = arith.addf %broadcast_in_dim3A_118, %mul3A_127 : vector<16xf32>
      %get3A_129 = arith.index_cast %mul3A_117 : i32 to index
      %get3A_130 = arith.constant 16 : index
      %get3A_131 = tpu.vector_load %arg5[%get3A_129, %get3A_130] {strides = array<i32>} : memref<64x256xf32, #tpu.memory_space<vmem>>, vector<16xf32>,
      %mul3A_132 = arith.mulf %get3A_131, %get3A_131 : vector<16xf32>
      %add3A_133 = arith.addf %broadcast_in_dim3A_120, %mul3A_132 : vector<16xf32>
      %get3A_134 = arith.index_cast %mul3A_117 : i32 to index
      %get3A_135 = arith.constant 32 : index
      %get3A_136 = tpu.vector_load %arg5[%get3A_134, %get3A_135] {strides = array<i32>} : memref<64x256xf32, #tpu.memory_space<vmem>>, vector<16xf32>,
      %mul3A_137 = arith.mulf %get3A_136, %get3A_136 : vector<16xf32>
      %add3A_138 = arith.addf %broadcast_in_dim3A_122, %mul3A_137 : vector<16xf32>
      %get3A_139 = arith.index_cast %mul3A_117 : i32 to index
      %get3A_140 = arith.constant 48 : index
      %get3A_141 = tpu.vector_load %arg5[%get3A_139, %get3A_140] {strides = array<i32>} : memref<64x256xf32, #tpu.memory_space<vmem>>, vector<16xf32>,
      %mul3A_142 = arith.mulf %get3A_141, %get3A_141 : vector<16xf32>
      %add3A_143 = arith.addf %broadcast_in_dim3A_124, %mul3A_142 : vector<16xf32>
      %get3A_144 = arith.index_cast %mul3A_117 : i32 to index
      %get3A_145 = arith.constant 64 : index
      %get3A_146 = tpu.vector_load %arg5[%get3A_144, %get3A_145] {strides = array<i32>} : memref<64x256xf32, #tpu.memory_space<vmem>>, vector<16xf32>,
      %mul3A_147 = arith.mulf %get3A_146, %get3A_146 : vector<16xf32>
      %add3A_148 = arith.addf %add3A_128, %mul3A_147 : vector<16xf32>
      %get3A_149 = arith.index_cast %mul3A_117 : i32 to index
      %get3A_150 = arith.constant 80 : index
      %get3A_151 = tpu.vector_load %arg5[%get3A_149, %get3A_150] {strides = array<i32>} : memref<64x256xf32, #tpu.memory_space<vmem>>, vector<16xf32>,
      %mul3A_152 = arith.mulf %get3A_151, %get3A_151 : vector<16xf32>
      %add3A_153 = arith.addf %add3A_133, %mul3A_152 : vector<16xf32>
      %get3A_154 = arith.index_cast %mul3A_117 : i32 to index
      %get3A_155 = arith.constant 96 : index
      %get3A_156 = tpu.vector_load %arg5[%get3A_154, %get3A_155] {strides = array<i32>} : memref<64x256xf32, #tpu.memory_space<vmem>>, vector<16xf32>,
      %mul3A_157 = arith.mulf %get3A_156, %get3A_156 : vector<16xf32>
      %add3A_158 = arith.addf %add3A_138, %mul3A_157 : vector<16xf32>
      %get3A_159 = arith.index_cast %mul3A_117 : i32 to index
      %get3A_160 = arith.constant 112 : index
      %get3A_161 = tpu.vector_load %arg5[%get3A_159, %get3A_160] {strides = array<i32>} : memref<64x256xf32, #tpu.memory_space<vmem>>, vector<16xf32>,
      %mul3A_162 = arith.mulf %get3A_161, %get3A_161 : vector<16xf32>
      %add3A_163 = arith.addf %add3A_143, %mul3A_162 : vector<16xf32>
      %get3A_164 = arith.index_cast %mul3A_117 : i32 to index
      %get3A_165 = arith.constant 128 : index
      %get3A_166 = tpu.vector_load %arg5[%get3A_164, %get3A_165] {strides = array<i32>} : memref<64x256xf32, #tpu.memory_space<vmem>>, vector<16xf32>,
      %mul3A_167 = arith.mulf %get3A_166, %get3A_166 : vector<16xf32>
      %add3A_168 = arith.addf %add3A_148, %mul3A_167 : vector<16xf32>
      %get3A_169 = arith.index_cast %mul3A_117 : i32 to index
      %get3A_170 = arith.constant 144 : index
      %get3A_171 = tpu.vector_load %arg5[%get3A_169, %get3A_170] {strides = array<i32>} : memref<64x256xf32, #tpu.memory_space<vmem>>, vector<16xf32>,
      %mul3A_172 = arith.mulf %get3A_171, %get3A_171 : vector<16xf32>
      %add3A_173 = arith.addf %add3A_153, %mul3A_172 : vector<16xf32>
      %get3A_174 = arith.index_cast %mul3A_117 : i32 to index
      %get3A_175 = arith.constant 160 : index
      %get3A_176 = tpu.vector_load %arg5[%get3A_174, %get3A_175] {strides = array<i32>} : memref<64x256xf32, #tpu.memory_space<vmem>>, vector<16xf32>,
      %mul3A_177 = arith.mulf %get3A_176, %get3A_176 : vector<16xf32>
      %add3A_178 = arith.addf %add3A_158, %mul3A_177 : vector<16xf32>
      %get3A_179 = arith.index_cast %mul3A_117 : i32 to index
      %get3A_180 = arith.constant 176 : index
      %get3A_181 = tpu.vector_load %arg5[%get3A_179, %get3A_180] {strides = array<i32>} : memref<64x256xf32, #tpu.memory_space<vmem>>, vector<16xf32>,
      %mul3A_182 = arith.mulf %get3A_181, %get3A_181 : vector<16xf32>
      %add3A_183 = arith.addf %add3A_163, %mul3A_182 : vector<16xf32>
      %get3A_184 = arith.index_cast %mul3A_117 : i32 to index
      %get3A_185 = arith.constant 192 : index
      %get3A_186 = tpu.vector_load %arg5[%get3A_184, %get3A_185] {strides = array<i32>} : memref<64x256xf32, #tpu.memory_space<vmem>>, vector<16xf32>,
      %mul3A_187 = arith.mulf %get3A_186, %get3A_186 : vector<16xf32>
      %add3A_188 = arith.addf %add3A_168, %mul3A_187 : vector<16xf32>
      %get3A_189 = arith.index_cast %mul3A_117 : i32 to index
      %get3A_190 = arith.constant 208 : index
      %get3A_191 = tpu.vector_load %arg5[%get3A_189, %get3A_190] {strides = array<i32>} : memref<64x256xf32, #tpu.memory_space<vmem>>, vector<16xf32>,
      %mul3A_192 = arith.mulf %get3A_191, %get3A_191 : vector<16xf32>
      %add3A_193 = arith.addf %add3A_173, %mul3A_192 : vector<16xf32>
      %get3A_194 = arith.index_cast %mul3A_117 : i32 to index
      %get3A_195 = arith.constant 224 : index
      %get3A_196 = tpu.vector_load %arg5[%get3A_194, %get3A_195] {strides = array<i32>} : memref<64x256xf32, #tpu.memory_space<vmem>>, vector<16xf32>,
      %mul3A_197 = arith.mulf %get3A_196, %get3A_196 : vector<16xf32>
      %add3A_198 = arith.addf %add3A_178, %mul3A_197 : vector<16xf32>
      %get3A_199 = arith.index_cast %mul3A_117 : i32 to index
      %get3A_200 = arith.constant 240 : index
      %get3A_201 = tpu.vector_load %arg5[%get3A_199, %get3A_200] {strides = array<i32>} : memref<64x256xf32, #tpu.memory_space<vmem>>, vector<16xf32>,
      %mul3A_202 = arith.mulf %get3A_201, %get3A_201 : vector<16xf32>
      %add3A_203 = arith.addf %add3A_183, %mul3A_202 : vector<16xf32>
      %add3A_204 = arith.addf %add3A_188, %add3A_193 : vector<16xf32>
      %add3A_205 = arith.addf %add3A_198, %add3A_203 : vector<16xf32>
      %add3A_206 = arith.addf %add3A_204, %add3A_205 : vector<16xf32>
      %broadcast_in_dim3A_207 = vector.shape_cast %xor3A_4 : vector<16xi32> to vector<16x1xi32>
      %gather3A = vector.shape_cast %broadcast_in_dim3A_207 : vector<16x1xi32> to vector<16xi32>
      %gather3A_208 = tpu.dynamic_gather %add3A_206[%gather3A] in [0] : vector<16xf32>, vector<16xi32> -> vector<16xf32>
      %add3A_209 = arith.addf %add3A_206, %gather3A_208 : vector<16xf32>
      %broadcast_in_dim3A_210 = vector.shape_cast %xor3A_7 : vector<16xi32> to vector<16x1xi32>
      %gather3A_211 = vector.shape_cast %broadcast_in_dim3A_210 : vector<16x1xi32> to vector<16xi32>
      %gather3A_212 = tpu.dynamic_gather %add3A_209[%gather3A_211] in [0] : vector<16xf32>, vector<16xi32> -> vector<16xf32>
      %add3A_213 = arith.addf %add3A_209, %gather3A_212 : vector<16xf32>
      %broadcast_in_dim3A_214 = vector.shape_cast %xor3A_10 : vector<16xi32> to vector<16x1xi32>
      %gather3A_215 = vector.shape_cast %broadcast_in_dim3A_214 : vector<16x1xi32> to vector<16xi32>
      %gather3A_216 = tpu.dynamic_gather %add3A_213[%gather3A_215] in [0] : vector<16xf32>, vector<16xi32> -> vector<16xf32>
      %add3A_217 = arith.addf %add3A_213, %gather3A_216 : vector<16xf32>
      %broadcast_in_dim3A_218 = vector.shape_cast %xor3A_13 : vector<16xi32> to vector<16x1xi32>
      %gather3A_219 = vector.shape_cast %broadcast_in_dim3A_218 : vector<16x1xi32> to vector<16xi32>
      %gather3A_220 = tpu.dynamic_gather %add3A_217[%gather3A_219] in [0] : vector<16xf32>, vector<16xi32> -> vector<16xf32>
      %add3A_221 = arith.addf %add3A_217, %gather3A_220 : vector<16xf32>
      %bitcast3A = vector.bitcast %add3A_221 : vector<16xf32> to vector<16xi32>
      %shift_right_logical3A = arith.constant 1 : i32
      %shift_right_logical3A_222 = vector.broadcast %shift_right_logical3A : i32 to vector<16xi32>
      %shift_right_logical3A_223 = arith.shrui %bitcast3A, %shift_right_logical3A_222 : vector<16xi32>
      %sub3A = arith.constant 1597463007 : i32
      %sub3A_224 = vector.broadcast %sub3A : i32 to vector<16xi32>
      %sub3A_225 = arith.subi %sub3A_224, %shift_right_logical3A_223 : vector<16xi32>
      %bitcast3A_226 = vector.bitcast %sub3A_225 : vector<16xi32> to vector<16xf32>
      %mul3A_227 = arith.constant 5.000000e-01 : f32
      %mul3A_228 = vector.broadcast %mul3A_227 : f32 to vector<16xf32>
      %mul3A_229 = arith.mulf %add3A_221, %mul3A_228 : vector<16xf32>
      %mul3A_230 = arith.mulf %mul3A_229, %bitcast3A_226 : vector<16xf32>
      %mul3A_231 = arith.mulf %mul3A_230, %bitcast3A_226 : vector<16xf32>
      %sub3A_232 = arith.constant 1.500000e+00 : f32
      %sub3A_233 = vector.broadcast %sub3A_232 : f32 to vector<16xf32>
      %sub3A_234 = arith.subf %sub3A_233, %mul3A_231 : vector<16xf32>
      %mul3A_235 = arith.mulf %bitcast3A_226, %sub3A_234 : vector<16xf32>
      %mul3A_236 = arith.mulf %mul3A_229, %mul3A_235 : vector<16xf32>
      %mul3A_237 = arith.mulf %mul3A_236, %mul3A_235 : vector<16xf32>
      %sub3A_238 = arith.constant 1.500000e+00 : f32
      %sub3A_239 = vector.broadcast %sub3A_238 : f32 to vector<16xf32>
      %sub3A_240 = arith.subf %sub3A_239, %mul3A_237 : vector<16xf32>
      %mul3A_241 = arith.mulf %mul3A_235, %sub3A_240 : vector<16xf32>
      %mul3A_242 = arith.mulf %mul3A_229, %mul3A_241 : vector<16xf32>
      %mul3A_243 = arith.mulf %mul3A_242, %mul3A_241 : vector<16xf32>
      %sub3A_244 = arith.constant 1.500000e+00 : f32
      %sub3A_245 = vector.broadcast %sub3A_244 : f32 to vector<16xf32>
      %sub3A_246 = arith.subf %sub3A_245, %mul3A_243 : vector<16xf32>
      %mul3A_247 = arith.mulf %mul3A_241, %sub3A_246 : vector<16xf32>
      %min3A = arith.constant 9.99999995E+11 : f32
      %min3A_248 = vector.broadcast %min3A : f32 to vector<16xf32>
      %min3A_249 = arith.minimumf %mul3A_247, %min3A_248 : vector<16xf32>
      %mul3A_250 = arith.mulf %get3A_126, %min3A_249 : vector<16xf32>
      %swap3A = arith.index_cast %mul3A_117 : i32 to index
      %swap3A_251 = arith.constant 0 : index
      %swap3A_252 = tpu.vector_load %arg5[%swap3A, %swap3A_251] {strides = array<i32>} : memref<64x256xf32, #tpu.memory_space<vmem>>, vector<16xf32>,
      tpu.vector_store %arg5[%swap3A, %swap3A_251], %mul3A_250 {strides = array<i32>} : memref<64x256xf32, #tpu.memory_space<vmem>>, vector<16xf32>,
      %mul3A_253 = arith.mulf %get3A_131, %min3A_249 : vector<16xf32>
      %swap3A_254 = arith.index_cast %mul3A_117 : i32 to index
      %swap3A_255 = arith.constant 16 : index
      %swap3A_256 = tpu.vector_load %arg5[%swap3A_254, %swap3A_255] {strides = array<i32>} : memref<64x256xf32, #tpu.memory_space<vmem>>, vector<16xf32>,
      tpu.vector_store %arg5[%swap3A_254, %swap3A_255], %mul3A_253 {strides = array<i32>} : memref<64x256xf32, #tpu.memory_space<vmem>>, vector<16xf32>,
      %mul3A_257 = arith.mulf %get3A_136, %min3A_249 : vector<16xf32>
      %swap3A_258 = arith.index_cast %mul3A_117 : i32 to index
      %swap3A_259 = arith.constant 32 : index
      %swap3A_260 = tpu.vector_load %arg5[%swap3A_258, %swap3A_259] {strides = array<i32>} : memref<64x256xf32, #tpu.memory_space<vmem>>, vector<16xf32>,
      tpu.vector_store %arg5[%swap3A_258, %swap3A_259], %mul3A_257 {strides = array<i32>} : memref<64x256xf32, #tpu.memory_space<vmem>>, vector<16xf32>,
      %mul3A_261 = arith.mulf %get3A_141, %min3A_249 : vector<16xf32>
      %swap3A_262 = arith.index_cast %mul3A_117 : i32 to index
      %swap3A_263 = arith.constant 48 : index
      %swap3A_264 = tpu.vector_load %arg5[%swap3A_262, %swap3A_263] {strides = array<i32>} : memref<64x256xf32, #tpu.memory_space<vmem>>, vector<16xf32>,
      tpu.vector_store %arg5[%swap3A_262, %swap3A_263], %mul3A_261 {strides = array<i32>} : memref<64x256xf32, #tpu.memory_space<vmem>>, vector<16xf32>,
      %mul3A_265 = arith.mulf %get3A_146, %min3A_249 : vector<16xf32>
      %swap3A_266 = arith.index_cast %mul3A_117 : i32 to index
      %swap3A_267 = arith.constant 64 : index
      %swap3A_268 = tpu.vector_load %arg5[%swap3A_266, %swap3A_267] {strides = array<i32>} : memref<64x256xf32, #tpu.memory_space<vmem>>, vector<16xf32>,
      tpu.vector_store %arg5[%swap3A_266, %swap3A_267], %mul3A_265 {strides = array<i32>} : memref<64x256xf32, #tpu.memory_space<vmem>>, vector<16xf32>,
      %mul3A_269 = arith.mulf %get3A_151, %min3A_249 : vector<16xf32>
      %swap3A_270 = arith.index_cast %mul3A_117 : i32 to index
      %swap3A_271 = arith.constant 80 : index
      %swap3A_272 = tpu.vector_load %arg5[%swap3A_270, %swap3A_271] {strides = array<i32>} : memref<64x256xf32, #tpu.memory_space<vmem>>, vector<16xf32>,
      tpu.vector_store %arg5[%swap3A_270, %swap3A_271], %mul3A_269 {strides = array<i32>} : memref<64x256xf32, #tpu.memory_space<vmem>>, vector<16xf32>,
      %mul3A_273 = arith.mulf %get3A_156, %min3A_249 : vector<16xf32>
      %swap3A_274 = arith.index_cast %mul3A_117 : i32 to index
      %swap3A_275 = arith.constant 96 : index
      %swap3A_276 = tpu.vector_load %arg5[%swap3A_274, %swap3A_275] {strides = array<i32>} : memref<64x256xf32, #tpu.memory_space<vmem>>, vector<16xf32>,
      tpu.vector_store %arg5[%swap3A_274, %swap3A_275], %mul3A_273 {strides = array<i32>} : memref<64x256xf32, #tpu.memory_space<vmem>>, vector<16xf32>,
      %mul3A_277 = arith.mulf %get3A_161, %min3A_249 : vector<16xf32>
      %swap3A_278 = arith.index_cast %mul3A_117 : i32 to index
      %swap3A_279 = arith.constant 112 : index
      %swap3A_280 = tpu.vector_load %arg5[%swap3A_278, %swap3A_279] {strides = array<i32>} : memref<64x256xf32, #tpu.memory_space<vmem>>, vector<16xf32>,
      tpu.vector_store %arg5[%swap3A_278, %swap3A_279], %mul3A_277 {strides = array<i32>} : memref<64x256xf32, #tpu.memory_space<vmem>>, vector<16xf32>,
      %mul3A_281 = arith.mulf %get3A_166, %min3A_249 : vector<16xf32>
      %swap3A_282 = arith.index_cast %mul3A_117 : i32 to index
      %swap3A_283 = arith.constant 128 : index
      %swap3A_284 = tpu.vector_load %arg5[%swap3A_282, %swap3A_283] {strides = array<i32>} : memref<64x256xf32, #tpu.memory_space<vmem>>, vector<16xf32>,
      tpu.vector_store %arg5[%swap3A_282, %swap3A_283], %mul3A_281 {strides = array<i32>} : memref<64x256xf32, #tpu.memory_space<vmem>>, vector<16xf32>,
      %mul3A_285 = arith.mulf %get3A_171, %min3A_249 : vector<16xf32>
      %swap3A_286 = arith.index_cast %mul3A_117 : i32 to index
      %swap3A_287 = arith.constant 144 : index
      %swap3A_288 = tpu.vector_load %arg5[%swap3A_286, %swap3A_287] {strides = array<i32>} : memref<64x256xf32, #tpu.memory_space<vmem>>, vector<16xf32>,
      tpu.vector_store %arg5[%swap3A_286, %swap3A_287], %mul3A_285 {strides = array<i32>} : memref<64x256xf32, #tpu.memory_space<vmem>>, vector<16xf32>,
      %mul3A_289 = arith.mulf %get3A_176, %min3A_249 : vector<16xf32>
      %swap3A_290 = arith.index_cast %mul3A_117 : i32 to index
      %swap3A_291 = arith.constant 160 : index
      %swap3A_292 = tpu.vector_load %arg5[%swap3A_290, %swap3A_291] {strides = array<i32>} : memref<64x256xf32, #tpu.memory_space<vmem>>, vector<16xf32>,
      tpu.vector_store %arg5[%swap3A_290, %swap3A_291], %mul3A_289 {strides = array<i32>} : memref<64x256xf32, #tpu.memory_space<vmem>>, vector<16xf32>,
      %mul3A_293 = arith.mulf %get3A_181, %min3A_249 : vector<16xf32>
      %swap3A_294 = arith.index_cast %mul3A_117 : i32 to index
      %swap3A_295 = arith.constant 176 : index
      %swap3A_296 = tpu.vector_load %arg5[%swap3A_294, %swap3A_295] {strides = array<i32>} : memref<64x256xf32, #tpu.memory_space<vmem>>, vector<16xf32>,
      tpu.vector_store %arg5[%swap3A_294, %swap3A_295], %mul3A_293 {strides = array<i32>} : memref<64x256xf32, #tpu.memory_space<vmem>>, vector<16xf32>,
      %mul3A_297 = arith.mulf %get3A_186, %min3A_249 : vector<16xf32>
      %swap3A_298 = arith.index_cast %mul3A_117 : i32 to index
      %swap3A_299 = arith.constant 192 : index
      %swap3A_300 = tpu.vector_load %arg5[%swap3A_298, %swap3A_299] {strides = array<i32>} : memref<64x256xf32, #tpu.memory_space<vmem>>, vector<16xf32>,
      tpu.vector_store %arg5[%swap3A_298, %swap3A_299], %mul3A_297 {strides = array<i32>} : memref<64x256xf32, #tpu.memory_space<vmem>>, vector<16xf32>,
      %mul3A_301 = arith.mulf %get3A_191, %min3A_249 : vector<16xf32>
      %swap3A_302 = arith.index_cast %mul3A_117 : i32 to index
      %swap3A_303 = arith.constant 208 : index
      %swap3A_304 = tpu.vector_load %arg5[%swap3A_302, %swap3A_303] {strides = array<i32>} : memref<64x256xf32, #tpu.memory_space<vmem>>, vector<16xf32>,
      tpu.vector_store %arg5[%swap3A_302, %swap3A_303], %mul3A_301 {strides = array<i32>} : memref<64x256xf32, #tpu.memory_space<vmem>>, vector<16xf32>,
      %mul3A_305 = arith.mulf %get3A_196, %min3A_249 : vector<16xf32>
      %swap3A_306 = arith.index_cast %mul3A_117 : i32 to index
      %swap3A_307 = arith.constant 224 : index
      %swap3A_308 = tpu.vector_load %arg5[%swap3A_306, %swap3A_307] {strides = array<i32>} : memref<64x256xf32, #tpu.memory_space<vmem>>, vector<16xf32>,
      tpu.vector_store %arg5[%swap3A_306, %swap3A_307], %mul3A_305 {strides = array<i32>} : memref<64x256xf32, #tpu.memory_space<vmem>>, vector<16xf32>,
      %mul3A_309 = arith.mulf %get3A_201, %min3A_249 : vector<16xf32>
      %swap3A_310 = arith.index_cast %mul3A_117 : i32 to index
      %swap3A_311 = arith.constant 240 : index
      %swap3A_312 = tpu.vector_load %arg5[%swap3A_310, %swap3A_311] {strides = array<i32>} : memref<64x256xf32, #tpu.memory_space<vmem>>, vector<16xf32>,
      tpu.vector_store %arg5[%swap3A_310, %swap3A_311], %mul3A_309 {strides = array<i32>} : memref<64x256xf32, #tpu.memory_space<vmem>>, vector<16xf32>,
      %mul3A_313 = arith.constant 2 : i32
      %mul3A_314 = arith.muli %scan3A_115, %mul3A_313 : i32
      %add3A_315 = arith.constant 1 : i32
      %add3A_316 = arith.addi %mul3A_314, %add3A_315 : i32
      %broadcast_in_dim3A_317 = arith.constant 0.000000e+00 : f32
      %broadcast_in_dim3A_318 = vector.broadcast %broadcast_in_dim3A_317 : f32 to vector<16xf32>
      %broadcast_in_dim3A_319 = arith.constant 0.000000e+00 : f32
      %broadcast_in_dim3A_320 = vector.broadcast %broadcast_in_dim3A_319 : f32 to vector<16xf32>
      %broadcast_in_dim3A_321 = arith.constant 0.000000e+00 : f32
      %broadcast_in_dim3A_322 = vector.broadcast %broadcast_in_dim3A_321 : f32 to vector<16xf32>
      %broadcast_in_dim3A_323 = arith.constant 0.000000e+00 : f32
      %broadcast_in_dim3A_324 = vector.broadcast %broadcast_in_dim3A_323 : f32 to vector<16xf32>
      %get3A_325 = arith.index_cast %add3A_316 : i32 to index
      %get3A_326 = arith.constant 0 : index
      %get3A_327 = tpu.vector_load %arg5[%get3A_325, %get3A_326] {strides = array<i32>} : memref<64x256xf32, #tpu.memory_space<vmem>>, vector<16xf32>,
      %mul3A_328 = arith.mulf %get3A_327, %get3A_327 : vector<16xf32>
      %add3A_329 = arith.addf %broadcast_in_dim3A_318, %mul3A_328 : vector<16xf32>
      %get3A_330 = arith.index_cast %add3A_316 : i32 to index
      %get3A_331 = arith.constant 16 : index
      %get3A_332 = tpu.vector_load %arg5[%get3A_330, %get3A_331] {strides = array<i32>} : memref<64x256xf32, #tpu.memory_space<vmem>>, vector<16xf32>,
      %mul3A_333 = arith.mulf %get3A_332, %get3A_332 : vector<16xf32>
      %add3A_334 = arith.addf %broadcast_in_dim3A_320, %mul3A_333 : vector<16xf32>
      %get3A_335 = arith.index_cast %add3A_316 : i32 to index
      %get3A_336 = arith.constant 32 : index
      %get3A_337 = tpu.vector_load %arg5[%get3A_335, %get3A_336] {strides = array<i32>} : memref<64x256xf32, #tpu.memory_space<vmem>>, vector<16xf32>,
      %mul3A_338 = arith.mulf %get3A_337, %get3A_337 : vector<16xf32>
      %add3A_339 = arith.addf %broadcast_in_dim3A_322, %mul3A_338 : vector<16xf32>
      %get3A_340 = arith.index_cast %add3A_316 : i32 to index
      %get3A_341 = arith.constant 48 : index
      %get3A_342 = tpu.vector_load %arg5[%get3A_340, %get3A_341] {strides = array<i32>} : memref<64x256xf32, #tpu.memory_space<vmem>>, vector<16xf32>,
      %mul3A_343 = arith.mulf %get3A_342, %get3A_342 : vector<16xf32>
      %add3A_344 = arith.addf %broadcast_in_dim3A_324, %mul3A_343 : vector<16xf32>
      %get3A_345 = arith.index_cast %add3A_316 : i32 to index
      %get3A_346 = arith.constant 64 : index
      %get3A_347 = tpu.vector_load %arg5[%get3A_345, %get3A_346] {strides = array<i32>} : memref<64x256xf32, #tpu.memory_space<vmem>>, vector<16xf32>,
      %mul3A_348 = arith.mulf %get3A_347, %get3A_347 : vector<16xf32>
      %add3A_349 = arith.addf %add3A_329, %mul3A_348 : vector<16xf32>
      %get3A_350 = arith.index_cast %add3A_316 : i32 to index
      %get3A_351 = arith.constant 80 : index
      %get3A_352 = tpu.vector_load %arg5[%get3A_350, %get3A_351] {strides = array<i32>} : memref<64x256xf32, #tpu.memory_space<vmem>>, vector<16xf32>,
      %mul3A_353 = arith.mulf %get3A_352, %get3A_352 : vector<16xf32>
      %add3A_354 = arith.addf %add3A_334, %mul3A_353 : vector<16xf32>
      %get3A_355 = arith.index_cast %add3A_316 : i32 to index
      %get3A_356 = arith.constant 96 : index
      %get3A_357 = tpu.vector_load %arg5[%get3A_355, %get3A_356] {strides = array<i32>} : memref<64x256xf32, #tpu.memory_space<vmem>>, vector<16xf32>,
      %mul3A_358 = arith.mulf %get3A_357, %get3A_357 : vector<16xf32>
      %add3A_359 = arith.addf %add3A_339, %mul3A_358 : vector<16xf32>
      %get3A_360 = arith.index_cast %add3A_316 : i32 to index
      %get3A_361 = arith.constant 112 : index
      %get3A_362 = tpu.vector_load %arg5[%get3A_360, %get3A_361] {strides = array<i32>} : memref<64x256xf32, #tpu.memory_space<vmem>>, vector<16xf32>,
      %mul3A_363 = arith.mulf %get3A_362, %get3A_362 : vector<16xf32>
      %add3A_364 = arith.addf %add3A_344, %mul3A_363 : vector<16xf32>
      %get3A_365 = arith.index_cast %add3A_316 : i32 to index
      %get3A_366 = arith.constant 128 : index
      %get3A_367 = tpu.vector_load %arg5[%get3A_365, %get3A_366] {strides = array<i32>} : memref<64x256xf32, #tpu.memory_space<vmem>>, vector<16xf32>,
      %mul3A_368 = arith.mulf %get3A_367, %get3A_367 : vector<16xf32>
      %add3A_369 = arith.addf %add3A_349, %mul3A_368 : vector<16xf32>
      %get3A_370 = arith.index_cast %add3A_316 : i32 to index
      %get3A_371 = arith.constant 144 : index
      %get3A_372 = tpu.vector_load %arg5[%get3A_370, %get3A_371] {strides = array<i32>} : memref<64x256xf32, #tpu.memory_space<vmem>>, vector<16xf32>,
      %mul3A_373 = arith.mulf %get3A_372, %get3A_372 : vector<16xf32>
      %add3A_374 = arith.addf %add3A_354, %mul3A_373 : vector<16xf32>
      %get3A_375 = arith.index_cast %add3A_316 : i32 to index
      %get3A_376 = arith.constant 160 : index
      %get3A_377 = tpu.vector_load %arg5[%get3A_375, %get3A_376] {strides = array<i32>} : memref<64x256xf32, #tpu.memory_space<vmem>>, vector<16xf32>,
      %mul3A_378 = arith.mulf %get3A_377, %get3A_377 : vector<16xf32>
      %add3A_379 = arith.addf %add3A_359, %mul3A_378 : vector<16xf32>
      %get3A_380 = arith.index_cast %add3A_316 : i32 to index
      %get3A_381 = arith.constant 176 : index
      %get3A_382 = tpu.vector_load %arg5[%get3A_380, %get3A_381] {strides = array<i32>} : memref<64x256xf32, #tpu.memory_space<vmem>>, vector<16xf32>,
      %mul3A_383 = arith.mulf %get3A_382, %get3A_382 : vector<16xf32>
      %add3A_384 = arith.addf %add3A_364, %mul3A_383 : vector<16xf32>
      %get3A_385 = arith.index_cast %add3A_316 : i32 to index
      %get3A_386 = arith.constant 192 : index
      %get3A_387 = tpu.vector_load %arg5[%get3A_385, %get3A_386] {strides = array<i32>} : memref<64x256xf32, #tpu.memory_space<vmem>>, vector<16xf32>,
      %mul3A_388 = arith.mulf %get3A_387, %get3A_387 : vector<16xf32>
      %add3A_389 = arith.addf %add3A_369, %mul3A_388 : vector<16xf32>
      %get3A_390 = arith.index_cast %add3A_316 : i32 to index
      %get3A_391 = arith.constant 208 : index
      %get3A_392 = tpu.vector_load %arg5[%get3A_390, %get3A_391] {strides = array<i32>} : memref<64x256xf32, #tpu.memory_space<vmem>>, vector<16xf32>,
      %mul3A_393 = arith.mulf %get3A_392, %get3A_392 : vector<16xf32>
      %add3A_394 = arith.addf %add3A_374, %mul3A_393 : vector<16xf32>
      %get3A_395 = arith.index_cast %add3A_316 : i32 to index
      %get3A_396 = arith.constant 224 : index
      %get3A_397 = tpu.vector_load %arg5[%get3A_395, %get3A_396] {strides = array<i32>} : memref<64x256xf32, #tpu.memory_space<vmem>>, vector<16xf32>,
      %mul3A_398 = arith.mulf %get3A_397, %get3A_397 : vector<16xf32>
      %add3A_399 = arith.addf %add3A_379, %mul3A_398 : vector<16xf32>
      %get3A_400 = arith.index_cast %add3A_316 : i32 to index
      %get3A_401 = arith.constant 240 : index
      %get3A_402 = tpu.vector_load %arg5[%get3A_400, %get3A_401] {strides = array<i32>} : memref<64x256xf32, #tpu.memory_space<vmem>>, vector<16xf32>,
      %mul3A_403 = arith.mulf %get3A_402, %get3A_402 : vector<16xf32>
      %add3A_404 = arith.addf %add3A_384, %mul3A_403 : vector<16xf32>
      %add3A_405 = arith.addf %add3A_389, %add3A_394 : vector<16xf32>
      %add3A_406 = arith.addf %add3A_399, %add3A_404 : vector<16xf32>
      %add3A_407 = arith.addf %add3A_405, %add3A_406 : vector<16xf32>
      %broadcast_in_dim3A_408 = vector.shape_cast %xor3A_4 : vector<16xi32> to vector<16x1xi32>
      %gather3A_409 = vector.shape_cast %broadcast_in_dim3A_408 : vector<16x1xi32> to vector<16xi32>
      %gather3A_410 = tpu.dynamic_gather %add3A_407[%gather3A_409] in [0] : vector<16xf32>, vector<16xi32> -> vector<16xf32>
      %add3A_411 = arith.addf %add3A_407, %gather3A_410 : vector<16xf32>
      %broadcast_in_dim3A_412 = vector.shape_cast %xor3A_7 : vector<16xi32> to vector<16x1xi32>
      %gather3A_413 = vector.shape_cast %broadcast_in_dim3A_412 : vector<16x1xi32> to vector<16xi32>
      %gather3A_414 = tpu.dynamic_gather %add3A_411[%gather3A_413] in [0] : vector<16xf32>, vector<16xi32> -> vector<16xf32>
      %add3A_415 = arith.addf %add3A_411, %gather3A_414 : vector<16xf32>
      %broadcast_in_dim3A_416 = vector.shape_cast %xor3A_10 : vector<16xi32> to vector<16x1xi32>
      %gather3A_417 = vector.shape_cast %broadcast_in_dim3A_416 : vector<16x1xi32> to vector<16xi32>
      %gather3A_418 = tpu.dynamic_gather %add3A_415[%gather3A_417] in [0] : vector<16xf32>, vector<16xi32> -> vector<16xf32>
      %add3A_419 = arith.addf %add3A_415, %gather3A_418 : vector<16xf32>
      %broadcast_in_dim3A_420 = vector.shape_cast %xor3A_13 : vector<16xi32> to vector<16x1xi32>
      %gather3A_421 = vector.shape_cast %broadcast_in_dim3A_420 : vector<16x1xi32> to vector<16xi32>
      %gather3A_422 = tpu.dynamic_gather %add3A_419[%gather3A_421] in [0] : vector<16xf32>, vector<16xi32> -> vector<16xf32>
      %add3A_423 = arith.addf %add3A_419, %gather3A_422 : vector<16xf32>
      %bitcast3A_424 = vector.bitcast %add3A_423 : vector<16xf32> to vector<16xi32>
      %shift_right_logical3A_425 = arith.constant 1 : i32
      %shift_right_logical3A_426 = vector.broadcast %shift_right_logical3A_425 : i32 to vector<16xi32>
      %shift_right_logical3A_427 = arith.shrui %bitcast3A_424, %shift_right_logical3A_426 : vector<16xi32>
      %sub3A_428 = arith.constant 1597463007 : i32
      %sub3A_429 = vector.broadcast %sub3A_428 : i32 to vector<16xi32>
      %sub3A_430 = arith.subi %sub3A_429, %shift_right_logical3A_427 : vector<16xi32>
      %bitcast3A_431 = vector.bitcast %sub3A_430 : vector<16xi32> to vector<16xf32>
      %mul3A_432 = arith.constant 5.000000e-01 : f32
      %mul3A_433 = vector.broadcast %mul3A_432 : f32 to vector<16xf32>
      %mul3A_434 = arith.mulf %add3A_423, %mul3A_433 : vector<16xf32>
      %mul3A_435 = arith.mulf %mul3A_434, %bitcast3A_431 : vector<16xf32>
      %mul3A_436 = arith.mulf %mul3A_435, %bitcast3A_431 : vector<16xf32>
      %sub3A_437 = arith.constant 1.500000e+00 : f32
      %sub3A_438 = vector.broadcast %sub3A_437 : f32 to vector<16xf32>
      %sub3A_439 = arith.subf %sub3A_438, %mul3A_436 : vector<16xf32>
      %mul3A_440 = arith.mulf %bitcast3A_431, %sub3A_439 : vector<16xf32>
      %mul3A_441 = arith.mulf %mul3A_434, %mul3A_440 : vector<16xf32>
      %mul3A_442 = arith.mulf %mul3A_441, %mul3A_440 : vector<16xf32>
      %sub3A_443 = arith.constant 1.500000e+00 : f32
      %sub3A_444 = vector.broadcast %sub3A_443 : f32 to vector<16xf32>
      %sub3A_445 = arith.subf %sub3A_444, %mul3A_442 : vector<16xf32>
      %mul3A_446 = arith.mulf %mul3A_440, %sub3A_445 : vector<16xf32>
      %mul3A_447 = arith.mulf %mul3A_434, %mul3A_446 : vector<16xf32>
      %mul3A_448 = arith.mulf %mul3A_447, %mul3A_446 : vector<16xf32>
      %sub3A_449 = arith.constant 1.500000e+00 : f32
      %sub3A_450 = vector.broadcast %sub3A_449 : f32 to vector<16xf32>
      %sub3A_451 = arith.subf %sub3A_450, %mul3A_448 : vector<16xf32>
      %mul3A_452 = arith.mulf %mul3A_446, %sub3A_451 : vector<16xf32>
      %min3A_453 = arith.constant 9.99999995E+11 : f32
      %min3A_454 = vector.broadcast %min3A_453 : f32 to vector<16xf32>
      %min3A_455 = arith.minimumf %mul3A_452, %min3A_454 : vector<16xf32>
      %mul3A_456 = arith.mulf %get3A_327, %min3A_455 : vector<16xf32>
      %swap3A_457 = arith.index_cast %add3A_316 : i32 to index
      %swap3A_458 = arith.constant 0 : index
      %swap3A_459 = tpu.vector_load %arg5[%swap3A_457, %swap3A_458] {strides = array<i32>} : memref<64x256xf32, #tpu.memory_space<vmem>>, vector<16xf32>,
      tpu.vector_store %arg5[%swap3A_457, %swap3A_458], %mul3A_456 {strides = array<i32>} : memref<64x256xf32, #tpu.memory_space<vmem>>, vector<16xf32>,
      %mul3A_460 = arith.mulf %get3A_332, %min3A_455 : vector<16xf32>
      %swap3A_461 = arith.index_cast %add3A_316 : i32 to index
      %swap3A_462 = arith.constant 16 : index
      %swap3A_463 = tpu.vector_load %arg5[%swap3A_461, %swap3A_462] {strides = array<i32>} : memref<64x256xf32, #tpu.memory_space<vmem>>, vector<16xf32>,
      tpu.vector_store %arg5[%swap3A_461, %swap3A_462], %mul3A_460 {strides = array<i32>} : memref<64x256xf32, #tpu.memory_space<vmem>>, vector<16xf32>,
      %mul3A_464 = arith.mulf %get3A_337, %min3A_455 : vector<16xf32>
      %swap3A_465 = arith.index_cast %add3A_316 : i32 to index
      %swap3A_466 = arith.constant 32 : index
      %swap3A_467 = tpu.vector_load %arg5[%swap3A_465, %swap3A_466] {strides = array<i32>} : memref<64x256xf32, #tpu.memory_space<vmem>>, vector<16xf32>,
      tpu.vector_store %arg5[%swap3A_465, %swap3A_466], %mul3A_464 {strides = array<i32>} : memref<64x256xf32, #tpu.memory_space<vmem>>, vector<16xf32>,
      %mul3A_468 = arith.mulf %get3A_342, %min3A_455 : vector<16xf32>
      %swap3A_469 = arith.index_cast %add3A_316 : i32 to index
      %swap3A_470 = arith.constant 48 : index
      %swap3A_471 = tpu.vector_load %arg5[%swap3A_469, %swap3A_470] {strides = array<i32>} : memref<64x256xf32, #tpu.memory_space<vmem>>, vector<16xf32>,
      tpu.vector_store %arg5[%swap3A_469, %swap3A_470], %mul3A_468 {strides = array<i32>} : memref<64x256xf32, #tpu.memory_space<vmem>>, vector<16xf32>,
      %mul3A_472 = arith.mulf %get3A_347, %min3A_455 : vector<16xf32>
      %swap3A_473 = arith.index_cast %add3A_316 : i32 to index
      %swap3A_474 = arith.constant 64 : index
      %swap3A_475 = tpu.vector_load %arg5[%swap3A_473, %swap3A_474] {strides = array<i32>} : memref<64x256xf32, #tpu.memory_space<vmem>>, vector<16xf32>,
      tpu.vector_store %arg5[%swap3A_473, %swap3A_474], %mul3A_472 {strides = array<i32>} : memref<64x256xf32, #tpu.memory_space<vmem>>, vector<16xf32>,
      %mul3A_476 = arith.mulf %get3A_352, %min3A_455 : vector<16xf32>
      %swap3A_477 = arith.index_cast %add3A_316 : i32 to index
      %swap3A_478 = arith.constant 80 : index
      %swap3A_479 = tpu.vector_load %arg5[%swap3A_477, %swap3A_478] {strides = array<i32>} : memref<64x256xf32, #tpu.memory_space<vmem>>, vector<16xf32>,
      tpu.vector_store %arg5[%swap3A_477, %swap3A_478], %mul3A_476 {strides = array<i32>} : memref<64x256xf32, #tpu.memory_space<vmem>>, vector<16xf32>,
      %mul3A_480 = arith.mulf %get3A_357, %min3A_455 : vector<16xf32>
      %swap3A_481 = arith.index_cast %add3A_316 : i32 to index
      %swap3A_482 = arith.constant 96 : index
      %swap3A_483 = tpu.vector_load %arg5[%swap3A_481, %swap3A_482] {strides = array<i32>} : memref<64x256xf32, #tpu.memory_space<vmem>>, vector<16xf32>,
      tpu.vector_store %arg5[%swap3A_481, %swap3A_482], %mul3A_480 {strides = array<i32>} : memref<64x256xf32, #tpu.memory_space<vmem>>, vector<16xf32>,
      %mul3A_484 = arith.mulf %get3A_362, %min3A_455 : vector<16xf32>
      %swap3A_485 = arith.index_cast %add3A_316 : i32 to index
      %swap3A_486 = arith.constant 112 : index
      %swap3A_487 = tpu.vector_load %arg5[%swap3A_485, %swap3A_486] {strides = array<i32>} : memref<64x256xf32, #tpu.memory_space<vmem>>, vector<16xf32>,
      tpu.vector_store %arg5[%swap3A_485, %swap3A_486], %mul3A_484 {strides = array<i32>} : memref<64x256xf32, #tpu.memory_space<vmem>>, vector<16xf32>,
      %mul3A_488 = arith.mulf %get3A_367, %min3A_455 : vector<16xf32>
      %swap3A_489 = arith.index_cast %add3A_316 : i32 to index
      %swap3A_490 = arith.constant 128 : index
      %swap3A_491 = tpu.vector_load %arg5[%swap3A_489, %swap3A_490] {strides = array<i32>} : memref<64x256xf32, #tpu.memory_space<vmem>>, vector<16xf32>,
      tpu.vector_store %arg5[%swap3A_489, %swap3A_490], %mul3A_488 {strides = array<i32>} : memref<64x256xf32, #tpu.memory_space<vmem>>, vector<16xf32>,
      %mul3A_492 = arith.mulf %get3A_372, %min3A_455 : vector<16xf32>
      %swap3A_493 = arith.index_cast %add3A_316 : i32 to index
      %swap3A_494 = arith.constant 144 : index
      %swap3A_495 = tpu.vector_load %arg5[%swap3A_493, %swap3A_494] {strides = array<i32>} : memref<64x256xf32, #tpu.memory_space<vmem>>, vector<16xf32>,
      tpu.vector_store %arg5[%swap3A_493, %swap3A_494], %mul3A_492 {strides = array<i32>} : memref<64x256xf32, #tpu.memory_space<vmem>>, vector<16xf32>,
      %mul3A_496 = arith.mulf %get3A_377, %min3A_455 : vector<16xf32>
      %swap3A_497 = arith.index_cast %add3A_316 : i32 to index
      %swap3A_498 = arith.constant 160 : index
      %swap3A_499 = tpu.vector_load %arg5[%swap3A_497, %swap3A_498] {strides = array<i32>} : memref<64x256xf32, #tpu.memory_space<vmem>>, vector<16xf32>,
      tpu.vector_store %arg5[%swap3A_497, %swap3A_498], %mul3A_496 {strides = array<i32>} : memref<64x256xf32, #tpu.memory_space<vmem>>, vector<16xf32>,
      %mul3A_500 = arith.mulf %get3A_382, %min3A_455 : vector<16xf32>
      %swap3A_501 = arith.index_cast %add3A_316 : i32 to index
      %swap3A_502 = arith.constant 176 : index
      %swap3A_503 = tpu.vector_load %arg5[%swap3A_501, %swap3A_502] {strides = array<i32>} : memref<64x256xf32, #tpu.memory_space<vmem>>, vector<16xf32>,
      tpu.vector_store %arg5[%swap3A_501, %swap3A_502], %mul3A_500 {strides = array<i32>} : memref<64x256xf32, #tpu.memory_space<vmem>>, vector<16xf32>,
      %mul3A_504 = arith.mulf %get3A_387, %min3A_455 : vector<16xf32>
      %swap3A_505 = arith.index_cast %add3A_316 : i32 to index
      %swap3A_506 = arith.constant 192 : index
      %swap3A_507 = tpu.vector_load %arg5[%swap3A_505, %swap3A_506] {strides = array<i32>} : memref<64x256xf32, #tpu.memory_space<vmem>>, vector<16xf32>,
      tpu.vector_store %arg5[%swap3A_505, %swap3A_506], %mul3A_504 {strides = array<i32>} : memref<64x256xf32, #tpu.memory_space<vmem>>, vector<16xf32>,
      %mul3A_508 = arith.mulf %get3A_392, %min3A_455 : vector<16xf32>
      %swap3A_509 = arith.index_cast %add3A_316 : i32 to index
      %swap3A_510 = arith.constant 208 : index
      %swap3A_511 = tpu.vector_load %arg5[%swap3A_509, %swap3A_510] {strides = array<i32>} : memref<64x256xf32, #tpu.memory_space<vmem>>, vector<16xf32>,
      tpu.vector_store %arg5[%swap3A_509, %swap3A_510], %mul3A_508 {strides = array<i32>} : memref<64x256xf32, #tpu.memory_space<vmem>>, vector<16xf32>,
      %mul3A_512 = arith.mulf %get3A_397, %min3A_455 : vector<16xf32>
      %swap3A_513 = arith.index_cast %add3A_316 : i32 to index
      %swap3A_514 = arith.constant 224 : index
      %swap3A_515 = tpu.vector_load %arg5[%swap3A_513, %swap3A_514] {strides = array<i32>} : memref<64x256xf32, #tpu.memory_space<vmem>>, vector<16xf32>,
      tpu.vector_store %arg5[%swap3A_513, %swap3A_514], %mul3A_512 {strides = array<i32>} : memref<64x256xf32, #tpu.memory_space<vmem>>, vector<16xf32>,
      %mul3A_516 = arith.mulf %get3A_402, %min3A_455 : vector<16xf32>
      %swap3A_517 = arith.index_cast %add3A_316 : i32 to index
      %swap3A_518 = arith.constant 240 : index
      %swap3A_519 = tpu.vector_load %arg5[%swap3A_517, %swap3A_518] {strides = array<i32>} : memref<64x256xf32, #tpu.memory_space<vmem>>, vector<16xf32>,
      tpu.vector_store %arg5[%swap3A_517, %swap3A_518], %mul3A_516 {strides = array<i32>} : memref<64x256xf32, #tpu.memory_space<vmem>>, vector<16xf32>,
    }
    %scan3A_58 = arith.constant 32 : i32
    %add3A_59 = arith.constant 64 : i32
    %add3A_60 = arith.addi %mul3A_2, %add3A_59 : i32
    %dma_start3A_61 = arith.constant 0 : i32
    %dma_start3A_62 = tpu.memref_slice %arg3[%add3A_60, %dma_start3A_61] : memref<8192x256xf32, #tpu.memory_space<hbm>> -> memref<64x256xf32, #tpu.memory_space<hbm>>
    %dma_start3A_63 = arith.constant 0 : i32
    %dma_start3A_64 = tpu.memref_slice %arg3[%add3A_60, %dma_start3A_63] : memref<8192x256xf32, #tpu.memory_space<hbm>> -> memref<64x256xf32, #tpu.memory_space<hbm>>
    tpu.enqueue_dma source(%arg5 : memref<64x256xf32, #tpu.memory_space<vmem>>) target(%dma_start3A_64 : memref<64x256xf32, #tpu.memory_space<hbm>>) target_semaphore(%arg9 : memref<!tpu.dma_semaphore, #tpu.memory_space<semaphore_mem>>)
    %dma_wait3A_65 = arith.constant 0 : i32
    %dma_wait3A_66 = tpu.memref_slice %arg2[%add3A_48, %dma_wait3A_65] : memref<8192x256xf32, #tpu.memory_space<hbm>> -> memref<64x256xf32, #tpu.memory_space<hbm>>
    %dma_wait3A_67 = arith.constant 0 : i32
    %dma_wait3A_68 = tpu.memref_slice %arg2[%add3A_48, %dma_wait3A_67] : memref<8192x256xf32, #tpu.memory_space<hbm>> -> memref<64x256xf32, #tpu.memory_space<hbm>>
    tpu.wait_dma2 semaphore(%arg6 : memref<!tpu.dma_semaphore, #tpu.memory_space<semaphore_mem>>) src(%dma_wait3A_68 : memref<64x256xf32, #tpu.memory_space<hbm>>) dst(%arg4 : memref<64x256xf32, #tpu.memory_space<vmem>>)
    %dma_wait3A_69 = arith.constant 0 : i32
    %dma_wait3A_70 = tpu.memref_slice %arg3[%add3A_60, %dma_wait3A_69] : memref<8192x256xf32, #tpu.memory_space<hbm>> -> memref<64x256xf32, #tpu.memory_space<hbm>>
    %dma_wait3A_71 = arith.constant 0 : i32
    %dma_wait3A_72 = tpu.memref_slice %arg3[%add3A_60, %dma_wait3A_71] : memref<8192x256xf32, #tpu.memory_space<hbm>> -> memref<64x256xf32, #tpu.memory_space<hbm>>
    tpu.wait_dma2 semaphore(%arg9 : memref<!tpu.dma_semaphore, #tpu.memory_space<semaphore_mem>>) src(%arg5 : memref<64x256xf32, #tpu.memory_space<vmem>>) dst(%dma_wait3A_72 : memref<64x256xf32, #tpu.memory_space<hbm>>)
    %add3A_73 = arith.constant 192 : i32
    %add3A_74 = arith.addi %mul3A_2, %add3A_73 : i32
    %dma_start3A_75 = arith.constant 0 : i32
    %dma_start3A_76 = tpu.memref_slice %arg2[%add3A_74, %dma_start3A_75] : memref<8192x256xf32, #tpu.memory_space<hbm>> -> memref<64x256xf32, #tpu.memory_space<hbm>>
    %dma_start3A_77 = arith.constant 0 : i32
    %dma_start3A_78 = tpu.memref_slice %arg2[%add3A_74, %dma_start3A_77] : memref<8192x256xf32, #tpu.memory_space<hbm>> -> memref<64x256xf32, #tpu.memory_space<hbm>>
    tpu.enqueue_dma source(%dma_start3A_78 : memref<64x256xf32, #tpu.memory_space<hbm>>) target(%arg5 : memref<64x256xf32, #tpu.memory_space<vmem>>) target_semaphore(%arg7 : memref<!tpu.dma_semaphore, #tpu.memory_space<semaphore_mem>>)
    %scan3A_79 = arith.constant 0 : i32
    %scan3A_80 = arith.constant 0 : i32
    %scan3A_81 = arith.constant 32 : i32
    %scan3A_82 = arith.addi %scan3A_80, %scan3A_81 : i32
    %scan3A_83 = arith.constant 1 : i32
    scf.for %scan3A_115 = %scan3A_80 to %scan3A_82 step %scan3A_83  : i32 {
      %mul3A_116 = arith.constant 2 : i32
      %mul3A_117 = arith.muli %scan3A_115, %mul3A_116 : i32
      %broadcast_in_dim3A = arith.constant 0.000000e+00 : f32
      %broadcast_in_dim3A_118 = vector.broadcast %broadcast_in_dim3A : f32 to vector<16xf32>
      %broadcast_in_dim3A_119 = arith.constant 0.000000e+00 : f32
      %broadcast_in_dim3A_120 = vector.broadcast %broadcast_in_dim3A_119 : f32 to vector<16xf32>
      %broadcast_in_dim3A_121 = arith.constant 0.000000e+00 : f32
      %broadcast_in_dim3A_122 = vector.broadcast %broadcast_in_dim3A_121 : f32 to vector<16xf32>
      %broadcast_in_dim3A_123 = arith.constant 0.000000e+00 : f32
      %broadcast_in_dim3A_124 = vector.broadcast %broadcast_in_dim3A_123 : f32 to vector<16xf32>
      %get3A = arith.index_cast %mul3A_117 : i32 to index
      %get3A_125 = arith.constant 0 : index
      %get3A_126 = tpu.vector_load %arg4[%get3A, %get3A_125] {strides = array<i32>} : memref<64x256xf32, #tpu.memory_space<vmem>>, vector<16xf32>,
      %mul3A_127 = arith.mulf %get3A_126, %get3A_126 : vector<16xf32>
      %add3A_128 = arith.addf %broadcast_in_dim3A_118, %mul3A_127 : vector<16xf32>
      %get3A_129 = arith.index_cast %mul3A_117 : i32 to index
      %get3A_130 = arith.constant 16 : index
      %get3A_131 = tpu.vector_load %arg4[%get3A_129, %get3A_130] {strides = array<i32>} : memref<64x256xf32, #tpu.memory_space<vmem>>, vector<16xf32>,
      %mul3A_132 = arith.mulf %get3A_131, %get3A_131 : vector<16xf32>
      %add3A_133 = arith.addf %broadcast_in_dim3A_120, %mul3A_132 : vector<16xf32>
      %get3A_134 = arith.index_cast %mul3A_117 : i32 to index
      %get3A_135 = arith.constant 32 : index
      %get3A_136 = tpu.vector_load %arg4[%get3A_134, %get3A_135] {strides = array<i32>} : memref<64x256xf32, #tpu.memory_space<vmem>>, vector<16xf32>,
      %mul3A_137 = arith.mulf %get3A_136, %get3A_136 : vector<16xf32>
      %add3A_138 = arith.addf %broadcast_in_dim3A_122, %mul3A_137 : vector<16xf32>
      %get3A_139 = arith.index_cast %mul3A_117 : i32 to index
      %get3A_140 = arith.constant 48 : index
      %get3A_141 = tpu.vector_load %arg4[%get3A_139, %get3A_140] {strides = array<i32>} : memref<64x256xf32, #tpu.memory_space<vmem>>, vector<16xf32>,
      %mul3A_142 = arith.mulf %get3A_141, %get3A_141 : vector<16xf32>
      %add3A_143 = arith.addf %broadcast_in_dim3A_124, %mul3A_142 : vector<16xf32>
      %get3A_144 = arith.index_cast %mul3A_117 : i32 to index
      %get3A_145 = arith.constant 64 : index
      %get3A_146 = tpu.vector_load %arg4[%get3A_144, %get3A_145] {strides = array<i32>} : memref<64x256xf32, #tpu.memory_space<vmem>>, vector<16xf32>,
      %mul3A_147 = arith.mulf %get3A_146, %get3A_146 : vector<16xf32>
      %add3A_148 = arith.addf %add3A_128, %mul3A_147 : vector<16xf32>
      %get3A_149 = arith.index_cast %mul3A_117 : i32 to index
      %get3A_150 = arith.constant 80 : index
      %get3A_151 = tpu.vector_load %arg4[%get3A_149, %get3A_150] {strides = array<i32>} : memref<64x256xf32, #tpu.memory_space<vmem>>, vector<16xf32>,
      %mul3A_152 = arith.mulf %get3A_151, %get3A_151 : vector<16xf32>
      %add3A_153 = arith.addf %add3A_133, %mul3A_152 : vector<16xf32>
      %get3A_154 = arith.index_cast %mul3A_117 : i32 to index
      %get3A_155 = arith.constant 96 : index
      %get3A_156 = tpu.vector_load %arg4[%get3A_154, %get3A_155] {strides = array<i32>} : memref<64x256xf32, #tpu.memory_space<vmem>>, vector<16xf32>,
      %mul3A_157 = arith.mulf %get3A_156, %get3A_156 : vector<16xf32>
      %add3A_158 = arith.addf %add3A_138, %mul3A_157 : vector<16xf32>
      %get3A_159 = arith.index_cast %mul3A_117 : i32 to index
      %get3A_160 = arith.constant 112 : index
      %get3A_161 = tpu.vector_load %arg4[%get3A_159, %get3A_160] {strides = array<i32>} : memref<64x256xf32, #tpu.memory_space<vmem>>, vector<16xf32>,
      %mul3A_162 = arith.mulf %get3A_161, %get3A_161 : vector<16xf32>
      %add3A_163 = arith.addf %add3A_143, %mul3A_162 : vector<16xf32>
      %get3A_164 = arith.index_cast %mul3A_117 : i32 to index
      %get3A_165 = arith.constant 128 : index
      %get3A_166 = tpu.vector_load %arg4[%get3A_164, %get3A_165] {strides = array<i32>} : memref<64x256xf32, #tpu.memory_space<vmem>>, vector<16xf32>,
      %mul3A_167 = arith.mulf %get3A_166, %get3A_166 : vector<16xf32>
      %add3A_168 = arith.addf %add3A_148, %mul3A_167 : vector<16xf32>
      %get3A_169 = arith.index_cast %mul3A_117 : i32 to index
      %get3A_170 = arith.constant 144 : index
      %get3A_171 = tpu.vector_load %arg4[%get3A_169, %get3A_170] {strides = array<i32>} : memref<64x256xf32, #tpu.memory_space<vmem>>, vector<16xf32>,
      %mul3A_172 = arith.mulf %get3A_171, %get3A_171 : vector<16xf32>
      %add3A_173 = arith.addf %add3A_153, %mul3A_172 : vector<16xf32>
      %get3A_174 = arith.index_cast %mul3A_117 : i32 to index
      %get3A_175 = arith.constant 160 : index
      %get3A_176 = tpu.vector_load %arg4[%get3A_174, %get3A_175] {strides = array<i32>} : memref<64x256xf32, #tpu.memory_space<vmem>>, vector<16xf32>,
      %mul3A_177 = arith.mulf %get3A_176, %get3A_176 : vector<16xf32>
      %add3A_178 = arith.addf %add3A_158, %mul3A_177 : vector<16xf32>
      %get3A_179 = arith.index_cast %mul3A_117 : i32 to index
      %get3A_180 = arith.constant 176 : index
      %get3A_181 = tpu.vector_load %arg4[%get3A_179, %get3A_180] {strides = array<i32>} : memref<64x256xf32, #tpu.memory_space<vmem>>, vector<16xf32>,
      %mul3A_182 = arith.mulf %get3A_181, %get3A_181 : vector<16xf32>
      %add3A_183 = arith.addf %add3A_163, %mul3A_182 : vector<16xf32>
      %get3A_184 = arith.index_cast %mul3A_117 : i32 to index
      %get3A_185 = arith.constant 192 : index
      %get3A_186 = tpu.vector_load %arg4[%get3A_184, %get3A_185] {strides = array<i32>} : memref<64x256xf32, #tpu.memory_space<vmem>>, vector<16xf32>,
      %mul3A_187 = arith.mulf %get3A_186, %get3A_186 : vector<16xf32>
      %add3A_188 = arith.addf %add3A_168, %mul3A_187 : vector<16xf32>
      %get3A_189 = arith.index_cast %mul3A_117 : i32 to index
      %get3A_190 = arith.constant 208 : index
      %get3A_191 = tpu.vector_load %arg4[%get3A_189, %get3A_190] {strides = array<i32>} : memref<64x256xf32, #tpu.memory_space<vmem>>, vector<16xf32>,
      %mul3A_192 = arith.mulf %get3A_191, %get3A_191 : vector<16xf32>
      %add3A_193 = arith.addf %add3A_173, %mul3A_192 : vector<16xf32>
      %get3A_194 = arith.index_cast %mul3A_117 : i32 to index
      %get3A_195 = arith.constant 224 : index
      %get3A_196 = tpu.vector_load %arg4[%get3A_194, %get3A_195] {strides = array<i32>} : memref<64x256xf32, #tpu.memory_space<vmem>>, vector<16xf32>,
      %mul3A_197 = arith.mulf %get3A_196, %get3A_196 : vector<16xf32>
      %add3A_198 = arith.addf %add3A_178, %mul3A_197 : vector<16xf32>
      %get3A_199 = arith.index_cast %mul3A_117 : i32 to index
      %get3A_200 = arith.constant 240 : index
      %get3A_201 = tpu.vector_load %arg4[%get3A_199, %get3A_200] {strides = array<i32>} : memref<64x256xf32, #tpu.memory_space<vmem>>, vector<16xf32>,
      %mul3A_202 = arith.mulf %get3A_201, %get3A_201 : vector<16xf32>
      %add3A_203 = arith.addf %add3A_183, %mul3A_202 : vector<16xf32>
      %add3A_204 = arith.addf %add3A_188, %add3A_193 : vector<16xf32>
      %add3A_205 = arith.addf %add3A_198, %add3A_203 : vector<16xf32>
      %add3A_206 = arith.addf %add3A_204, %add3A_205 : vector<16xf32>
      %broadcast_in_dim3A_207 = vector.shape_cast %xor3A_4 : vector<16xi32> to vector<16x1xi32>
      %gather3A = vector.shape_cast %broadcast_in_dim3A_207 : vector<16x1xi32> to vector<16xi32>
      %gather3A_208 = tpu.dynamic_gather %add3A_206[%gather3A] in [0] : vector<16xf32>, vector<16xi32> -> vector<16xf32>
      %add3A_209 = arith.addf %add3A_206, %gather3A_208 : vector<16xf32>
      %broadcast_in_dim3A_210 = vector.shape_cast %xor3A_7 : vector<16xi32> to vector<16x1xi32>
      %gather3A_211 = vector.shape_cast %broadcast_in_dim3A_210 : vector<16x1xi32> to vector<16xi32>
      %gather3A_212 = tpu.dynamic_gather %add3A_209[%gather3A_211] in [0] : vector<16xf32>, vector<16xi32> -> vector<16xf32>
      %add3A_213 = arith.addf %add3A_209, %gather3A_212 : vector<16xf32>
      %broadcast_in_dim3A_214 = vector.shape_cast %xor3A_10 : vector<16xi32> to vector<16x1xi32>
      %gather3A_215 = vector.shape_cast %broadcast_in_dim3A_214 : vector<16x1xi32> to vector<16xi32>
      %gather3A_216 = tpu.dynamic_gather %add3A_213[%gather3A_215] in [0] : vector<16xf32>, vector<16xi32> -> vector<16xf32>
      %add3A_217 = arith.addf %add3A_213, %gather3A_216 : vector<16xf32>
      %broadcast_in_dim3A_218 = vector.shape_cast %xor3A_13 : vector<16xi32> to vector<16x1xi32>
      %gather3A_219 = vector.shape_cast %broadcast_in_dim3A_218 : vector<16x1xi32> to vector<16xi32>
      %gather3A_220 = tpu.dynamic_gather %add3A_217[%gather3A_219] in [0] : vector<16xf32>, vector<16xi32> -> vector<16xf32>
      %add3A_221 = arith.addf %add3A_217, %gather3A_220 : vector<16xf32>
      %bitcast3A = vector.bitcast %add3A_221 : vector<16xf32> to vector<16xi32>
      %shift_right_logical3A = arith.constant 1 : i32
      %shift_right_logical3A_222 = vector.broadcast %shift_right_logical3A : i32 to vector<16xi32>
      %shift_right_logical3A_223 = arith.shrui %bitcast3A, %shift_right_logical3A_222 : vector<16xi32>
      %sub3A = arith.constant 1597463007 : i32
      %sub3A_224 = vector.broadcast %sub3A : i32 to vector<16xi32>
      %sub3A_225 = arith.subi %sub3A_224, %shift_right_logical3A_223 : vector<16xi32>
      %bitcast3A_226 = vector.bitcast %sub3A_225 : vector<16xi32> to vector<16xf32>
      %mul3A_227 = arith.constant 5.000000e-01 : f32
      %mul3A_228 = vector.broadcast %mul3A_227 : f32 to vector<16xf32>
      %mul3A_229 = arith.mulf %add3A_221, %mul3A_228 : vector<16xf32>
      %mul3A_230 = arith.mulf %mul3A_229, %bitcast3A_226 : vector<16xf32>
      %mul3A_231 = arith.mulf %mul3A_230, %bitcast3A_226 : vector<16xf32>
      %sub3A_232 = arith.constant 1.500000e+00 : f32
      %sub3A_233 = vector.broadcast %sub3A_232 : f32 to vector<16xf32>
      %sub3A_234 = arith.subf %sub3A_233, %mul3A_231 : vector<16xf32>
      %mul3A_235 = arith.mulf %bitcast3A_226, %sub3A_234 : vector<16xf32>
      %mul3A_236 = arith.mulf %mul3A_229, %mul3A_235 : vector<16xf32>
      %mul3A_237 = arith.mulf %mul3A_236, %mul3A_235 : vector<16xf32>
      %sub3A_238 = arith.constant 1.500000e+00 : f32
      %sub3A_239 = vector.broadcast %sub3A_238 : f32 to vector<16xf32>
      %sub3A_240 = arith.subf %sub3A_239, %mul3A_237 : vector<16xf32>
      %mul3A_241 = arith.mulf %mul3A_235, %sub3A_240 : vector<16xf32>
      %mul3A_242 = arith.mulf %mul3A_229, %mul3A_241 : vector<16xf32>
      %mul3A_243 = arith.mulf %mul3A_242, %mul3A_241 : vector<16xf32>
      %sub3A_244 = arith.constant 1.500000e+00 : f32
      %sub3A_245 = vector.broadcast %sub3A_244 : f32 to vector<16xf32>
      %sub3A_246 = arith.subf %sub3A_245, %mul3A_243 : vector<16xf32>
      %mul3A_247 = arith.mulf %mul3A_241, %sub3A_246 : vector<16xf32>
      %min3A = arith.constant 9.99999995E+11 : f32
      %min3A_248 = vector.broadcast %min3A : f32 to vector<16xf32>
      %min3A_249 = arith.minimumf %mul3A_247, %min3A_248 : vector<16xf32>
      %mul3A_250 = arith.mulf %get3A_126, %min3A_249 : vector<16xf32>
      %swap3A = arith.index_cast %mul3A_117 : i32 to index
      %swap3A_251 = arith.constant 0 : index
      %swap3A_252 = tpu.vector_load %arg4[%swap3A, %swap3A_251] {strides = array<i32>} : memref<64x256xf32, #tpu.memory_space<vmem>>, vector<16xf32>,
      tpu.vector_store %arg4[%swap3A, %swap3A_251], %mul3A_250 {strides = array<i32>} : memref<64x256xf32, #tpu.memory_space<vmem>>, vector<16xf32>,
      %mul3A_253 = arith.mulf %get3A_131, %min3A_249 : vector<16xf32>
      %swap3A_254 = arith.index_cast %mul3A_117 : i32 to index
      %swap3A_255 = arith.constant 16 : index
      %swap3A_256 = tpu.vector_load %arg4[%swap3A_254, %swap3A_255] {strides = array<i32>} : memref<64x256xf32, #tpu.memory_space<vmem>>, vector<16xf32>,
      tpu.vector_store %arg4[%swap3A_254, %swap3A_255], %mul3A_253 {strides = array<i32>} : memref<64x256xf32, #tpu.memory_space<vmem>>, vector<16xf32>,
      %mul3A_257 = arith.mulf %get3A_136, %min3A_249 : vector<16xf32>
      %swap3A_258 = arith.index_cast %mul3A_117 : i32 to index
      %swap3A_259 = arith.constant 32 : index
      %swap3A_260 = tpu.vector_load %arg4[%swap3A_258, %swap3A_259] {strides = array<i32>} : memref<64x256xf32, #tpu.memory_space<vmem>>, vector<16xf32>,
      tpu.vector_store %arg4[%swap3A_258, %swap3A_259], %mul3A_257 {strides = array<i32>} : memref<64x256xf32, #tpu.memory_space<vmem>>, vector<16xf32>,
      %mul3A_261 = arith.mulf %get3A_141, %min3A_249 : vector<16xf32>
      %swap3A_262 = arith.index_cast %mul3A_117 : i32 to index
      %swap3A_263 = arith.constant 48 : index
      %swap3A_264 = tpu.vector_load %arg4[%swap3A_262, %swap3A_263] {strides = array<i32>} : memref<64x256xf32, #tpu.memory_space<vmem>>, vector<16xf32>,
      tpu.vector_store %arg4[%swap3A_262, %swap3A_263], %mul3A_261 {strides = array<i32>} : memref<64x256xf32, #tpu.memory_space<vmem>>, vector<16xf32>,
      %mul3A_265 = arith.mulf %get3A_146, %min3A_249 : vector<16xf32>
      %swap3A_266 = arith.index_cast %mul3A_117 : i32 to index
      %swap3A_267 = arith.constant 64 : index
      %swap3A_268 = tpu.vector_load %arg4[%swap3A_266, %swap3A_267] {strides = array<i32>} : memref<64x256xf32, #tpu.memory_space<vmem>>, vector<16xf32>,
      tpu.vector_store %arg4[%swap3A_266, %swap3A_267], %mul3A_265 {strides = array<i32>} : memref<64x256xf32, #tpu.memory_space<vmem>>, vector<16xf32>,
      %mul3A_269 = arith.mulf %get3A_151, %min3A_249 : vector<16xf32>
      %swap3A_270 = arith.index_cast %mul3A_117 : i32 to index
      %swap3A_271 = arith.constant 80 : index
      %swap3A_272 = tpu.vector_load %arg4[%swap3A_270, %swap3A_271] {strides = array<i32>} : memref<64x256xf32, #tpu.memory_space<vmem>>, vector<16xf32>,
      tpu.vector_store %arg4[%swap3A_270, %swap3A_271], %mul3A_269 {strides = array<i32>} : memref<64x256xf32, #tpu.memory_space<vmem>>, vector<16xf32>,
      %mul3A_273 = arith.mulf %get3A_156, %min3A_249 : vector<16xf32>
      %swap3A_274 = arith.index_cast %mul3A_117 : i32 to index
      %swap3A_275 = arith.constant 96 : index
      %swap3A_276 = tpu.vector_load %arg4[%swap3A_274, %swap3A_275] {strides = array<i32>} : memref<64x256xf32, #tpu.memory_space<vmem>>, vector<16xf32>,
      tpu.vector_store %arg4[%swap3A_274, %swap3A_275], %mul3A_273 {strides = array<i32>} : memref<64x256xf32, #tpu.memory_space<vmem>>, vector<16xf32>,
      %mul3A_277 = arith.mulf %get3A_161, %min3A_249 : vector<16xf32>
      %swap3A_278 = arith.index_cast %mul3A_117 : i32 to index
      %swap3A_279 = arith.constant 112 : index
      %swap3A_280 = tpu.vector_load %arg4[%swap3A_278, %swap3A_279] {strides = array<i32>} : memref<64x256xf32, #tpu.memory_space<vmem>>, vector<16xf32>,
      tpu.vector_store %arg4[%swap3A_278, %swap3A_279], %mul3A_277 {strides = array<i32>} : memref<64x256xf32, #tpu.memory_space<vmem>>, vector<16xf32>,
      %mul3A_281 = arith.mulf %get3A_166, %min3A_249 : vector<16xf32>
      %swap3A_282 = arith.index_cast %mul3A_117 : i32 to index
      %swap3A_283 = arith.constant 128 : index
      %swap3A_284 = tpu.vector_load %arg4[%swap3A_282, %swap3A_283] {strides = array<i32>} : memref<64x256xf32, #tpu.memory_space<vmem>>, vector<16xf32>,
      tpu.vector_store %arg4[%swap3A_282, %swap3A_283], %mul3A_281 {strides = array<i32>} : memref<64x256xf32, #tpu.memory_space<vmem>>, vector<16xf32>,
      %mul3A_285 = arith.mulf %get3A_171, %min3A_249 : vector<16xf32>
      %swap3A_286 = arith.index_cast %mul3A_117 : i32 to index
      %swap3A_287 = arith.constant 144 : index
      %swap3A_288 = tpu.vector_load %arg4[%swap3A_286, %swap3A_287] {strides = array<i32>} : memref<64x256xf32, #tpu.memory_space<vmem>>, vector<16xf32>,
      tpu.vector_store %arg4[%swap3A_286, %swap3A_287], %mul3A_285 {strides = array<i32>} : memref<64x256xf32, #tpu.memory_space<vmem>>, vector<16xf32>,
      %mul3A_289 = arith.mulf %get3A_176, %min3A_249 : vector<16xf32>
      %swap3A_290 = arith.index_cast %mul3A_117 : i32 to index
      %swap3A_291 = arith.constant 160 : index
      %swap3A_292 = tpu.vector_load %arg4[%swap3A_290, %swap3A_291] {strides = array<i32>} : memref<64x256xf32, #tpu.memory_space<vmem>>, vector<16xf32>,
      tpu.vector_store %arg4[%swap3A_290, %swap3A_291], %mul3A_289 {strides = array<i32>} : memref<64x256xf32, #tpu.memory_space<vmem>>, vector<16xf32>,
      %mul3A_293 = arith.mulf %get3A_181, %min3A_249 : vector<16xf32>
      %swap3A_294 = arith.index_cast %mul3A_117 : i32 to index
      %swap3A_295 = arith.constant 176 : index
      %swap3A_296 = tpu.vector_load %arg4[%swap3A_294, %swap3A_295] {strides = array<i32>} : memref<64x256xf32, #tpu.memory_space<vmem>>, vector<16xf32>,
      tpu.vector_store %arg4[%swap3A_294, %swap3A_295], %mul3A_293 {strides = array<i32>} : memref<64x256xf32, #tpu.memory_space<vmem>>, vector<16xf32>,
      %mul3A_297 = arith.mulf %get3A_186, %min3A_249 : vector<16xf32>
      %swap3A_298 = arith.index_cast %mul3A_117 : i32 to index
      %swap3A_299 = arith.constant 192 : index
      %swap3A_300 = tpu.vector_load %arg4[%swap3A_298, %swap3A_299] {strides = array<i32>} : memref<64x256xf32, #tpu.memory_space<vmem>>, vector<16xf32>,
      tpu.vector_store %arg4[%swap3A_298, %swap3A_299], %mul3A_297 {strides = array<i32>} : memref<64x256xf32, #tpu.memory_space<vmem>>, vector<16xf32>,
      %mul3A_301 = arith.mulf %get3A_191, %min3A_249 : vector<16xf32>
      %swap3A_302 = arith.index_cast %mul3A_117 : i32 to index
      %swap3A_303 = arith.constant 208 : index
      %swap3A_304 = tpu.vector_load %arg4[%swap3A_302, %swap3A_303] {strides = array<i32>} : memref<64x256xf32, #tpu.memory_space<vmem>>, vector<16xf32>,
      tpu.vector_store %arg4[%swap3A_302, %swap3A_303], %mul3A_301 {strides = array<i32>} : memref<64x256xf32, #tpu.memory_space<vmem>>, vector<16xf32>,
      %mul3A_305 = arith.mulf %get3A_196, %min3A_249 : vector<16xf32>
      %swap3A_306 = arith.index_cast %mul3A_117 : i32 to index
      %swap3A_307 = arith.constant 224 : index
      %swap3A_308 = tpu.vector_load %arg4[%swap3A_306, %swap3A_307] {strides = array<i32>} : memref<64x256xf32, #tpu.memory_space<vmem>>, vector<16xf32>,
      tpu.vector_store %arg4[%swap3A_306, %swap3A_307], %mul3A_305 {strides = array<i32>} : memref<64x256xf32, #tpu.memory_space<vmem>>, vector<16xf32>,
      %mul3A_309 = arith.mulf %get3A_201, %min3A_249 : vector<16xf32>
      %swap3A_310 = arith.index_cast %mul3A_117 : i32 to index
      %swap3A_311 = arith.constant 240 : index
      %swap3A_312 = tpu.vector_load %arg4[%swap3A_310, %swap3A_311] {strides = array<i32>} : memref<64x256xf32, #tpu.memory_space<vmem>>, vector<16xf32>,
      tpu.vector_store %arg4[%swap3A_310, %swap3A_311], %mul3A_309 {strides = array<i32>} : memref<64x256xf32, #tpu.memory_space<vmem>>, vector<16xf32>,
      %mul3A_313 = arith.constant 2 : i32
      %mul3A_314 = arith.muli %scan3A_115, %mul3A_313 : i32
      %add3A_315 = arith.constant 1 : i32
      %add3A_316 = arith.addi %mul3A_314, %add3A_315 : i32
      %broadcast_in_dim3A_317 = arith.constant 0.000000e+00 : f32
      %broadcast_in_dim3A_318 = vector.broadcast %broadcast_in_dim3A_317 : f32 to vector<16xf32>
      %broadcast_in_dim3A_319 = arith.constant 0.000000e+00 : f32
      %broadcast_in_dim3A_320 = vector.broadcast %broadcast_in_dim3A_319 : f32 to vector<16xf32>
      %broadcast_in_dim3A_321 = arith.constant 0.000000e+00 : f32
      %broadcast_in_dim3A_322 = vector.broadcast %broadcast_in_dim3A_321 : f32 to vector<16xf32>
      %broadcast_in_dim3A_323 = arith.constant 0.000000e+00 : f32
      %broadcast_in_dim3A_324 = vector.broadcast %broadcast_in_dim3A_323 : f32 to vector<16xf32>
      %get3A_325 = arith.index_cast %add3A_316 : i32 to index
      %get3A_326 = arith.constant 0 : index
      %get3A_327 = tpu.vector_load %arg4[%get3A_325, %get3A_326] {strides = array<i32>} : memref<64x256xf32, #tpu.memory_space<vmem>>, vector<16xf32>,
      %mul3A_328 = arith.mulf %get3A_327, %get3A_327 : vector<16xf32>
      %add3A_329 = arith.addf %broadcast_in_dim3A_318, %mul3A_328 : vector<16xf32>
      %get3A_330 = arith.index_cast %add3A_316 : i32 to index
      %get3A_331 = arith.constant 16 : index
      %get3A_332 = tpu.vector_load %arg4[%get3A_330, %get3A_331] {strides = array<i32>} : memref<64x256xf32, #tpu.memory_space<vmem>>, vector<16xf32>,
      %mul3A_333 = arith.mulf %get3A_332, %get3A_332 : vector<16xf32>
      %add3A_334 = arith.addf %broadcast_in_dim3A_320, %mul3A_333 : vector<16xf32>
      %get3A_335 = arith.index_cast %add3A_316 : i32 to index
      %get3A_336 = arith.constant 32 : index
      %get3A_337 = tpu.vector_load %arg4[%get3A_335, %get3A_336] {strides = array<i32>} : memref<64x256xf32, #tpu.memory_space<vmem>>, vector<16xf32>,
      %mul3A_338 = arith.mulf %get3A_337, %get3A_337 : vector<16xf32>
      %add3A_339 = arith.addf %broadcast_in_dim3A_322, %mul3A_338 : vector<16xf32>
      %get3A_340 = arith.index_cast %add3A_316 : i32 to index
      %get3A_341 = arith.constant 48 : index
      %get3A_342 = tpu.vector_load %arg4[%get3A_340, %get3A_341] {strides = array<i32>} : memref<64x256xf32, #tpu.memory_space<vmem>>, vector<16xf32>,
      %mul3A_343 = arith.mulf %get3A_342, %get3A_342 : vector<16xf32>
      %add3A_344 = arith.addf %broadcast_in_dim3A_324, %mul3A_343 : vector<16xf32>
      %get3A_345 = arith.index_cast %add3A_316 : i32 to index
      %get3A_346 = arith.constant 64 : index
      %get3A_347 = tpu.vector_load %arg4[%get3A_345, %get3A_346] {strides = array<i32>} : memref<64x256xf32, #tpu.memory_space<vmem>>, vector<16xf32>,
      %mul3A_348 = arith.mulf %get3A_347, %get3A_347 : vector<16xf32>
      %add3A_349 = arith.addf %add3A_329, %mul3A_348 : vector<16xf32>
      %get3A_350 = arith.index_cast %add3A_316 : i32 to index
      %get3A_351 = arith.constant 80 : index
      %get3A_352 = tpu.vector_load %arg4[%get3A_350, %get3A_351] {strides = array<i32>} : memref<64x256xf32, #tpu.memory_space<vmem>>, vector<16xf32>,
      %mul3A_353 = arith.mulf %get3A_352, %get3A_352 : vector<16xf32>
      %add3A_354 = arith.addf %add3A_334, %mul3A_353 : vector<16xf32>
      %get3A_355 = arith.index_cast %add3A_316 : i32 to index
      %get3A_356 = arith.constant 96 : index
      %get3A_357 = tpu.vector_load %arg4[%get3A_355, %get3A_356] {strides = array<i32>} : memref<64x256xf32, #tpu.memory_space<vmem>>, vector<16xf32>,
      %mul3A_358 = arith.mulf %get3A_357, %get3A_357 : vector<16xf32>
      %add3A_359 = arith.addf %add3A_339, %mul3A_358 : vector<16xf32>
      %get3A_360 = arith.index_cast %add3A_316 : i32 to index
      %get3A_361 = arith.constant 112 : index
      %get3A_362 = tpu.vector_load %arg4[%get3A_360, %get3A_361] {strides = array<i32>} : memref<64x256xf32, #tpu.memory_space<vmem>>, vector<16xf32>,
      %mul3A_363 = arith.mulf %get3A_362, %get3A_362 : vector<16xf32>
      %add3A_364 = arith.addf %add3A_344, %mul3A_363 : vector<16xf32>
      %get3A_365 = arith.index_cast %add3A_316 : i32 to index
      %get3A_366 = arith.constant 128 : index
      %get3A_367 = tpu.vector_load %arg4[%get3A_365, %get3A_366] {strides = array<i32>} : memref<64x256xf32, #tpu.memory_space<vmem>>, vector<16xf32>,
      %mul3A_368 = arith.mulf %get3A_367, %get3A_367 : vector<16xf32>
      %add3A_369 = arith.addf %add3A_349, %mul3A_368 : vector<16xf32>
      %get3A_370 = arith.index_cast %add3A_316 : i32 to index
      %get3A_371 = arith.constant 144 : index
      %get3A_372 = tpu.vector_load %arg4[%get3A_370, %get3A_371] {strides = array<i32>} : memref<64x256xf32, #tpu.memory_space<vmem>>, vector<16xf32>,
      %mul3A_373 = arith.mulf %get3A_372, %get3A_372 : vector<16xf32>
      %add3A_374 = arith.addf %add3A_354, %mul3A_373 : vector<16xf32>
      %get3A_375 = arith.index_cast %add3A_316 : i32 to index
      %get3A_376 = arith.constant 160 : index
      %get3A_377 = tpu.vector_load %arg4[%get3A_375, %get3A_376] {strides = array<i32>} : memref<64x256xf32, #tpu.memory_space<vmem>>, vector<16xf32>,
      %mul3A_378 = arith.mulf %get3A_377, %get3A_377 : vector<16xf32>
      %add3A_379 = arith.addf %add3A_359, %mul3A_378 : vector<16xf32>
      %get3A_380 = arith.index_cast %add3A_316 : i32 to index
      %get3A_381 = arith.constant 176 : index
      %get3A_382 = tpu.vector_load %arg4[%get3A_380, %get3A_381] {strides = array<i32>} : memref<64x256xf32, #tpu.memory_space<vmem>>, vector<16xf32>,
      %mul3A_383 = arith.mulf %get3A_382, %get3A_382 : vector<16xf32>
      %add3A_384 = arith.addf %add3A_364, %mul3A_383 : vector<16xf32>
      %get3A_385 = arith.index_cast %add3A_316 : i32 to index
      %get3A_386 = arith.constant 192 : index
      %get3A_387 = tpu.vector_load %arg4[%get3A_385, %get3A_386] {strides = array<i32>} : memref<64x256xf32, #tpu.memory_space<vmem>>, vector<16xf32>,
      %mul3A_388 = arith.mulf %get3A_387, %get3A_387 : vector<16xf32>
      %add3A_389 = arith.addf %add3A_369, %mul3A_388 : vector<16xf32>
      %get3A_390 = arith.index_cast %add3A_316 : i32 to index
      %get3A_391 = arith.constant 208 : index
      %get3A_392 = tpu.vector_load %arg4[%get3A_390, %get3A_391] {strides = array<i32>} : memref<64x256xf32, #tpu.memory_space<vmem>>, vector<16xf32>,
      %mul3A_393 = arith.mulf %get3A_392, %get3A_392 : vector<16xf32>
      %add3A_394 = arith.addf %add3A_374, %mul3A_393 : vector<16xf32>
      %get3A_395 = arith.index_cast %add3A_316 : i32 to index
      %get3A_396 = arith.constant 224 : index
      %get3A_397 = tpu.vector_load %arg4[%get3A_395, %get3A_396] {strides = array<i32>} : memref<64x256xf32, #tpu.memory_space<vmem>>, vector<16xf32>,
      %mul3A_398 = arith.mulf %get3A_397, %get3A_397 : vector<16xf32>
      %add3A_399 = arith.addf %add3A_379, %mul3A_398 : vector<16xf32>
      %get3A_400 = arith.index_cast %add3A_316 : i32 to index
      %get3A_401 = arith.constant 240 : index
      %get3A_402 = tpu.vector_load %arg4[%get3A_400, %get3A_401] {strides = array<i32>} : memref<64x256xf32, #tpu.memory_space<vmem>>, vector<16xf32>,
      %mul3A_403 = arith.mulf %get3A_402, %get3A_402 : vector<16xf32>
      %add3A_404 = arith.addf %add3A_384, %mul3A_403 : vector<16xf32>
      %add3A_405 = arith.addf %add3A_389, %add3A_394 : vector<16xf32>
      %add3A_406 = arith.addf %add3A_399, %add3A_404 : vector<16xf32>
      %add3A_407 = arith.addf %add3A_405, %add3A_406 : vector<16xf32>
      %broadcast_in_dim3A_408 = vector.shape_cast %xor3A_4 : vector<16xi32> to vector<16x1xi32>
      %gather3A_409 = vector.shape_cast %broadcast_in_dim3A_408 : vector<16x1xi32> to vector<16xi32>
      %gather3A_410 = tpu.dynamic_gather %add3A_407[%gather3A_409] in [0] : vector<16xf32>, vector<16xi32> -> vector<16xf32>
      %add3A_411 = arith.addf %add3A_407, %gather3A_410 : vector<16xf32>
      %broadcast_in_dim3A_412 = vector.shape_cast %xor3A_7 : vector<16xi32> to vector<16x1xi32>
      %gather3A_413 = vector.shape_cast %broadcast_in_dim3A_412 : vector<16x1xi32> to vector<16xi32>
      %gather3A_414 = tpu.dynamic_gather %add3A_411[%gather3A_413] in [0] : vector<16xf32>, vector<16xi32> -> vector<16xf32>
      %add3A_415 = arith.addf %add3A_411, %gather3A_414 : vector<16xf32>
      %broadcast_in_dim3A_416 = vector.shape_cast %xor3A_10 : vector<16xi32> to vector<16x1xi32>
      %gather3A_417 = vector.shape_cast %broadcast_in_dim3A_416 : vector<16x1xi32> to vector<16xi32>
      %gather3A_418 = tpu.dynamic_gather %add3A_415[%gather3A_417] in [0] : vector<16xf32>, vector<16xi32> -> vector<16xf32>
      %add3A_419 = arith.addf %add3A_415, %gather3A_418 : vector<16xf32>
      %broadcast_in_dim3A_420 = vector.shape_cast %xor3A_13 : vector<16xi32> to vector<16x1xi32>
      %gather3A_421 = vector.shape_cast %broadcast_in_dim3A_420 : vector<16x1xi32> to vector<16xi32>
      %gather3A_422 = tpu.dynamic_gather %add3A_419[%gather3A_421] in [0] : vector<16xf32>, vector<16xi32> -> vector<16xf32>
      %add3A_423 = arith.addf %add3A_419, %gather3A_422 : vector<16xf32>
      %bitcast3A_424 = vector.bitcast %add3A_423 : vector<16xf32> to vector<16xi32>
      %shift_right_logical3A_425 = arith.constant 1 : i32
      %shift_right_logical3A_426 = vector.broadcast %shift_right_logical3A_425 : i32 to vector<16xi32>
      %shift_right_logical3A_427 = arith.shrui %bitcast3A_424, %shift_right_logical3A_426 : vector<16xi32>
      %sub3A_428 = arith.constant 1597463007 : i32
      %sub3A_429 = vector.broadcast %sub3A_428 : i32 to vector<16xi32>
      %sub3A_430 = arith.subi %sub3A_429, %shift_right_logical3A_427 : vector<16xi32>
      %bitcast3A_431 = vector.bitcast %sub3A_430 : vector<16xi32> to vector<16xf32>
      %mul3A_432 = arith.constant 5.000000e-01 : f32
      %mul3A_433 = vector.broadcast %mul3A_432 : f32 to vector<16xf32>
      %mul3A_434 = arith.mulf %add3A_423, %mul3A_433 : vector<16xf32>
      %mul3A_435 = arith.mulf %mul3A_434, %bitcast3A_431 : vector<16xf32>
      %mul3A_436 = arith.mulf %mul3A_435, %bitcast3A_431 : vector<16xf32>
      %sub3A_437 = arith.constant 1.500000e+00 : f32
      %sub3A_438 = vector.broadcast %sub3A_437 : f32 to vector<16xf32>
      %sub3A_439 = arith.subf %sub3A_438, %mul3A_436 : vector<16xf32>
      %mul3A_440 = arith.mulf %bitcast3A_431, %sub3A_439 : vector<16xf32>
      %mul3A_441 = arith.mulf %mul3A_434, %mul3A_440 : vector<16xf32>
      %mul3A_442 = arith.mulf %mul3A_441, %mul3A_440 : vector<16xf32>
      %sub3A_443 = arith.constant 1.500000e+00 : f32
      %sub3A_444 = vector.broadcast %sub3A_443 : f32 to vector<16xf32>
      %sub3A_445 = arith.subf %sub3A_444, %mul3A_442 : vector<16xf32>
      %mul3A_446 = arith.mulf %mul3A_440, %sub3A_445 : vector<16xf32>
      %mul3A_447 = arith.mulf %mul3A_434, %mul3A_446 : vector<16xf32>
      %mul3A_448 = arith.mulf %mul3A_447, %mul3A_446 : vector<16xf32>
      %sub3A_449 = arith.constant 1.500000e+00 : f32
      %sub3A_450 = vector.broadcast %sub3A_449 : f32 to vector<16xf32>
      %sub3A_451 = arith.subf %sub3A_450, %mul3A_448 : vector<16xf32>
      %mul3A_452 = arith.mulf %mul3A_446, %sub3A_451 : vector<16xf32>
      %min3A_453 = arith.constant 9.99999995E+11 : f32
      %min3A_454 = vector.broadcast %min3A_453 : f32 to vector<16xf32>
      %min3A_455 = arith.minimumf %mul3A_452, %min3A_454 : vector<16xf32>
      %mul3A_456 = arith.mulf %get3A_327, %min3A_455 : vector<16xf32>
      %swap3A_457 = arith.index_cast %add3A_316 : i32 to index
      %swap3A_458 = arith.constant 0 : index
      %swap3A_459 = tpu.vector_load %arg4[%swap3A_457, %swap3A_458] {strides = array<i32>} : memref<64x256xf32, #tpu.memory_space<vmem>>, vector<16xf32>,
      tpu.vector_store %arg4[%swap3A_457, %swap3A_458], %mul3A_456 {strides = array<i32>} : memref<64x256xf32, #tpu.memory_space<vmem>>, vector<16xf32>,
      %mul3A_460 = arith.mulf %get3A_332, %min3A_455 : vector<16xf32>
      %swap3A_461 = arith.index_cast %add3A_316 : i32 to index
      %swap3A_462 = arith.constant 16 : index
      %swap3A_463 = tpu.vector_load %arg4[%swap3A_461, %swap3A_462] {strides = array<i32>} : memref<64x256xf32, #tpu.memory_space<vmem>>, vector<16xf32>,
      tpu.vector_store %arg4[%swap3A_461, %swap3A_462], %mul3A_460 {strides = array<i32>} : memref<64x256xf32, #tpu.memory_space<vmem>>, vector<16xf32>,
      %mul3A_464 = arith.mulf %get3A_337, %min3A_455 : vector<16xf32>
      %swap3A_465 = arith.index_cast %add3A_316 : i32 to index
      %swap3A_466 = arith.constant 32 : index
      %swap3A_467 = tpu.vector_load %arg4[%swap3A_465, %swap3A_466] {strides = array<i32>} : memref<64x256xf32, #tpu.memory_space<vmem>>, vector<16xf32>,
      tpu.vector_store %arg4[%swap3A_465, %swap3A_466], %mul3A_464 {strides = array<i32>} : memref<64x256xf32, #tpu.memory_space<vmem>>, vector<16xf32>,
      %mul3A_468 = arith.mulf %get3A_342, %min3A_455 : vector<16xf32>
      %swap3A_469 = arith.index_cast %add3A_316 : i32 to index
      %swap3A_470 = arith.constant 48 : index
      %swap3A_471 = tpu.vector_load %arg4[%swap3A_469, %swap3A_470] {strides = array<i32>} : memref<64x256xf32, #tpu.memory_space<vmem>>, vector<16xf32>,
      tpu.vector_store %arg4[%swap3A_469, %swap3A_470], %mul3A_468 {strides = array<i32>} : memref<64x256xf32, #tpu.memory_space<vmem>>, vector<16xf32>,
      %mul3A_472 = arith.mulf %get3A_347, %min3A_455 : vector<16xf32>
      %swap3A_473 = arith.index_cast %add3A_316 : i32 to index
      %swap3A_474 = arith.constant 64 : index
      %swap3A_475 = tpu.vector_load %arg4[%swap3A_473, %swap3A_474] {strides = array<i32>} : memref<64x256xf32, #tpu.memory_space<vmem>>, vector<16xf32>,
      tpu.vector_store %arg4[%swap3A_473, %swap3A_474], %mul3A_472 {strides = array<i32>} : memref<64x256xf32, #tpu.memory_space<vmem>>, vector<16xf32>,
      %mul3A_476 = arith.mulf %get3A_352, %min3A_455 : vector<16xf32>
      %swap3A_477 = arith.index_cast %add3A_316 : i32 to index
      %swap3A_478 = arith.constant 80 : index
      %swap3A_479 = tpu.vector_load %arg4[%swap3A_477, %swap3A_478] {strides = array<i32>} : memref<64x256xf32, #tpu.memory_space<vmem>>, vector<16xf32>,
      tpu.vector_store %arg4[%swap3A_477, %swap3A_478], %mul3A_476 {strides = array<i32>} : memref<64x256xf32, #tpu.memory_space<vmem>>, vector<16xf32>,
      %mul3A_480 = arith.mulf %get3A_357, %min3A_455 : vector<16xf32>
      %swap3A_481 = arith.index_cast %add3A_316 : i32 to index
      %swap3A_482 = arith.constant 96 : index
      %swap3A_483 = tpu.vector_load %arg4[%swap3A_481, %swap3A_482] {strides = array<i32>} : memref<64x256xf32, #tpu.memory_space<vmem>>, vector<16xf32>,
      tpu.vector_store %arg4[%swap3A_481, %swap3A_482], %mul3A_480 {strides = array<i32>} : memref<64x256xf32, #tpu.memory_space<vmem>>, vector<16xf32>,
      %mul3A_484 = arith.mulf %get3A_362, %min3A_455 : vector<16xf32>
      %swap3A_485 = arith.index_cast %add3A_316 : i32 to index
      %swap3A_486 = arith.constant 112 : index
      %swap3A_487 = tpu.vector_load %arg4[%swap3A_485, %swap3A_486] {strides = array<i32>} : memref<64x256xf32, #tpu.memory_space<vmem>>, vector<16xf32>,
      tpu.vector_store %arg4[%swap3A_485, %swap3A_486], %mul3A_484 {strides = array<i32>} : memref<64x256xf32, #tpu.memory_space<vmem>>, vector<16xf32>,
      %mul3A_488 = arith.mulf %get3A_367, %min3A_455 : vector<16xf32>
      %swap3A_489 = arith.index_cast %add3A_316 : i32 to index
      %swap3A_490 = arith.constant 128 : index
      %swap3A_491 = tpu.vector_load %arg4[%swap3A_489, %swap3A_490] {strides = array<i32>} : memref<64x256xf32, #tpu.memory_space<vmem>>, vector<16xf32>,
      tpu.vector_store %arg4[%swap3A_489, %swap3A_490], %mul3A_488 {strides = array<i32>} : memref<64x256xf32, #tpu.memory_space<vmem>>, vector<16xf32>,
      %mul3A_492 = arith.mulf %get3A_372, %min3A_455 : vector<16xf32>
      %swap3A_493 = arith.index_cast %add3A_316 : i32 to index
      %swap3A_494 = arith.constant 144 : index
      %swap3A_495 = tpu.vector_load %arg4[%swap3A_493, %swap3A_494] {strides = array<i32>} : memref<64x256xf32, #tpu.memory_space<vmem>>, vector<16xf32>,
      tpu.vector_store %arg4[%swap3A_493, %swap3A_494], %mul3A_492 {strides = array<i32>} : memref<64x256xf32, #tpu.memory_space<vmem>>, vector<16xf32>,
      %mul3A_496 = arith.mulf %get3A_377, %min3A_455 : vector<16xf32>
      %swap3A_497 = arith.index_cast %add3A_316 : i32 to index
      %swap3A_498 = arith.constant 160 : index
      %swap3A_499 = tpu.vector_load %arg4[%swap3A_497, %swap3A_498] {strides = array<i32>} : memref<64x256xf32, #tpu.memory_space<vmem>>, vector<16xf32>,
      tpu.vector_store %arg4[%swap3A_497, %swap3A_498], %mul3A_496 {strides = array<i32>} : memref<64x256xf32, #tpu.memory_space<vmem>>, vector<16xf32>,
      %mul3A_500 = arith.mulf %get3A_382, %min3A_455 : vector<16xf32>
      %swap3A_501 = arith.index_cast %add3A_316 : i32 to index
      %swap3A_502 = arith.constant 176 : index
      %swap3A_503 = tpu.vector_load %arg4[%swap3A_501, %swap3A_502] {strides = array<i32>} : memref<64x256xf32, #tpu.memory_space<vmem>>, vector<16xf32>,
      tpu.vector_store %arg4[%swap3A_501, %swap3A_502], %mul3A_500 {strides = array<i32>} : memref<64x256xf32, #tpu.memory_space<vmem>>, vector<16xf32>,
      %mul3A_504 = arith.mulf %get3A_387, %min3A_455 : vector<16xf32>
      %swap3A_505 = arith.index_cast %add3A_316 : i32 to index
      %swap3A_506 = arith.constant 192 : index
      %swap3A_507 = tpu.vector_load %arg4[%swap3A_505, %swap3A_506] {strides = array<i32>} : memref<64x256xf32, #tpu.memory_space<vmem>>, vector<16xf32>,
      tpu.vector_store %arg4[%swap3A_505, %swap3A_506], %mul3A_504 {strides = array<i32>} : memref<64x256xf32, #tpu.memory_space<vmem>>, vector<16xf32>,
      %mul3A_508 = arith.mulf %get3A_392, %min3A_455 : vector<16xf32>
      %swap3A_509 = arith.index_cast %add3A_316 : i32 to index
      %swap3A_510 = arith.constant 208 : index
      %swap3A_511 = tpu.vector_load %arg4[%swap3A_509, %swap3A_510] {strides = array<i32>} : memref<64x256xf32, #tpu.memory_space<vmem>>, vector<16xf32>,
      tpu.vector_store %arg4[%swap3A_509, %swap3A_510], %mul3A_508 {strides = array<i32>} : memref<64x256xf32, #tpu.memory_space<vmem>>, vector<16xf32>,
      %mul3A_512 = arith.mulf %get3A_397, %min3A_455 : vector<16xf32>
      %swap3A_513 = arith.index_cast %add3A_316 : i32 to index
      %swap3A_514 = arith.constant 224 : index
      %swap3A_515 = tpu.vector_load %arg4[%swap3A_513, %swap3A_514] {strides = array<i32>} : memref<64x256xf32, #tpu.memory_space<vmem>>, vector<16xf32>,
      tpu.vector_store %arg4[%swap3A_513, %swap3A_514], %mul3A_512 {strides = array<i32>} : memref<64x256xf32, #tpu.memory_space<vmem>>, vector<16xf32>,
      %mul3A_516 = arith.mulf %get3A_402, %min3A_455 : vector<16xf32>
      %swap3A_517 = arith.index_cast %add3A_316 : i32 to index
      %swap3A_518 = arith.constant 240 : index
      %swap3A_519 = tpu.vector_load %arg4[%swap3A_517, %swap3A_518] {strides = array<i32>} : memref<64x256xf32, #tpu.memory_space<vmem>>, vector<16xf32>,
      tpu.vector_store %arg4[%swap3A_517, %swap3A_518], %mul3A_516 {strides = array<i32>} : memref<64x256xf32, #tpu.memory_space<vmem>>, vector<16xf32>,
    }
    %scan3A_84 = arith.constant 32 : i32
    %add3A_85 = arith.constant 128 : i32
    %add3A_86 = arith.addi %mul3A_2, %add3A_85 : i32
    %dma_start3A_87 = arith.constant 0 : i32
    %dma_start3A_88 = tpu.memref_slice %arg3[%add3A_86, %dma_start3A_87] : memref<8192x256xf32, #tpu.memory_space<hbm>> -> memref<64x256xf32, #tpu.memory_space<hbm>>
    %dma_start3A_89 = arith.constant 0 : i32
    %dma_start3A_90 = tpu.memref_slice %arg3[%add3A_86, %dma_start3A_89] : memref<8192x256xf32, #tpu.memory_space<hbm>> -> memref<64x256xf32, #tpu.memory_space<hbm>>
    tpu.enqueue_dma source(%arg4 : memref<64x256xf32, #tpu.memory_space<vmem>>) target(%dma_start3A_90 : memref<64x256xf32, #tpu.memory_space<hbm>>) target_semaphore(%arg8 : memref<!tpu.dma_semaphore, #tpu.memory_space<semaphore_mem>>)
    %dma_wait3A_91 = arith.constant 0 : i32
    %dma_wait3A_92 = tpu.memref_slice %arg2[%add3A_74, %dma_wait3A_91] : memref<8192x256xf32, #tpu.memory_space<hbm>> -> memref<64x256xf32, #tpu.memory_space<hbm>>
    %dma_wait3A_93 = arith.constant 0 : i32
    %dma_wait3A_94 = tpu.memref_slice %arg2[%add3A_74, %dma_wait3A_93] : memref<8192x256xf32, #tpu.memory_space<hbm>> -> memref<64x256xf32, #tpu.memory_space<hbm>>
    tpu.wait_dma2 semaphore(%arg7 : memref<!tpu.dma_semaphore, #tpu.memory_space<semaphore_mem>>) src(%dma_wait3A_94 : memref<64x256xf32, #tpu.memory_space<hbm>>) dst(%arg5 : memref<64x256xf32, #tpu.memory_space<vmem>>)
    %scan3A_95 = arith.constant 0 : i32
    %scan3A_96 = arith.constant 0 : i32
    %scan3A_97 = arith.constant 32 : i32
    %scan3A_98 = arith.addi %scan3A_96, %scan3A_97 : i32
    %scan3A_99 = arith.constant 1 : i32
    scf.for %scan3A_115 = %scan3A_96 to %scan3A_98 step %scan3A_99  : i32 {
      %mul3A_116 = arith.constant 2 : i32
      %mul3A_117 = arith.muli %scan3A_115, %mul3A_116 : i32
      %broadcast_in_dim3A = arith.constant 0.000000e+00 : f32
      %broadcast_in_dim3A_118 = vector.broadcast %broadcast_in_dim3A : f32 to vector<16xf32>
      %broadcast_in_dim3A_119 = arith.constant 0.000000e+00 : f32
      %broadcast_in_dim3A_120 = vector.broadcast %broadcast_in_dim3A_119 : f32 to vector<16xf32>
      %broadcast_in_dim3A_121 = arith.constant 0.000000e+00 : f32
      %broadcast_in_dim3A_122 = vector.broadcast %broadcast_in_dim3A_121 : f32 to vector<16xf32>
      %broadcast_in_dim3A_123 = arith.constant 0.000000e+00 : f32
      %broadcast_in_dim3A_124 = vector.broadcast %broadcast_in_dim3A_123 : f32 to vector<16xf32>
      %get3A = arith.index_cast %mul3A_117 : i32 to index
      %get3A_125 = arith.constant 0 : index
      %get3A_126 = tpu.vector_load %arg5[%get3A, %get3A_125] {strides = array<i32>} : memref<64x256xf32, #tpu.memory_space<vmem>>, vector<16xf32>,
      %mul3A_127 = arith.mulf %get3A_126, %get3A_126 : vector<16xf32>
      %add3A_128 = arith.addf %broadcast_in_dim3A_118, %mul3A_127 : vector<16xf32>
      %get3A_129 = arith.index_cast %mul3A_117 : i32 to index
      %get3A_130 = arith.constant 16 : index
      %get3A_131 = tpu.vector_load %arg5[%get3A_129, %get3A_130] {strides = array<i32>} : memref<64x256xf32, #tpu.memory_space<vmem>>, vector<16xf32>,
      %mul3A_132 = arith.mulf %get3A_131, %get3A_131 : vector<16xf32>
      %add3A_133 = arith.addf %broadcast_in_dim3A_120, %mul3A_132 : vector<16xf32>
      %get3A_134 = arith.index_cast %mul3A_117 : i32 to index
      %get3A_135 = arith.constant 32 : index
      %get3A_136 = tpu.vector_load %arg5[%get3A_134, %get3A_135] {strides = array<i32>} : memref<64x256xf32, #tpu.memory_space<vmem>>, vector<16xf32>,
      %mul3A_137 = arith.mulf %get3A_136, %get3A_136 : vector<16xf32>
      %add3A_138 = arith.addf %broadcast_in_dim3A_122, %mul3A_137 : vector<16xf32>
      %get3A_139 = arith.index_cast %mul3A_117 : i32 to index
      %get3A_140 = arith.constant 48 : index
      %get3A_141 = tpu.vector_load %arg5[%get3A_139, %get3A_140] {strides = array<i32>} : memref<64x256xf32, #tpu.memory_space<vmem>>, vector<16xf32>,
      %mul3A_142 = arith.mulf %get3A_141, %get3A_141 : vector<16xf32>
      %add3A_143 = arith.addf %broadcast_in_dim3A_124, %mul3A_142 : vector<16xf32>
      %get3A_144 = arith.index_cast %mul3A_117 : i32 to index
      %get3A_145 = arith.constant 64 : index
      %get3A_146 = tpu.vector_load %arg5[%get3A_144, %get3A_145] {strides = array<i32>} : memref<64x256xf32, #tpu.memory_space<vmem>>, vector<16xf32>,
      %mul3A_147 = arith.mulf %get3A_146, %get3A_146 : vector<16xf32>
      %add3A_148 = arith.addf %add3A_128, %mul3A_147 : vector<16xf32>
      %get3A_149 = arith.index_cast %mul3A_117 : i32 to index
      %get3A_150 = arith.constant 80 : index
      %get3A_151 = tpu.vector_load %arg5[%get3A_149, %get3A_150] {strides = array<i32>} : memref<64x256xf32, #tpu.memory_space<vmem>>, vector<16xf32>,
      %mul3A_152 = arith.mulf %get3A_151, %get3A_151 : vector<16xf32>
      %add3A_153 = arith.addf %add3A_133, %mul3A_152 : vector<16xf32>
      %get3A_154 = arith.index_cast %mul3A_117 : i32 to index
      %get3A_155 = arith.constant 96 : index
      %get3A_156 = tpu.vector_load %arg5[%get3A_154, %get3A_155] {strides = array<i32>} : memref<64x256xf32, #tpu.memory_space<vmem>>, vector<16xf32>,
      %mul3A_157 = arith.mulf %get3A_156, %get3A_156 : vector<16xf32>
      %add3A_158 = arith.addf %add3A_138, %mul3A_157 : vector<16xf32>
      %get3A_159 = arith.index_cast %mul3A_117 : i32 to index
      %get3A_160 = arith.constant 112 : index
      %get3A_161 = tpu.vector_load %arg5[%get3A_159, %get3A_160] {strides = array<i32>} : memref<64x256xf32, #tpu.memory_space<vmem>>, vector<16xf32>,
      %mul3A_162 = arith.mulf %get3A_161, %get3A_161 : vector<16xf32>
      %add3A_163 = arith.addf %add3A_143, %mul3A_162 : vector<16xf32>
      %get3A_164 = arith.index_cast %mul3A_117 : i32 to index
      %get3A_165 = arith.constant 128 : index
      %get3A_166 = tpu.vector_load %arg5[%get3A_164, %get3A_165] {strides = array<i32>} : memref<64x256xf32, #tpu.memory_space<vmem>>, vector<16xf32>,
      %mul3A_167 = arith.mulf %get3A_166, %get3A_166 : vector<16xf32>
      %add3A_168 = arith.addf %add3A_148, %mul3A_167 : vector<16xf32>
      %get3A_169 = arith.index_cast %mul3A_117 : i32 to index
      %get3A_170 = arith.constant 144 : index
      %get3A_171 = tpu.vector_load %arg5[%get3A_169, %get3A_170] {strides = array<i32>} : memref<64x256xf32, #tpu.memory_space<vmem>>, vector<16xf32>,
      %mul3A_172 = arith.mulf %get3A_171, %get3A_171 : vector<16xf32>
      %add3A_173 = arith.addf %add3A_153, %mul3A_172 : vector<16xf32>
      %get3A_174 = arith.index_cast %mul3A_117 : i32 to index
      %get3A_175 = arith.constant 160 : index
      %get3A_176 = tpu.vector_load %arg5[%get3A_174, %get3A_175] {strides = array<i32>} : memref<64x256xf32, #tpu.memory_space<vmem>>, vector<16xf32>,
      %mul3A_177 = arith.mulf %get3A_176, %get3A_176 : vector<16xf32>
      %add3A_178 = arith.addf %add3A_158, %mul3A_177 : vector<16xf32>
      %get3A_179 = arith.index_cast %mul3A_117 : i32 to index
      %get3A_180 = arith.constant 176 : index
      %get3A_181 = tpu.vector_load %arg5[%get3A_179, %get3A_180] {strides = array<i32>} : memref<64x256xf32, #tpu.memory_space<vmem>>, vector<16xf32>,
      %mul3A_182 = arith.mulf %get3A_181, %get3A_181 : vector<16xf32>
      %add3A_183 = arith.addf %add3A_163, %mul3A_182 : vector<16xf32>
      %get3A_184 = arith.index_cast %mul3A_117 : i32 to index
      %get3A_185 = arith.constant 192 : index
      %get3A_186 = tpu.vector_load %arg5[%get3A_184, %get3A_185] {strides = array<i32>} : memref<64x256xf32, #tpu.memory_space<vmem>>, vector<16xf32>,
      %mul3A_187 = arith.mulf %get3A_186, %get3A_186 : vector<16xf32>
      %add3A_188 = arith.addf %add3A_168, %mul3A_187 : vector<16xf32>
      %get3A_189 = arith.index_cast %mul3A_117 : i32 to index
      %get3A_190 = arith.constant 208 : index
      %get3A_191 = tpu.vector_load %arg5[%get3A_189, %get3A_190] {strides = array<i32>} : memref<64x256xf32, #tpu.memory_space<vmem>>, vector<16xf32>,
      %mul3A_192 = arith.mulf %get3A_191, %get3A_191 : vector<16xf32>
      %add3A_193 = arith.addf %add3A_173, %mul3A_192 : vector<16xf32>
      %get3A_194 = arith.index_cast %mul3A_117 : i32 to index
      %get3A_195 = arith.constant 224 : index
      %get3A_196 = tpu.vector_load %arg5[%get3A_194, %get3A_195] {strides = array<i32>} : memref<64x256xf32, #tpu.memory_space<vmem>>, vector<16xf32>,
      %mul3A_197 = arith.mulf %get3A_196, %get3A_196 : vector<16xf32>
      %add3A_198 = arith.addf %add3A_178, %mul3A_197 : vector<16xf32>
      %get3A_199 = arith.index_cast %mul3A_117 : i32 to index
      %get3A_200 = arith.constant 240 : index
      %get3A_201 = tpu.vector_load %arg5[%get3A_199, %get3A_200] {strides = array<i32>} : memref<64x256xf32, #tpu.memory_space<vmem>>, vector<16xf32>,
      %mul3A_202 = arith.mulf %get3A_201, %get3A_201 : vector<16xf32>
      %add3A_203 = arith.addf %add3A_183, %mul3A_202 : vector<16xf32>
      %add3A_204 = arith.addf %add3A_188, %add3A_193 : vector<16xf32>
      %add3A_205 = arith.addf %add3A_198, %add3A_203 : vector<16xf32>
      %add3A_206 = arith.addf %add3A_204, %add3A_205 : vector<16xf32>
      %broadcast_in_dim3A_207 = vector.shape_cast %xor3A_4 : vector<16xi32> to vector<16x1xi32>
      %gather3A = vector.shape_cast %broadcast_in_dim3A_207 : vector<16x1xi32> to vector<16xi32>
      %gather3A_208 = tpu.dynamic_gather %add3A_206[%gather3A] in [0] : vector<16xf32>, vector<16xi32> -> vector<16xf32>
      %add3A_209 = arith.addf %add3A_206, %gather3A_208 : vector<16xf32>
      %broadcast_in_dim3A_210 = vector.shape_cast %xor3A_7 : vector<16xi32> to vector<16x1xi32>
      %gather3A_211 = vector.shape_cast %broadcast_in_dim3A_210 : vector<16x1xi32> to vector<16xi32>
      %gather3A_212 = tpu.dynamic_gather %add3A_209[%gather3A_211] in [0] : vector<16xf32>, vector<16xi32> -> vector<16xf32>
      %add3A_213 = arith.addf %add3A_209, %gather3A_212 : vector<16xf32>
      %broadcast_in_dim3A_214 = vector.shape_cast %xor3A_10 : vector<16xi32> to vector<16x1xi32>
      %gather3A_215 = vector.shape_cast %broadcast_in_dim3A_214 : vector<16x1xi32> to vector<16xi32>
      %gather3A_216 = tpu.dynamic_gather %add3A_213[%gather3A_215] in [0] : vector<16xf32>, vector<16xi32> -> vector<16xf32>
      %add3A_217 = arith.addf %add3A_213, %gather3A_216 : vector<16xf32>
      %broadcast_in_dim3A_218 = vector.shape_cast %xor3A_13 : vector<16xi32> to vector<16x1xi32>
      %gather3A_219 = vector.shape_cast %broadcast_in_dim3A_218 : vector<16x1xi32> to vector<16xi32>
      %gather3A_220 = tpu.dynamic_gather %add3A_217[%gather3A_219] in [0] : vector<16xf32>, vector<16xi32> -> vector<16xf32>
      %add3A_221 = arith.addf %add3A_217, %gather3A_220 : vector<16xf32>
      %bitcast3A = vector.bitcast %add3A_221 : vector<16xf32> to vector<16xi32>
      %shift_right_logical3A = arith.constant 1 : i32
      %shift_right_logical3A_222 = vector.broadcast %shift_right_logical3A : i32 to vector<16xi32>
      %shift_right_logical3A_223 = arith.shrui %bitcast3A, %shift_right_logical3A_222 : vector<16xi32>
      %sub3A = arith.constant 1597463007 : i32
      %sub3A_224 = vector.broadcast %sub3A : i32 to vector<16xi32>
      %sub3A_225 = arith.subi %sub3A_224, %shift_right_logical3A_223 : vector<16xi32>
      %bitcast3A_226 = vector.bitcast %sub3A_225 : vector<16xi32> to vector<16xf32>
      %mul3A_227 = arith.constant 5.000000e-01 : f32
      %mul3A_228 = vector.broadcast %mul3A_227 : f32 to vector<16xf32>
      %mul3A_229 = arith.mulf %add3A_221, %mul3A_228 : vector<16xf32>
      %mul3A_230 = arith.mulf %mul3A_229, %bitcast3A_226 : vector<16xf32>
      %mul3A_231 = arith.mulf %mul3A_230, %bitcast3A_226 : vector<16xf32>
      %sub3A_232 = arith.constant 1.500000e+00 : f32
      %sub3A_233 = vector.broadcast %sub3A_232 : f32 to vector<16xf32>
      %sub3A_234 = arith.subf %sub3A_233, %mul3A_231 : vector<16xf32>
      %mul3A_235 = arith.mulf %bitcast3A_226, %sub3A_234 : vector<16xf32>
      %mul3A_236 = arith.mulf %mul3A_229, %mul3A_235 : vector<16xf32>
      %mul3A_237 = arith.mulf %mul3A_236, %mul3A_235 : vector<16xf32>
      %sub3A_238 = arith.constant 1.500000e+00 : f32
      %sub3A_239 = vector.broadcast %sub3A_238 : f32 to vector<16xf32>
      %sub3A_240 = arith.subf %sub3A_239, %mul3A_237 : vector<16xf32>
      %mul3A_241 = arith.mulf %mul3A_235, %sub3A_240 : vector<16xf32>
      %mul3A_242 = arith.mulf %mul3A_229, %mul3A_241 : vector<16xf32>
      %mul3A_243 = arith.mulf %mul3A_242, %mul3A_241 : vector<16xf32>
      %sub3A_244 = arith.constant 1.500000e+00 : f32
      %sub3A_245 = vector.broadcast %sub3A_244 : f32 to vector<16xf32>
      %sub3A_246 = arith.subf %sub3A_245, %mul3A_243 : vector<16xf32>
      %mul3A_247 = arith.mulf %mul3A_241, %sub3A_246 : vector<16xf32>
      %min3A = arith.constant 9.99999995E+11 : f32
      %min3A_248 = vector.broadcast %min3A : f32 to vector<16xf32>
      %min3A_249 = arith.minimumf %mul3A_247, %min3A_248 : vector<16xf32>
      %mul3A_250 = arith.mulf %get3A_126, %min3A_249 : vector<16xf32>
      %swap3A = arith.index_cast %mul3A_117 : i32 to index
      %swap3A_251 = arith.constant 0 : index
      %swap3A_252 = tpu.vector_load %arg5[%swap3A, %swap3A_251] {strides = array<i32>} : memref<64x256xf32, #tpu.memory_space<vmem>>, vector<16xf32>,
      tpu.vector_store %arg5[%swap3A, %swap3A_251], %mul3A_250 {strides = array<i32>} : memref<64x256xf32, #tpu.memory_space<vmem>>, vector<16xf32>,
      %mul3A_253 = arith.mulf %get3A_131, %min3A_249 : vector<16xf32>
      %swap3A_254 = arith.index_cast %mul3A_117 : i32 to index
      %swap3A_255 = arith.constant 16 : index
      %swap3A_256 = tpu.vector_load %arg5[%swap3A_254, %swap3A_255] {strides = array<i32>} : memref<64x256xf32, #tpu.memory_space<vmem>>, vector<16xf32>,
      tpu.vector_store %arg5[%swap3A_254, %swap3A_255], %mul3A_253 {strides = array<i32>} : memref<64x256xf32, #tpu.memory_space<vmem>>, vector<16xf32>,
      %mul3A_257 = arith.mulf %get3A_136, %min3A_249 : vector<16xf32>
      %swap3A_258 = arith.index_cast %mul3A_117 : i32 to index
      %swap3A_259 = arith.constant 32 : index
      %swap3A_260 = tpu.vector_load %arg5[%swap3A_258, %swap3A_259] {strides = array<i32>} : memref<64x256xf32, #tpu.memory_space<vmem>>, vector<16xf32>,
      tpu.vector_store %arg5[%swap3A_258, %swap3A_259], %mul3A_257 {strides = array<i32>} : memref<64x256xf32, #tpu.memory_space<vmem>>, vector<16xf32>,
      %mul3A_261 = arith.mulf %get3A_141, %min3A_249 : vector<16xf32>
      %swap3A_262 = arith.index_cast %mul3A_117 : i32 to index
      %swap3A_263 = arith.constant 48 : index
      %swap3A_264 = tpu.vector_load %arg5[%swap3A_262, %swap3A_263] {strides = array<i32>} : memref<64x256xf32, #tpu.memory_space<vmem>>, vector<16xf32>,
      tpu.vector_store %arg5[%swap3A_262, %swap3A_263], %mul3A_261 {strides = array<i32>} : memref<64x256xf32, #tpu.memory_space<vmem>>, vector<16xf32>,
      %mul3A_265 = arith.mulf %get3A_146, %min3A_249 : vector<16xf32>
      %swap3A_266 = arith.index_cast %mul3A_117 : i32 to index
      %swap3A_267 = arith.constant 64 : index
      %swap3A_268 = tpu.vector_load %arg5[%swap3A_266, %swap3A_267] {strides = array<i32>} : memref<64x256xf32, #tpu.memory_space<vmem>>, vector<16xf32>,
      tpu.vector_store %arg5[%swap3A_266, %swap3A_267], %mul3A_265 {strides = array<i32>} : memref<64x256xf32, #tpu.memory_space<vmem>>, vector<16xf32>,
      %mul3A_269 = arith.mulf %get3A_151, %min3A_249 : vector<16xf32>
      %swap3A_270 = arith.index_cast %mul3A_117 : i32 to index
      %swap3A_271 = arith.constant 80 : index
      %swap3A_272 = tpu.vector_load %arg5[%swap3A_270, %swap3A_271] {strides = array<i32>} : memref<64x256xf32, #tpu.memory_space<vmem>>, vector<16xf32>,
      tpu.vector_store %arg5[%swap3A_270, %swap3A_271], %mul3A_269 {strides = array<i32>} : memref<64x256xf32, #tpu.memory_space<vmem>>, vector<16xf32>,
      %mul3A_273 = arith.mulf %get3A_156, %min3A_249 : vector<16xf32>
      %swap3A_274 = arith.index_cast %mul3A_117 : i32 to index
      %swap3A_275 = arith.constant 96 : index
      %swap3A_276 = tpu.vector_load %arg5[%swap3A_274, %swap3A_275] {strides = array<i32>} : memref<64x256xf32, #tpu.memory_space<vmem>>, vector<16xf32>,
      tpu.vector_store %arg5[%swap3A_274, %swap3A_275], %mul3A_273 {strides = array<i32>} : memref<64x256xf32, #tpu.memory_space<vmem>>, vector<16xf32>,
      %mul3A_277 = arith.mulf %get3A_161, %min3A_249 : vector<16xf32>
      %swap3A_278 = arith.index_cast %mul3A_117 : i32 to index
      %swap3A_279 = arith.constant 112 : index
      %swap3A_280 = tpu.vector_load %arg5[%swap3A_278, %swap3A_279] {strides = array<i32>} : memref<64x256xf32, #tpu.memory_space<vmem>>, vector<16xf32>,
      tpu.vector_store %arg5[%swap3A_278, %swap3A_279], %mul3A_277 {strides = array<i32>} : memref<64x256xf32, #tpu.memory_space<vmem>>, vector<16xf32>,
      %mul3A_281 = arith.mulf %get3A_166, %min3A_249 : vector<16xf32>
      %swap3A_282 = arith.index_cast %mul3A_117 : i32 to index
      %swap3A_283 = arith.constant 128 : index
      %swap3A_284 = tpu.vector_load %arg5[%swap3A_282, %swap3A_283] {strides = array<i32>} : memref<64x256xf32, #tpu.memory_space<vmem>>, vector<16xf32>,
      tpu.vector_store %arg5[%swap3A_282, %swap3A_283], %mul3A_281 {strides = array<i32>} : memref<64x256xf32, #tpu.memory_space<vmem>>, vector<16xf32>,
      %mul3A_285 = arith.mulf %get3A_171, %min3A_249 : vector<16xf32>
      %swap3A_286 = arith.index_cast %mul3A_117 : i32 to index
      %swap3A_287 = arith.constant 144 : index
      %swap3A_288 = tpu.vector_load %arg5[%swap3A_286, %swap3A_287] {strides = array<i32>} : memref<64x256xf32, #tpu.memory_space<vmem>>, vector<16xf32>,
      tpu.vector_store %arg5[%swap3A_286, %swap3A_287], %mul3A_285 {strides = array<i32>} : memref<64x256xf32, #tpu.memory_space<vmem>>, vector<16xf32>,
      %mul3A_289 = arith.mulf %get3A_176, %min3A_249 : vector<16xf32>
      %swap3A_290 = arith.index_cast %mul3A_117 : i32 to index
      %swap3A_291 = arith.constant 160 : index
      %swap3A_292 = tpu.vector_load %arg5[%swap3A_290, %swap3A_291] {strides = array<i32>} : memref<64x256xf32, #tpu.memory_space<vmem>>, vector<16xf32>,
      tpu.vector_store %arg5[%swap3A_290, %swap3A_291], %mul3A_289 {strides = array<i32>} : memref<64x256xf32, #tpu.memory_space<vmem>>, vector<16xf32>,
      %mul3A_293 = arith.mulf %get3A_181, %min3A_249 : vector<16xf32>
      %swap3A_294 = arith.index_cast %mul3A_117 : i32 to index
      %swap3A_295 = arith.constant 176 : index
      %swap3A_296 = tpu.vector_load %arg5[%swap3A_294, %swap3A_295] {strides = array<i32>} : memref<64x256xf32, #tpu.memory_space<vmem>>, vector<16xf32>,
      tpu.vector_store %arg5[%swap3A_294, %swap3A_295], %mul3A_293 {strides = array<i32>} : memref<64x256xf32, #tpu.memory_space<vmem>>, vector<16xf32>,
      %mul3A_297 = arith.mulf %get3A_186, %min3A_249 : vector<16xf32>
      %swap3A_298 = arith.index_cast %mul3A_117 : i32 to index
      %swap3A_299 = arith.constant 192 : index
      %swap3A_300 = tpu.vector_load %arg5[%swap3A_298, %swap3A_299] {strides = array<i32>} : memref<64x256xf32, #tpu.memory_space<vmem>>, vector<16xf32>,
      tpu.vector_store %arg5[%swap3A_298, %swap3A_299], %mul3A_297 {strides = array<i32>} : memref<64x256xf32, #tpu.memory_space<vmem>>, vector<16xf32>,
      %mul3A_301 = arith.mulf %get3A_191, %min3A_249 : vector<16xf32>
      %swap3A_302 = arith.index_cast %mul3A_117 : i32 to index
      %swap3A_303 = arith.constant 208 : index
      %swap3A_304 = tpu.vector_load %arg5[%swap3A_302, %swap3A_303] {strides = array<i32>} : memref<64x256xf32, #tpu.memory_space<vmem>>, vector<16xf32>,
      tpu.vector_store %arg5[%swap3A_302, %swap3A_303], %mul3A_301 {strides = array<i32>} : memref<64x256xf32, #tpu.memory_space<vmem>>, vector<16xf32>,
      %mul3A_305 = arith.mulf %get3A_196, %min3A_249 : vector<16xf32>
      %swap3A_306 = arith.index_cast %mul3A_117 : i32 to index
      %swap3A_307 = arith.constant 224 : index
      %swap3A_308 = tpu.vector_load %arg5[%swap3A_306, %swap3A_307] {strides = array<i32>} : memref<64x256xf32, #tpu.memory_space<vmem>>, vector<16xf32>,
      tpu.vector_store %arg5[%swap3A_306, %swap3A_307], %mul3A_305 {strides = array<i32>} : memref<64x256xf32, #tpu.memory_space<vmem>>, vector<16xf32>,
      %mul3A_309 = arith.mulf %get3A_201, %min3A_249 : vector<16xf32>
      %swap3A_310 = arith.index_cast %mul3A_117 : i32 to index
      %swap3A_311 = arith.constant 240 : index
      %swap3A_312 = tpu.vector_load %arg5[%swap3A_310, %swap3A_311] {strides = array<i32>} : memref<64x256xf32, #tpu.memory_space<vmem>>, vector<16xf32>,
      tpu.vector_store %arg5[%swap3A_310, %swap3A_311], %mul3A_309 {strides = array<i32>} : memref<64x256xf32, #tpu.memory_space<vmem>>, vector<16xf32>,
      %mul3A_313 = arith.constant 2 : i32
      %mul3A_314 = arith.muli %scan3A_115, %mul3A_313 : i32
      %add3A_315 = arith.constant 1 : i32
      %add3A_316 = arith.addi %mul3A_314, %add3A_315 : i32
      %broadcast_in_dim3A_317 = arith.constant 0.000000e+00 : f32
      %broadcast_in_dim3A_318 = vector.broadcast %broadcast_in_dim3A_317 : f32 to vector<16xf32>
      %broadcast_in_dim3A_319 = arith.constant 0.000000e+00 : f32
      %broadcast_in_dim3A_320 = vector.broadcast %broadcast_in_dim3A_319 : f32 to vector<16xf32>
      %broadcast_in_dim3A_321 = arith.constant 0.000000e+00 : f32
      %broadcast_in_dim3A_322 = vector.broadcast %broadcast_in_dim3A_321 : f32 to vector<16xf32>
      %broadcast_in_dim3A_323 = arith.constant 0.000000e+00 : f32
      %broadcast_in_dim3A_324 = vector.broadcast %broadcast_in_dim3A_323 : f32 to vector<16xf32>
      %get3A_325 = arith.index_cast %add3A_316 : i32 to index
      %get3A_326 = arith.constant 0 : index
      %get3A_327 = tpu.vector_load %arg5[%get3A_325, %get3A_326] {strides = array<i32>} : memref<64x256xf32, #tpu.memory_space<vmem>>, vector<16xf32>,
      %mul3A_328 = arith.mulf %get3A_327, %get3A_327 : vector<16xf32>
      %add3A_329 = arith.addf %broadcast_in_dim3A_318, %mul3A_328 : vector<16xf32>
      %get3A_330 = arith.index_cast %add3A_316 : i32 to index
      %get3A_331 = arith.constant 16 : index
      %get3A_332 = tpu.vector_load %arg5[%get3A_330, %get3A_331] {strides = array<i32>} : memref<64x256xf32, #tpu.memory_space<vmem>>, vector<16xf32>,
      %mul3A_333 = arith.mulf %get3A_332, %get3A_332 : vector<16xf32>
      %add3A_334 = arith.addf %broadcast_in_dim3A_320, %mul3A_333 : vector<16xf32>
      %get3A_335 = arith.index_cast %add3A_316 : i32 to index
      %get3A_336 = arith.constant 32 : index
      %get3A_337 = tpu.vector_load %arg5[%get3A_335, %get3A_336] {strides = array<i32>} : memref<64x256xf32, #tpu.memory_space<vmem>>, vector<16xf32>,
      %mul3A_338 = arith.mulf %get3A_337, %get3A_337 : vector<16xf32>
      %add3A_339 = arith.addf %broadcast_in_dim3A_322, %mul3A_338 : vector<16xf32>
      %get3A_340 = arith.index_cast %add3A_316 : i32 to index
      %get3A_341 = arith.constant 48 : index
      %get3A_342 = tpu.vector_load %arg5[%get3A_340, %get3A_341] {strides = array<i32>} : memref<64x256xf32, #tpu.memory_space<vmem>>, vector<16xf32>,
      %mul3A_343 = arith.mulf %get3A_342, %get3A_342 : vector<16xf32>
      %add3A_344 = arith.addf %broadcast_in_dim3A_324, %mul3A_343 : vector<16xf32>
      %get3A_345 = arith.index_cast %add3A_316 : i32 to index
      %get3A_346 = arith.constant 64 : index
      %get3A_347 = tpu.vector_load %arg5[%get3A_345, %get3A_346] {strides = array<i32>} : memref<64x256xf32, #tpu.memory_space<vmem>>, vector<16xf32>,
      %mul3A_348 = arith.mulf %get3A_347, %get3A_347 : vector<16xf32>
      %add3A_349 = arith.addf %add3A_329, %mul3A_348 : vector<16xf32>
      %get3A_350 = arith.index_cast %add3A_316 : i32 to index
      %get3A_351 = arith.constant 80 : index
      %get3A_352 = tpu.vector_load %arg5[%get3A_350, %get3A_351] {strides = array<i32>} : memref<64x256xf32, #tpu.memory_space<vmem>>, vector<16xf32>,
      %mul3A_353 = arith.mulf %get3A_352, %get3A_352 : vector<16xf32>
      %add3A_354 = arith.addf %add3A_334, %mul3A_353 : vector<16xf32>
      %get3A_355 = arith.index_cast %add3A_316 : i32 to index
      %get3A_356 = arith.constant 96 : index
      %get3A_357 = tpu.vector_load %arg5[%get3A_355, %get3A_356] {strides = array<i32>} : memref<64x256xf32, #tpu.memory_space<vmem>>, vector<16xf32>,
      %mul3A_358 = arith.mulf %get3A_357, %get3A_357 : vector<16xf32>
      %add3A_359 = arith.addf %add3A_339, %mul3A_358 : vector<16xf32>
      %get3A_360 = arith.index_cast %add3A_316 : i32 to index
      %get3A_361 = arith.constant 112 : index
      %get3A_362 = tpu.vector_load %arg5[%get3A_360, %get3A_361] {strides = array<i32>} : memref<64x256xf32, #tpu.memory_space<vmem>>, vector<16xf32>,
      %mul3A_363 = arith.mulf %get3A_362, %get3A_362 : vector<16xf32>
      %add3A_364 = arith.addf %add3A_344, %mul3A_363 : vector<16xf32>
      %get3A_365 = arith.index_cast %add3A_316 : i32 to index
      %get3A_366 = arith.constant 128 : index
      %get3A_367 = tpu.vector_load %arg5[%get3A_365, %get3A_366] {strides = array<i32>} : memref<64x256xf32, #tpu.memory_space<vmem>>, vector<16xf32>,
      %mul3A_368 = arith.mulf %get3A_367, %get3A_367 : vector<16xf32>
      %add3A_369 = arith.addf %add3A_349, %mul3A_368 : vector<16xf32>
      %get3A_370 = arith.index_cast %add3A_316 : i32 to index
      %get3A_371 = arith.constant 144 : index
      %get3A_372 = tpu.vector_load %arg5[%get3A_370, %get3A_371] {strides = array<i32>} : memref<64x256xf32, #tpu.memory_space<vmem>>, vector<16xf32>,
      %mul3A_373 = arith.mulf %get3A_372, %get3A_372 : vector<16xf32>
      %add3A_374 = arith.addf %add3A_354, %mul3A_373 : vector<16xf32>
      %get3A_375 = arith.index_cast %add3A_316 : i32 to index
      %get3A_376 = arith.constant 160 : index
      %get3A_377 = tpu.vector_load %arg5[%get3A_375, %get3A_376] {strides = array<i32>} : memref<64x256xf32, #tpu.memory_space<vmem>>, vector<16xf32>,
      %mul3A_378 = arith.mulf %get3A_377, %get3A_377 : vector<16xf32>
      %add3A_379 = arith.addf %add3A_359, %mul3A_378 : vector<16xf32>
      %get3A_380 = arith.index_cast %add3A_316 : i32 to index
      %get3A_381 = arith.constant 176 : index
      %get3A_382 = tpu.vector_load %arg5[%get3A_380, %get3A_381] {strides = array<i32>} : memref<64x256xf32, #tpu.memory_space<vmem>>, vector<16xf32>,
      %mul3A_383 = arith.mulf %get3A_382, %get3A_382 : vector<16xf32>
      %add3A_384 = arith.addf %add3A_364, %mul3A_383 : vector<16xf32>
      %get3A_385 = arith.index_cast %add3A_316 : i32 to index
      %get3A_386 = arith.constant 192 : index
      %get3A_387 = tpu.vector_load %arg5[%get3A_385, %get3A_386] {strides = array<i32>} : memref<64x256xf32, #tpu.memory_space<vmem>>, vector<16xf32>,
      %mul3A_388 = arith.mulf %get3A_387, %get3A_387 : vector<16xf32>
      %add3A_389 = arith.addf %add3A_369, %mul3A_388 : vector<16xf32>
      %get3A_390 = arith.index_cast %add3A_316 : i32 to index
      %get3A_391 = arith.constant 208 : index
      %get3A_392 = tpu.vector_load %arg5[%get3A_390, %get3A_391] {strides = array<i32>} : memref<64x256xf32, #tpu.memory_space<vmem>>, vector<16xf32>,
      %mul3A_393 = arith.mulf %get3A_392, %get3A_392 : vector<16xf32>
      %add3A_394 = arith.addf %add3A_374, %mul3A_393 : vector<16xf32>
      %get3A_395 = arith.index_cast %add3A_316 : i32 to index
      %get3A_396 = arith.constant 224 : index
      %get3A_397 = tpu.vector_load %arg5[%get3A_395, %get3A_396] {strides = array<i32>} : memref<64x256xf32, #tpu.memory_space<vmem>>, vector<16xf32>,
      %mul3A_398 = arith.mulf %get3A_397, %get3A_397 : vector<16xf32>
      %add3A_399 = arith.addf %add3A_379, %mul3A_398 : vector<16xf32>
      %get3A_400 = arith.index_cast %add3A_316 : i32 to index
      %get3A_401 = arith.constant 240 : index
      %get3A_402 = tpu.vector_load %arg5[%get3A_400, %get3A_401] {strides = array<i32>} : memref<64x256xf32, #tpu.memory_space<vmem>>, vector<16xf32>,
      %mul3A_403 = arith.mulf %get3A_402, %get3A_402 : vector<16xf32>
      %add3A_404 = arith.addf %add3A_384, %mul3A_403 : vector<16xf32>
      %add3A_405 = arith.addf %add3A_389, %add3A_394 : vector<16xf32>
      %add3A_406 = arith.addf %add3A_399, %add3A_404 : vector<16xf32>
      %add3A_407 = arith.addf %add3A_405, %add3A_406 : vector<16xf32>
      %broadcast_in_dim3A_408 = vector.shape_cast %xor3A_4 : vector<16xi32> to vector<16x1xi32>
      %gather3A_409 = vector.shape_cast %broadcast_in_dim3A_408 : vector<16x1xi32> to vector<16xi32>
      %gather3A_410 = tpu.dynamic_gather %add3A_407[%gather3A_409] in [0] : vector<16xf32>, vector<16xi32> -> vector<16xf32>
      %add3A_411 = arith.addf %add3A_407, %gather3A_410 : vector<16xf32>
      %broadcast_in_dim3A_412 = vector.shape_cast %xor3A_7 : vector<16xi32> to vector<16x1xi32>
      %gather3A_413 = vector.shape_cast %broadcast_in_dim3A_412 : vector<16x1xi32> to vector<16xi32>
      %gather3A_414 = tpu.dynamic_gather %add3A_411[%gather3A_413] in [0] : vector<16xf32>, vector<16xi32> -> vector<16xf32>
      %add3A_415 = arith.addf %add3A_411, %gather3A_414 : vector<16xf32>
      %broadcast_in_dim3A_416 = vector.shape_cast %xor3A_10 : vector<16xi32> to vector<16x1xi32>
      %gather3A_417 = vector.shape_cast %broadcast_in_dim3A_416 : vector<16x1xi32> to vector<16xi32>
      %gather3A_418 = tpu.dynamic_gather %add3A_415[%gather3A_417] in [0] : vector<16xf32>, vector<16xi32> -> vector<16xf32>
      %add3A_419 = arith.addf %add3A_415, %gather3A_418 : vector<16xf32>
      %broadcast_in_dim3A_420 = vector.shape_cast %xor3A_13 : vector<16xi32> to vector<16x1xi32>
      %gather3A_421 = vector.shape_cast %broadcast_in_dim3A_420 : vector<16x1xi32> to vector<16xi32>
      %gather3A_422 = tpu.dynamic_gather %add3A_419[%gather3A_421] in [0] : vector<16xf32>, vector<16xi32> -> vector<16xf32>
      %add3A_423 = arith.addf %add3A_419, %gather3A_422 : vector<16xf32>
      %bitcast3A_424 = vector.bitcast %add3A_423 : vector<16xf32> to vector<16xi32>
      %shift_right_logical3A_425 = arith.constant 1 : i32
      %shift_right_logical3A_426 = vector.broadcast %shift_right_logical3A_425 : i32 to vector<16xi32>
      %shift_right_logical3A_427 = arith.shrui %bitcast3A_424, %shift_right_logical3A_426 : vector<16xi32>
      %sub3A_428 = arith.constant 1597463007 : i32
      %sub3A_429 = vector.broadcast %sub3A_428 : i32 to vector<16xi32>
      %sub3A_430 = arith.subi %sub3A_429, %shift_right_logical3A_427 : vector<16xi32>
      %bitcast3A_431 = vector.bitcast %sub3A_430 : vector<16xi32> to vector<16xf32>
      %mul3A_432 = arith.constant 5.000000e-01 : f32
      %mul3A_433 = vector.broadcast %mul3A_432 : f32 to vector<16xf32>
      %mul3A_434 = arith.mulf %add3A_423, %mul3A_433 : vector<16xf32>
      %mul3A_435 = arith.mulf %mul3A_434, %bitcast3A_431 : vector<16xf32>
      %mul3A_436 = arith.mulf %mul3A_435, %bitcast3A_431 : vector<16xf32>
      %sub3A_437 = arith.constant 1.500000e+00 : f32
      %sub3A_438 = vector.broadcast %sub3A_437 : f32 to vector<16xf32>
      %sub3A_439 = arith.subf %sub3A_438, %mul3A_436 : vector<16xf32>
      %mul3A_440 = arith.mulf %bitcast3A_431, %sub3A_439 : vector<16xf32>
      %mul3A_441 = arith.mulf %mul3A_434, %mul3A_440 : vector<16xf32>
      %mul3A_442 = arith.mulf %mul3A_441, %mul3A_440 : vector<16xf32>
      %sub3A_443 = arith.constant 1.500000e+00 : f32
      %sub3A_444 = vector.broadcast %sub3A_443 : f32 to vector<16xf32>
      %sub3A_445 = arith.subf %sub3A_444, %mul3A_442 : vector<16xf32>
      %mul3A_446 = arith.mulf %mul3A_440, %sub3A_445 : vector<16xf32>
      %mul3A_447 = arith.mulf %mul3A_434, %mul3A_446 : vector<16xf32>
      %mul3A_448 = arith.mulf %mul3A_447, %mul3A_446 : vector<16xf32>
      %sub3A_449 = arith.constant 1.500000e+00 : f32
      %sub3A_450 = vector.broadcast %sub3A_449 : f32 to vector<16xf32>
      %sub3A_451 = arith.subf %sub3A_450, %mul3A_448 : vector<16xf32>
      %mul3A_452 = arith.mulf %mul3A_446, %sub3A_451 : vector<16xf32>
      %min3A_453 = arith.constant 9.99999995E+11 : f32
      %min3A_454 = vector.broadcast %min3A_453 : f32 to vector<16xf32>
      %min3A_455 = arith.minimumf %mul3A_452, %min3A_454 : vector<16xf32>
      %mul3A_456 = arith.mulf %get3A_327, %min3A_455 : vector<16xf32>
      %swap3A_457 = arith.index_cast %add3A_316 : i32 to index
      %swap3A_458 = arith.constant 0 : index
      %swap3A_459 = tpu.vector_load %arg5[%swap3A_457, %swap3A_458] {strides = array<i32>} : memref<64x256xf32, #tpu.memory_space<vmem>>, vector<16xf32>,
      tpu.vector_store %arg5[%swap3A_457, %swap3A_458], %mul3A_456 {strides = array<i32>} : memref<64x256xf32, #tpu.memory_space<vmem>>, vector<16xf32>,
      %mul3A_460 = arith.mulf %get3A_332, %min3A_455 : vector<16xf32>
      %swap3A_461 = arith.index_cast %add3A_316 : i32 to index
      %swap3A_462 = arith.constant 16 : index
      %swap3A_463 = tpu.vector_load %arg5[%swap3A_461, %swap3A_462] {strides = array<i32>} : memref<64x256xf32, #tpu.memory_space<vmem>>, vector<16xf32>,
      tpu.vector_store %arg5[%swap3A_461, %swap3A_462], %mul3A_460 {strides = array<i32>} : memref<64x256xf32, #tpu.memory_space<vmem>>, vector<16xf32>,
      %mul3A_464 = arith.mulf %get3A_337, %min3A_455 : vector<16xf32>
      %swap3A_465 = arith.index_cast %add3A_316 : i32 to index
      %swap3A_466 = arith.constant 32 : index
      %swap3A_467 = tpu.vector_load %arg5[%swap3A_465, %swap3A_466] {strides = array<i32>} : memref<64x256xf32, #tpu.memory_space<vmem>>, vector<16xf32>,
      tpu.vector_store %arg5[%swap3A_465, %swap3A_466], %mul3A_464 {strides = array<i32>} : memref<64x256xf32, #tpu.memory_space<vmem>>, vector<16xf32>,
      %mul3A_468 = arith.mulf %get3A_342, %min3A_455 : vector<16xf32>
      %swap3A_469 = arith.index_cast %add3A_316 : i32 to index
      %swap3A_470 = arith.constant 48 : index
      %swap3A_471 = tpu.vector_load %arg5[%swap3A_469, %swap3A_470] {strides = array<i32>} : memref<64x256xf32, #tpu.memory_space<vmem>>, vector<16xf32>,
      tpu.vector_store %arg5[%swap3A_469, %swap3A_470], %mul3A_468 {strides = array<i32>} : memref<64x256xf32, #tpu.memory_space<vmem>>, vector<16xf32>,
      %mul3A_472 = arith.mulf %get3A_347, %min3A_455 : vector<16xf32>
      %swap3A_473 = arith.index_cast %add3A_316 : i32 to index
      %swap3A_474 = arith.constant 64 : index
      %swap3A_475 = tpu.vector_load %arg5[%swap3A_473, %swap3A_474] {strides = array<i32>} : memref<64x256xf32, #tpu.memory_space<vmem>>, vector<16xf32>,
      tpu.vector_store %arg5[%swap3A_473, %swap3A_474], %mul3A_472 {strides = array<i32>} : memref<64x256xf32, #tpu.memory_space<vmem>>, vector<16xf32>,
      %mul3A_476 = arith.mulf %get3A_352, %min3A_455 : vector<16xf32>
      %swap3A_477 = arith.index_cast %add3A_316 : i32 to index
      %swap3A_478 = arith.constant 80 : index
      %swap3A_479 = tpu.vector_load %arg5[%swap3A_477, %swap3A_478] {strides = array<i32>} : memref<64x256xf32, #tpu.memory_space<vmem>>, vector<16xf32>,
      tpu.vector_store %arg5[%swap3A_477, %swap3A_478], %mul3A_476 {strides = array<i32>} : memref<64x256xf32, #tpu.memory_space<vmem>>, vector<16xf32>,
      %mul3A_480 = arith.mulf %get3A_357, %min3A_455 : vector<16xf32>
      %swap3A_481 = arith.index_cast %add3A_316 : i32 to index
      %swap3A_482 = arith.constant 96 : index
      %swap3A_483 = tpu.vector_load %arg5[%swap3A_481, %swap3A_482] {strides = array<i32>} : memref<64x256xf32, #tpu.memory_space<vmem>>, vector<16xf32>,
      tpu.vector_store %arg5[%swap3A_481, %swap3A_482], %mul3A_480 {strides = array<i32>} : memref<64x256xf32, #tpu.memory_space<vmem>>, vector<16xf32>,
      %mul3A_484 = arith.mulf %get3A_362, %min3A_455 : vector<16xf32>
      %swap3A_485 = arith.index_cast %add3A_316 : i32 to index
      %swap3A_486 = arith.constant 112 : index
      %swap3A_487 = tpu.vector_load %arg5[%swap3A_485, %swap3A_486] {strides = array<i32>} : memref<64x256xf32, #tpu.memory_space<vmem>>, vector<16xf32>,
      tpu.vector_store %arg5[%swap3A_485, %swap3A_486], %mul3A_484 {strides = array<i32>} : memref<64x256xf32, #tpu.memory_space<vmem>>, vector<16xf32>,
      %mul3A_488 = arith.mulf %get3A_367, %min3A_455 : vector<16xf32>
      %swap3A_489 = arith.index_cast %add3A_316 : i32 to index
      %swap3A_490 = arith.constant 128 : index
      %swap3A_491 = tpu.vector_load %arg5[%swap3A_489, %swap3A_490] {strides = array<i32>} : memref<64x256xf32, #tpu.memory_space<vmem>>, vector<16xf32>,
      tpu.vector_store %arg5[%swap3A_489, %swap3A_490], %mul3A_488 {strides = array<i32>} : memref<64x256xf32, #tpu.memory_space<vmem>>, vector<16xf32>,
      %mul3A_492 = arith.mulf %get3A_372, %min3A_455 : vector<16xf32>
      %swap3A_493 = arith.index_cast %add3A_316 : i32 to index
      %swap3A_494 = arith.constant 144 : index
      %swap3A_495 = tpu.vector_load %arg5[%swap3A_493, %swap3A_494] {strides = array<i32>} : memref<64x256xf32, #tpu.memory_space<vmem>>, vector<16xf32>,
      tpu.vector_store %arg5[%swap3A_493, %swap3A_494], %mul3A_492 {strides = array<i32>} : memref<64x256xf32, #tpu.memory_space<vmem>>, vector<16xf32>,
      %mul3A_496 = arith.mulf %get3A_377, %min3A_455 : vector<16xf32>
      %swap3A_497 = arith.index_cast %add3A_316 : i32 to index
      %swap3A_498 = arith.constant 160 : index
      %swap3A_499 = tpu.vector_load %arg5[%swap3A_497, %swap3A_498] {strides = array<i32>} : memref<64x256xf32, #tpu.memory_space<vmem>>, vector<16xf32>,
      tpu.vector_store %arg5[%swap3A_497, %swap3A_498], %mul3A_496 {strides = array<i32>} : memref<64x256xf32, #tpu.memory_space<vmem>>, vector<16xf32>,
      %mul3A_500 = arith.mulf %get3A_382, %min3A_455 : vector<16xf32>
      %swap3A_501 = arith.index_cast %add3A_316 : i32 to index
      %swap3A_502 = arith.constant 176 : index
      %swap3A_503 = tpu.vector_load %arg5[%swap3A_501, %swap3A_502] {strides = array<i32>} : memref<64x256xf32, #tpu.memory_space<vmem>>, vector<16xf32>,
      tpu.vector_store %arg5[%swap3A_501, %swap3A_502], %mul3A_500 {strides = array<i32>} : memref<64x256xf32, #tpu.memory_space<vmem>>, vector<16xf32>,
      %mul3A_504 = arith.mulf %get3A_387, %min3A_455 : vector<16xf32>
      %swap3A_505 = arith.index_cast %add3A_316 : i32 to index
      %swap3A_506 = arith.constant 192 : index
      %swap3A_507 = tpu.vector_load %arg5[%swap3A_505, %swap3A_506] {strides = array<i32>} : memref<64x256xf32, #tpu.memory_space<vmem>>, vector<16xf32>,
      tpu.vector_store %arg5[%swap3A_505, %swap3A_506], %mul3A_504 {strides = array<i32>} : memref<64x256xf32, #tpu.memory_space<vmem>>, vector<16xf32>,
      %mul3A_508 = arith.mulf %get3A_392, %min3A_455 : vector<16xf32>
      %swap3A_509 = arith.index_cast %add3A_316 : i32 to index
      %swap3A_510 = arith.constant 208 : index
      %swap3A_511 = tpu.vector_load %arg5[%swap3A_509, %swap3A_510] {strides = array<i32>} : memref<64x256xf32, #tpu.memory_space<vmem>>, vector<16xf32>,
      tpu.vector_store %arg5[%swap3A_509, %swap3A_510], %mul3A_508 {strides = array<i32>} : memref<64x256xf32, #tpu.memory_space<vmem>>, vector<16xf32>,
      %mul3A_512 = arith.mulf %get3A_397, %min3A_455 : vector<16xf32>
      %swap3A_513 = arith.index_cast %add3A_316 : i32 to index
      %swap3A_514 = arith.constant 224 : index
      %swap3A_515 = tpu.vector_load %arg5[%swap3A_513, %swap3A_514] {strides = array<i32>} : memref<64x256xf32, #tpu.memory_space<vmem>>, vector<16xf32>,
      tpu.vector_store %arg5[%swap3A_513, %swap3A_514], %mul3A_512 {strides = array<i32>} : memref<64x256xf32, #tpu.memory_space<vmem>>, vector<16xf32>,
      %mul3A_516 = arith.mulf %get3A_402, %min3A_455 : vector<16xf32>
      %swap3A_517 = arith.index_cast %add3A_316 : i32 to index
      %swap3A_518 = arith.constant 240 : index
      %swap3A_519 = tpu.vector_load %arg5[%swap3A_517, %swap3A_518] {strides = array<i32>} : memref<64x256xf32, #tpu.memory_space<vmem>>, vector<16xf32>,
      tpu.vector_store %arg5[%swap3A_517, %swap3A_518], %mul3A_516 {strides = array<i32>} : memref<64x256xf32, #tpu.memory_space<vmem>>, vector<16xf32>,
    }
    %scan3A_100 = arith.constant 32 : i32
    %add3A_101 = arith.constant 192 : i32
    %add3A_102 = arith.addi %mul3A_2, %add3A_101 : i32
    %dma_start3A_103 = arith.constant 0 : i32
    %dma_start3A_104 = tpu.memref_slice %arg3[%add3A_102, %dma_start3A_103] : memref<8192x256xf32, #tpu.memory_space<hbm>> -> memref<64x256xf32, #tpu.memory_space<hbm>>
    %dma_start3A_105 = arith.constant 0 : i32
    %dma_start3A_106 = tpu.memref_slice %arg3[%add3A_102, %dma_start3A_105] : memref<8192x256xf32, #tpu.memory_space<hbm>> -> memref<64x256xf32, #tpu.memory_space<hbm>>
    tpu.enqueue_dma source(%arg5 : memref<64x256xf32, #tpu.memory_space<vmem>>) target(%dma_start3A_106 : memref<64x256xf32, #tpu.memory_space<hbm>>) target_semaphore(%arg9 : memref<!tpu.dma_semaphore, #tpu.memory_space<semaphore_mem>>)
    %dma_wait3A_107 = arith.constant 0 : i32
    %dma_wait3A_108 = tpu.memref_slice %arg3[%add3A_86, %dma_wait3A_107] : memref<8192x256xf32, #tpu.memory_space<hbm>> -> memref<64x256xf32, #tpu.memory_space<hbm>>
    %dma_wait3A_109 = arith.constant 0 : i32
    %dma_wait3A_110 = tpu.memref_slice %arg3[%add3A_86, %dma_wait3A_109] : memref<8192x256xf32, #tpu.memory_space<hbm>> -> memref<64x256xf32, #tpu.memory_space<hbm>>
    tpu.wait_dma2 semaphore(%arg8 : memref<!tpu.dma_semaphore, #tpu.memory_space<semaphore_mem>>) src(%arg4 : memref<64x256xf32, #tpu.memory_space<vmem>>) dst(%dma_wait3A_110 : memref<64x256xf32, #tpu.memory_space<hbm>>)
    %dma_wait3A_111 = arith.constant 0 : i32
    %dma_wait3A_112 = tpu.memref_slice %arg3[%add3A_102, %dma_wait3A_111] : memref<8192x256xf32, #tpu.memory_space<hbm>> -> memref<64x256xf32, #tpu.memory_space<hbm>>
    %dma_wait3A_113 = arith.constant 0 : i32
    %dma_wait3A_114 = tpu.memref_slice %arg3[%add3A_102, %dma_wait3A_113] : memref<8192x256xf32, #tpu.memory_space<hbm>> -> memref<64x256xf32, #tpu.memory_space<hbm>>
    tpu.wait_dma2 semaphore(%arg9 : memref<!tpu.dma_semaphore, #tpu.memory_space<semaphore_mem>>) src(%arg5 : memref<64x256xf32, #tpu.memory_space<vmem>>) dst(%dma_wait3A_114 : memref<64x256xf32, #tpu.memory_space<hbm>>)
    return
  }
}

</mosaic_0001>

<sc_bundles>
// kernel: kernel.3.cloned.1.call-start
scs
__scs_entry_jumppad:
0x0: {  	(pc) =	sbr.rel $0x88, $3  }
0x1: {  	(tag) =	ssettag $0x0;
	lr =	simm.s32 $0x1  }
0x2: {  	[smem:$0x3F9F] =	sst lr;
	_ =	strace $0xD0000000  }
0x3: {  	_ = 	snop  }
0x4: {  	_ = 	snop  }
0x5: {  	_ = 	snop  }
0x6: {  	_ = 	snop  }
0x7: {  	_ = 	snop  }
__scs_overlays_trampoline_lowered:
0x8: {  	[smem:$0x3FAE] =	sst s0  }
0x9: {  	[smem:$0x3FAF] =	sst s1  }
0xa: {  	[smem:$0x3FB0] =	sst s2  }
0xb: {  	[smem:$0x3FB1] =	sst s3  }
0xc: {  	[smem:$0x3FB2] =	sst s4  }
0xd: {  	[smem:$0x3FB3] =	sst s5  }
0xe: {  	[smem:$0x3FB4] =	sst s6  }
0xf: {  	[smem:$0x3FB5] =	sst s7  }
0x10: {  	[smem:$0x3FB6] =	sst s8  }
0x11: {  	[smem:$0x3FB7] =	sst s9;
	s0 =	simm.s32 @!p0 $0x0  }
0x12: {  	s1 =	sld [smem:$0x3F9D];
	s0 =	simm.s32 @p0 $0x1  }
0x13: {  	[smem:$0x3FB8] =	sst s0;
	s0 =	simm.s32 @!p1 $0x0  }
0x14: {  	s2 =	sld [smem:$0x3F9C];
	s0 =	simm.s32 @p1 $0x1  }
0x15: {  	[smem:$0x3FB9] =	sst s0;
	s0 =	simm.s32 @!p2 $0x0  }
0x16: {  	s3 =	sld [smem:$0x3FDB];
	s0 =	simm.s32 @p2 $0x1  }
0x17: {  	s4 =	simm.s32 $0x1BF5;
	[smem:$0x3FBB] =	sst s0  }
0x18: {  	s0 =	sld [smem:$0x3F9E];
	_ =	swait.ge [sflag:s4], $0x0  }
0x19: {  	s7 =	sld [smem:$0x3F9F]  }
0x1a: {  	s8 =	sadd.s32 $0xFFFFE003, lr  }
0x1b: {  	s9 =	sadd.s32 $0xFFFFFEF7, lr;
	s5 =	simm.s32 $0xFFFFFFFF;
	p2 =	slt.u32 s8, $0xFFFFF086  }
0x1c: {  	p1 =	slt.u32 s9, $0xF7A;
	s5 =	simm.s32 @!p2 $0x0  }
0x1d: {  	s5 =	simm.s32 @p1 $0x1;
	p0 =	seq.s32 s7, s2  }
0x1e: {  	s7 =	smul.u32 @!p0 $0xF7A, s2;
	p2 =	seq.s32 @!p0 s5, $0x0  }
0x1f: {  	s9 =	smul.u32 $0xF7A, s1;
	s8 =	simm.s32 @!p0 $0x1BF5;
	p2 =	por !p2, p0  }
0x20: {  	[sflag:s8] =	ssyncset.s32 @!p0 $0xFFFFF086;
	s6 =	sadd.s32 @!p0 s3, s7;
	s7 =	simm.s32 @!p0 $0x108  }
0x21: {  	s3 =	sadd.s32 s3, s9;
	s6 =	sadd.s32 @!p0 $0x88, s6;
	s7 =	simm.s32 @p2 $0x1082  }
0x22: {  	[simem:s7], [sflag:s8] =	dma.local @!p0 [hbm:s6], $0xF7A  }
0x23: {  	s9 =	sor.u32 $0xD0000000, s2;
	s6 =	simm.s32 $0x108;
	_ =	swait.ge @!p0 [sflag:s8], $0x0  }
0x24: {  	s3 =	sadd.s32 $0x88, s3;
	s6 =	simm.s32 @!p1 $0x1082;
	[sflag:s4] =	ssyncset.s32 $0xFFFFF086  }
0x25: {  	[simem:s6], [sflag:s4] =	dma.local [hbm:s3], $0xF7A  }
0x26: {  	[smem:$0x3F9F] =	sst s1;
	(tag) =	ssettag s2;
	_ =	strace s9  }
0x27: {  	s1 =	sld [smem:$0x3FAF]  }
0x28: {  	s2 =	sld [smem:$0x3FB0]  }
0x29: {  	s4 =	sld [smem:$0x3FB2]  }
0x2a: {  	p0 =	seq.s32 s5, $0x0;
	s5 =	sld [smem:$0x3FB3]  }
0x2b: {  	s6 =	sld [smem:$0x3FB4]  }
0x2c: {  	s7 =	sld [smem:$0x3FB5]  }
0x2d: {  	s3 =	simm.s32 $0x108;
	s8 =	sld [smem:$0x3FB6]  }
0x2e: {  	s3 =	simm.s32 @!p0 $0x1082;
	s9 =	sld [smem:$0x3FB7]  }
0x2f: {  	lr =	sadd.s32 s0, s3;
	s0 =	sld [smem:$0x3FAE]  }
0x30: {  	s3 =	sld [smem:$0x3FB1]  }
0x31: {  	[smem:$0x3FBA] =	sst s10  }
0x32: {  	s10 =	sld [smem:$0x3FB8];
	_ =	sdelay $0x3  }
0x33: {  	p0 =	seq.s32 s10, $0x1;
	s10 =	sld [smem:$0x3FBA];
	_ =	sdelay $0x3  }
0x34: {  	[smem:$0x3FBA] =	sst s10  }
0x35: {  	s10 =	sld [smem:$0x3FB9];
	_ =	sdelay $0x3  }
0x36: {  	p1 =	seq.s32 s10, $0x1;
	s10 =	sld [smem:$0x3FBA];
	_ =	sdelay $0x3  }
0x37: {  	[smem:$0x3FBA] =	sst s10  }
0x38: {  	s10 =	sld [smem:$0x3FBB]  }
0x39: {  	_ = 	snop;
	(pc) =	sbr.ind lr, $3  }
0x3a: {  	_ = 	snop  }
0x3b: {  	_ = 	snop  }
0x3c: {  	p2 =	seq.s32 s10, $0x1;
	s10 =	sld [smem:$0x3FBA]  }
0x3d: {  	_ =	shalt  }
0x3e: {  	_ =	shalt  }
0x3f: {  	_ =	shalt  }
0x40: {  	_ =	shalt  }
0x41: {  	_ =	shalt  }
0x42: {  	_ =	shalt  }
0x43: {  	_ =	shalt  }
0x44: {  	_ =	shalt  }
0x45: {  	_ =	shalt  }
0x46: {  	_ =	shalt  }
0x47: {  	_ =	shalt  }
0x48: {  	_ =	shalt  }
0x49: {  	_ =	shalt  }
0x4a: {  	_ =	shalt  }
0x4b: {  	_ =	shalt  }
0x4c: {  	_ =	shalt  }
0x4d: {  	_ =	shalt  }
0x4e: {  	_ =	shalt  }
0x4f: {  	_ =	shalt  }
0x50: {  	_ =	shalt  }
0x51: {  	_ =	shalt  }
0x52: {  	_ =	shalt  }
0x53: {  	_ =	shalt  }
0x54: {  	_ =	shalt  }
0x55: {  	_ =	shalt  }
0x56: {  	_ =	shalt  }
0x57: {  	_ =	shalt  }
0x58: {  	_ =	shalt  }
0x59: {  	_ =	shalt  }
0x5a: {  	_ =	shalt  }
0x5b: {  	_ =	shalt  }
0x5c: {  	_ =	shalt  }
0x5d: {  	_ =	shalt  }
0x5e: {  	_ =	shalt  }
0x5f: {  	_ =	shalt  }
0x60: {  	_ =	shalt  }
0x61: {  	_ =	shalt  }
0x62: {  	_ =	shalt  }
0x63: {  	_ =	shalt  }
0x64: {  	_ =	shalt  }
0x65: {  	_ =	shalt  }
0x66: {  	_ =	shalt  }
0x67: {  	_ =	shalt  }
0x68: {  	_ =	shalt  }
0x69: {  	_ =	shalt  }
0x6a: {  	_ =	shalt  }
0x6b: {  	_ =	shalt  }
0x6c: {  	_ =	shalt  }
0x6d: {  	_ =	shalt  }
0x6e: {  	_ =	shalt  }
0x6f: {  	_ =	shalt  }
0x70: {  	_ =	shalt  }
0x71: {  	_ =	shalt  }
0x72: {  	_ =	shalt  }
0x73: {  	_ =	shalt  }
0x74: {  	_ =	shalt  }
0x75: {  	_ =	shalt  }
0x76: {  	_ =	shalt  }
0x77: {  	_ =	shalt  }
0x78: {  	_ =	shalt  }
0x79: {  	_ =	shalt  }
0x7a: {  	_ =	shalt  }
0x7b: {  	_ =	shalt  }
0x7c: {  	_ =	shalt  }
0x7d: {  	_ =	shalt  }
0x7e: {  	_ =	shalt  }
0x7f: {  	_ =	shalt  }
0x80: {  	_ =	shalt  }
0x81: {  	_ =	shalt  }
0x82: {  	_ =	shalt  }
0x83: {  	_ =	shalt  }
0x84: {  	_ =	shalt  }
0x85: {  	_ =	shalt  }
0x86: {  	_ =	shalt  }
0x87: {  	_ =	shalt  }
.Lfunc_end0:
.L_simem_size_0:
called_computation_lowered:
.L_overlay_start_0:
0x88: {  	s2 =	sld [smem:$0x3FD9]  }
0x89: {  	s3 =	sld [smem:$0x3FFE];
	_ =	sdelay $0x1  }
0x8a: {  	s1 =	srdreg.scid  }
0x8b: {  	s0 =	sand.u32 $0x1, s1  }
0x8c: {  	s15 =	sshll.u32 s0, $0xA;
	s2 =	sadd.s32 s3, s2  }
0x8d: {  	s2 =	sadd.s32 s2, s15  }
0x8e: {  	[smem:$0x3FC6] =	sst s2  }
0x8f: {  	_ = 	snop  }
0x90: {  	s2 =	sld [smem:$0x3FD0];
	_ =	sdelay $0x2  }
0x91: {  	s4 =	simm.s32 $0xA;
	s5 =	simm.s32 $0x10;
	s16 =	sld [smem:$0x3FC8]  }
0x92: {  	[smem:s5], [sflag:s4] =	dma.local [hbm:s2], $0x1  }
0x93: {  	_ =	swait.eq [sflag:s4], $0x1  }
0x94: {  	[sflag:s4] =	ssyncset.done $0x0  }
0x95: {  	[sflag:s4] =	ssyncadd.s32 $0xFFFFFFFF  }
0x96: {  	s17 =	sld [smem:$0x11];
	(tm) =	ssettm $0x1  }
0x97: {  	s18 =	sld [smem:$0x3FFB];
	_ =	sdelay $0x3  }
0x98: {  	_ =	strace s18  }
0x99: {  	s4 =	sld [smem:$0x3FFC];
	_ =	sdelay $0x3  }
0x9a: {  	_ =	strace s4  }
0x9b: {  	s4 =	sld [smem:$0x3FFD];
	_ =	sdelay $0x3  }
0x9c: {  	_ =	strace s4  }
0x9d: {  	_ =	strace $0x8FFFFFFF  }
0x9e: {  	s19 =	sld [smem:$0x3FDB];
	_ =	sdelay $0x1  }
0x9f: {  	s20 =	simm.s32 $_scs_section_size  }
0xa0: {  	s6 =	simm.s32 $_size__tile_overlayer_lowered;
	s7 =	simm.s32 $_tile_overlayer_lowered  }
0xa1: {  	s23 =	simm.s32 $0x1BFF;
	s22 =	sshll.u32 s7, $0x1;
	s4 =	sadd.s32 s20, s19  }
0xa2: {  	s8 =	simm.s32 $0x0;
	s21 =	sshll.u32 s6, $0x1;
	s6 =	sadd.s32 s22, s4  }
0xa3: {  	[timem:s8], [sflag:s23] =	dma.local [hbm:s6], s21  }
0xa4: {  	_ =	swait.ge [sflag:s23], s21  }
0xa5: {  	s5 =	ssub.s32 $0x0, s21;
	[sflag:s23] =	ssyncset.done $0x0  }
0xa6: {  	[sflag:s23] =	ssyncadd.s32 s5;
	_ =	sdelay $0x1  }
0xa7: {  	s24 =	simm.s32 $0x1B8B  }
0xa8: {  	_ =	swait.ge [sflag:s24], $0x1  }
0xa9: {  	[sflag:s24] =	ssyncset.done $0x0  }
0xaa: {  	s25 =	simm.s32 $0x1B8E;
	[sflag:s24] =	ssyncadd.s32 $0xFFFFFFFF  }
0xab: {  	s26 =	simm.s32 $execute0_lowered;
	[smem:$0x3FD2] =	sst s25  }
0xac: {  	s5 =	sshll.u32 s26, $0x1;
	_ =	strace $0x80000046;
	[dreg:$0x1] =	wrdreg $0xFFFFFFFF  }
0xad: {  	s28 =	simm.s32 $_size_execute0_lowered;
	s4 =	sadd.s32 s4, s5;
	[dreg:$0x0] =	wrdreg $0x0  }
0xae: {  	s5 =	sshll.u32 s28, $0x1;
	[dreg:$0x2] =	wrdreg s4  }
0xaf: {  	[dreg:$0x3] =	wrdreg s5  }
0xb0: {  	[dreg:$0x4] =	wrdreg $0xC0  }
0xb1: {  	_ =	task [dreg:s8], $0x5FFFF  }
0xb2: {  	[dreg:$0x1] =	wrdreg $0xFFFFFFFF  }
0xb3: {  	[dreg:$0x0] =	wrdreg $0x60  }
0xb4: {  	[dreg:$0x2] =	wrdreg s16  }
0xb5: {  	[dreg:$0x3] =	wrdreg s17  }
0xb6: {  	[dreg:$0x4] =	wrdreg $0x9  }
0xb7: {  	_ =	task.clear_ibuf [dreg:s8], $0x5FFFF;
	_ =	strace $0x90000046  }
0xb8: {  	s29 =	simm.s32 $0x9;
	_ =	strace $0x80000048  }
0xb9: {  	_ =	swait.ge [sflag:s29], $0x1  }
0xba: {  	[sflag:s29] =	ssyncadd.s32 $0xFFFFFFFF  }
0xbb: {  	_ =	strace $0x90000048  }
0xbc: {  	_ =	sfence  }
0xbd: {  	s30 =	sld [smem:$0x0];
	_ =	sdelay $0x2  }
0xbe: {  	s31 =	sshll.u32 s1, $0xD;
	s1 =	sshrl.u32 s1, $0x2  }
0xbf: {  	s3 =	sand.u32 $0x4000, s31;
	s1 =	sadd.s32 s1, s30  }
0xc0: {  	s0 =	sor.u32 s3, s0;
	s1 =	sshll.u32 s1, $0x11  }
0xc1: {  	s0 =	sor.u32 s1, s0  }
0xc2: {  	s0 =	sadd.s32 $0x8F2B, s0  }
0xc3: {  	[sflag:s0] =	ssyncadd.remote.s32 $0x1  }
0xc4: {  	_ =	sfence.sel $0xFFFF  }
0xc5: {  	[dreg:$0x0] =	wrdreg $0xFFFFFFFF;
	(pc) =	sbr.abs _section_cstart, $3  }
0xc6: {  	[dreg:$0x1] =	wrdreg $0xFFFFFFFF  }
0xc7: {  	_ =	task.clear_ibuf [dreg:s8], $0x2FFFF;
	_ =	strace $0x9FFFFFFF  }
0xc8: {  	(tm) =	ssettm $0x7FFFFFFF  }
0xc9: {  	_ =	shalt  }
tec
execute0_lowered:
.L_overlay_start_1:
0x0: {  	(tag) =	ssettag $0x1  }
0x1: {  	v0 =	vimm.s32 $0xEFCDAB89;
	s8 =	rddreg [dreg:$0x0];
	v1 =	vimm.s32 $0x67452301  }
0x2: {  	v2 =	vimm.s32 $0xDCFE98BA;
	s10 =	rddreg [dreg:$0x1];
	s2 =	srdreg.scid;
	v3 =	vimm.s32 $0x54761032;
	v4 =	vimm.s32 $0xBA98FEDC  }
0x3: {  	s0 =	rddreg [dreg:$0x2];
	s1 =	stileid.u32;
	v5 =	vimm.s32 $0x32107654;
	v6 =	vimm.s32 $0xFEDCBA98;
	s13 =	simm.s32 $0x4000  }
0x4: {  	v7 =	vimm.s32 $0x76543210;
	s14 =	simm.s32 $0x2;
	s15 =	simm.s32 $0x3;
	s16 =	simm.s32 $0x4;
	v0 =	vunpack.c.l.s4.s8 v0;
	v1 =	vunpack.c.l.s4.s8 v1  }
0x5: {  	s17 =	simm.s32 $0x0;
	v2 =	vunpack.c.l.s4.s8 v2;
	s3 =	sand.u32 $0x1, s2;
	s2 =	simm.s32 $0x0;
	v3 =	vunpack.c.l.s4.s8 v3;
	v4 =	vunpack.c.l.s4.s8 v4  }
0x6: {  	s4 =	sshll.u32 s1, $0xE;
	v5 =	vunpack.c.l.s4.s8 v5;
	v6 =	vunpack.c.l.s4.s8 v6;
	v7 =	vunpack.c.l.s4.s8 v7;
	s5 =	sshll.u32 s3, $0xD;
	s3 =	ssub.s32 $0x2, s3  }
0x7: {  	[smem:$0x7FF] =	sst s2;
	v0 =	vunpack.c.0.s8.s32 v0;
	v1 =	vunpack.c.0.s8.s32 v1;
	v2 =	vunpack.c.0.s8.s32 v2;
	s6 =	sor.u32 s5, s4;
	s31 =	sshrl.u32 s3, $0x1  }
0x8: {  	_ =	strace $0x80000047;
	v3 =	vunpack.c.0.s8.s32 v3;
	v4 =	vunpack.c.0.s8.s32 v4;
	v5 =	vunpack.c.0.s8.s32 v5;
	s7 =	sor.u32 $0x800, s6;
	s11 =	ssub.s32 s3, s31  }
0x9: {  	s3 =	sadd.s32 s8, s6;
	s5 =	sadd.s32 s10, s6;
	s9 =	sor.u32 $0x1000, s6;
	v0 =	vcombine.low v1, v0;
	v1 =	vunpack.c.0.s8.s32 v6  }
0xa: {  	s12 =	sor.u32 $0x1800, s6;
	s4 =	sadd.s32 s8, s7;
	s6 =	sadd.s32 s8, s9;
	v2 =	vcombine.low v3, v2;
	v3 =	vcombine.low v5, v4;
	v4 =	vunpack.c.0.s8.s32 v7  }
0xb: {  	s7 =	sadd.s32 s10, s7;
	s8 =	sadd.s32 s8, s12;
	s9 =	sadd.s32 s10, s9;
	v0 =	vand.u32 $0xF, v0;
	v5 =	vand.u32 $0xF, v1  }
0xc: {  	s10 =	sadd.s32 s10, s12;
	s11 =	smax.u32 s11, $0x1;
	s12 =	simm.s32 $0x1;
	v1 =	vand.u32 $0xF, v2;
	v2 =	vand.u32 $0xF, v3;
	v3 =	vcombine.low v5, v4  }
.LBB2_1:
0xd: {  	[tilespmem:s2], [sflag:$0x1] =	stream.linear.gather [hbm4b:s3+s2], $0x4000, $0x38;
	[tilespmem:$0x8000] =	vst v63  }
0xe: {  	_ =	swait.ge [sflag:s12], $0x4000  }
0xf: {  	[sflag:s12] =	ssyncset.done $0x0  }
0x10: {  	s18 =	simm.s32 $0x0;
	s19 =	simm.s32 $0x0;
	[sflag:s12] =	ssyncadd.s32 $0xFFFFC000  }
0x11: {  	[tilespmem:s13], [sflag:$0x2] =	stream.linear.gather [hbm4b:s4+s2], $0x4000, $0x38;
	[tilespmem:$0x8000] =	vst v63  }
.LBB2_2:
0x12: {  	s20 =	sand.u32 $0x3800, s18;
	s21 =	sand.u32 $0x300, s19  }
0x13: {  	s20 =	sor.u32 s21, s20  }
0x14: {  	v18 =	vld [tilespmem:s20+$0x0]  }
0x15: {  	v19 =	vld [tilespmem:s20+$0x10]  }
0x16: {  	v17 =	vld [tilespmem:s20+$0x20]  }
0x17: {  	v16 =	vld [tilespmem:s20+$0x30]  }
0x18: {  	v15 =	vld [tilespmem:s20+$0x40]  }
0x19: {  	v14 =	vld [tilespmem:s20+$0x50]  }
0x1a: {  	v13 =	vld [tilespmem:s20+$0x60]  }
0x1b: {  	v12 =	vld [tilespmem:s20+$0x70]  }
0x1c: {  	v11 =	vld [tilespmem:s20+$0x400]  }
0x1d: {  	v9 =	vld [tilespmem:s20+$0x410]  }
0x1e: {  	v7 =	vld [tilespmem:s20+$0x420]  }
0x1f: {  	v4 =	vld [tilespmem:s20+$0x430];
	v10 =	vmul.f32 v18, v18  }
0x20: {  	v5 =	vld [tilespmem:s20+$0x440];
	v20 =	vmul.f32 v19, v19;
	v21 =	vmul.f32 v17, v17  }
0x21: {  	v6 =	vld [tilespmem:s20+$0x450];
	v22 =	vmul.f32 v15, v15;
	v23 =	vmul.f32 v16, v16  }
0x22: {  	v8 =	vld [tilespmem:s20+$0x460];
	v24 =	vmul.f32 v14, v14;
	v25 =	vmul.f32 v13, v13  }
0x23: {  	v26 =	vmul.f32 v12, v12;
	v44 =	vmul.f32 v11, v11;
	v22 =	vadd.f32 v22, v10;
	v10 =	vld [tilespmem:s20+$0x470]  }
0x24: {  	v27 =	vmul.f32 v9, v9;
	v45 =	vmul.f32 v7, v7  }
0x25: {  	v46 =	vmul.f32 v4, v4;
	v47 =	vmul.f32 v5, v5;
	v20 =	vadd.f32 v24, v20  }
0x26: {  	v48 =	vmul.f32 v6, v6;
	v21 =	vadd.f32 v25, v21;
	v23 =	vadd.f32 v26, v23  }
0x27: {  	v49 =	vmul.f32 v8, v8;
	v22 =	vadd.f32 v44, v22;
	v20 =	vadd.f32 v27, v20  }
0x28: {  	v21 =	vadd.f32 v45, v21;
	v23 =	vadd.f32 v46, v23;
	v50 =	vmul.f32 v10, v10  }
0x29: {  	v22 =	vadd.f32 v47, v22;
	v20 =	vadd.f32 v48, v20  }
0x2a: {  	v30 =	vld [tilespmem:s20+$0x80];
	v21 =	vadd.f32 v49, v21;
	v23 =	vadd.f32 v50, v23  }
0x2b: {  	v31 =	vld [tilespmem:s20+$0x90]  }
0x2c: {  	v32 =	vld [tilespmem:s20+$0xA0];
	v20 =	vadd.f32 v20, v22;
	v21 =	vadd.f32 v23, v21  }
0x2d: {  	v33 =	vld [tilespmem:s20+$0xB0]  }
0x2e: {  	v28 =	vld [tilespmem:s20+$0xC0];
	v20 =	vadd.f32 v21, v20  }
0x2f: {  	v29 =	vld [tilespmem:s20+$0xD0]  }
0x30: {  	v41 =	vld [tilespmem:s20+$0x4E0];
	v21 =	vperm.xlane v20, v0  }
0x31: {  	v25 =	vld [tilespmem:s20+$0xE0]  }
0x32: {  	v26 =	vld [tilespmem:s20+$0xF0];
	v20 =	vadd.f32 v20, v21  }
0x33: {  	v24 =	vld [tilespmem:s20+$0x4C0]  }
0x34: {  	v22 =	vld [tilespmem:s20+$0x480];
	v21 =	vperm.xlane v20, v1  }
0x35: {  	v36 =	vmul.f32 v30, v30;
	v37 =	vmul.f32 v31, v31;
	v23 =	vld [tilespmem:s20+$0x490]  }
0x36: {  	v38 =	vmul.f32 v32, v32;
	v39 =	vmul.f32 v28, v28;
	v34 =	vadd.f32 v20, v21;
	v20 =	vld [tilespmem:s20+$0x4A0]  }
0x37: {  	v51 =	vmul.f32 v33, v33;
	v40 =	vmul.f32 v29, v29;
	v21 =	vld [tilespmem:s20+$0x4B0]  }
0x38: {  	v58 =	vmul.f32 v41, v41;
	v27 =	vld [tilespmem:s20+$0x4D0];
	v52 =	vmul.f32 v25, v25  }
0x39: {  	v43 =	vld [tilespmem:s20+$0x4F0];
	v36 =	vadd.f32 v39, v36;
	v37 =	vadd.f32 v40, v37;
	v35 =	vperm.xlane v34, v2  }
0x3a: {  	v42 =	vmul.f32 v26, v26;
	v56 =	vmul.f32 v24, v24;
	v38 =	vadd.f32 v52, v38  }
0x3b: {  	v53 =	vmul.f32 v22, v22;
	v44 =	vmul.f32 v23, v23;
	v34 =	vadd.f32 v34, v35  }
0x3c: {  	v35 =	vadd.f32 v42, v51;
	v54 =	vmul.f32 v20, v20;
	v55 =	vmul.f32 v21, v21  }
0x3d: {  	v57 =	vmul.f32 v27, v27;
	v36 =	vadd.f32 v53, v36;
	v37 =	vadd.f32 v44, v37  }
0x3e: {  	v59 =	vmul.f32 v43, v43;
	v38 =	vadd.f32 v54, v38;
	v35 =	vadd.f32 v55, v35  }
0x3f: {  	v36 =	vadd.f32 v56, v36;
	v37 =	vadd.f32 v57, v37  }
0x40: {  	v38 =	vadd.f32 v58, v38;
	v35 =	vadd.f32 v59, v35;
	_ =	sdelay $0x1  }
0x41: {  	v36 =	vadd.f32 v37, v36;
	v60 =	vperm.xlane v34, v3;
	v35 =	vadd.f32 v35, v38;
	_ =	sdelay $0x1  }
0x42: {  	v34 =	vadd.f32 v34, v60;
	v35 =	vadd.f32 v35, v36;
	_ =	sdelay $0x1  }
0x43: {  	v61 =	vshrl.u32 v34, $0x1;
	v34 =	vmul.f32 $5.000000000e-01, v34;
	v62 =	vperm.xlane v35, v0  }
0x44: {  	v36 =	vsub.s32 $0x5F3759DF, v61  }
0x45: {  	v63 =	vmul.f32 v36, v34;
	v35 =	vadd.f32 v35, v62;
	_ =	sdelay $0x1  }
0x46: {  	v40 =	vmul.f32 v36, v63;
	v42 =	vperm.xlane v35, v1;
	_ =	sdelay $0x1  }
0x47: {  	v37 =	vsub.f32 $1.500000000e+00, v40;
	v35 =	vadd.f32 v35, v42;
	_ =	sdelay $0x1  }
0x48: {  	v36 =	vmul.f32 v36, v37;
	v44 =	vperm.xlane v35, v2;
	_ =	sdelay $0x1  }
0x49: {  	v45 =	vmul.f32 v36, v34;
	v35 =	vadd.f32 v35, v44;
	_ =	sdelay $0x1  }
0x4a: {  	v46 =	vmul.f32 v45, v36;
	v47 =	vperm.xlane v35, v3;
	_ =	sdelay $0x1  }
0x4b: {  	v37 =	vsub.f32 $1.500000000e+00, v46;
	v35 =	vadd.f32 v35, v47;
	_ =	sdelay $0x1  }
0x4c: {  	v36 =	vmul.f32 v37, v36;
	v48 =	vshrl.u32 v35, $0x1;
	v35 =	vmul.f32 $5.000000000e-01, v35  }
0x4d: {  	v37 =	vsub.s32 $0x5F3759DF, v48  }
0x4e: {  	v34 =	vmul.f32 v36, v34;
	v49 =	vmul.f32 v37, v35;
	_ =	sdelay $0x1  }
0x4f: {  	v34 =	vmul.f32 v34, v36;
	v38 =	vmul.f32 v37, v49;
	_ =	sdelay $0x1  }
0x50: {  	v34 =	vsub.f32 $1.500000000e+00, v34;
	v38 =	vsub.f32 $1.500000000e+00, v38;
	_ =	sdelay $0x1  }
0x51: {  	v34 =	vmul.f32 v34, v36;
	v50 =	vmul.f32 v37, v38;
	_ =	sdelay $0x1  }
0x52: {  	v34 =	vmin.f32 v34, $9.999999950e+11;
	v37 =	vmul.f32 v50, v35  }
0x53: {  	v18 =	vmul.f32 v34, v18  }
0x54: {  	v19 =	vmul.f32 v34, v19;
	v37 =	vmul.f32 v37, v50  }
0x55: {  	v17 =	vmul.f32 v34, v17;
	[tilespmem:s20+$0x0] =	vst v18  }
0x56: {  	v16 =	vmul.f32 v34, v16;
	[tilespmem:s20+$0x10] =	vst v19;
	v51 =	vsub.f32 $1.500000000e+00, v37  }
0x57: {  	v15 =	vmul.f32 v34, v15;
	[tilespmem:s20+$0x20] =	vst v17  }
0x58: {  	v14 =	vmul.f32 v34, v14;
	[tilespmem:s20+$0x30] =	vst v16;
	v52 =	vmul.f32 v51, v50  }
0x59: {  	v13 =	vmul.f32 v34, v13;
	[tilespmem:s20+$0x40] =	vst v15  }
0x5a: {  	v12 =	vmul.f32 v34, v12;
	[tilespmem:s20+$0x50] =	vst v14;
	v53 =	vmul.f32 v52, v35  }
0x5b: {  	v11 =	vmul.f32 v34, v11;
	[tilespmem:s20+$0x60] =	vst v13  }
0x5c: {  	v9 =	vmul.f32 v34, v9;
	[tilespmem:s20+$0x70] =	vst v12;
	v54 =	vmul.f32 v53, v52  }
0x5d: {  	v7 =	vmul.f32 v34, v7;
	[tilespmem:s20+$0x400] =	vst v11  }
0x5e: {  	v4 =	vmul.f32 v34, v4;
	[tilespmem:s20+$0x410] =	vst v9;
	v55 =	vsub.f32 $1.500000000e+00, v54  }
0x5f: {  	v5 =	vmul.f32 v34, v5;
	[tilespmem:s20+$0x420] =	vst v7  }
0x60: {  	v6 =	vmul.f32 v34, v6;
	[tilespmem:s20+$0x430] =	vst v4;
	v4 =	vmul.f32 v55, v52  }
0x61: {  	[tilespmem:s20+$0x440] =	vst v5;
	v5 =	vmul.f32 v34, v8  }
0x62: {  	v56 =	vmul.f32 v34, v10;
	[tilespmem:s20+$0x450] =	vst v6;
	v4 =	vmin.f32 v4, $9.999999950e+11  }
0x63: {  	[tilespmem:s20+$0x460] =	vst v5;
	v5 =	vmul.f32 v4, v30  }
0x64: {  	[tilespmem:s20+$0x470] =	vst v56;
	v57 =	vmul.f32 v4, v31  }
0x65: {  	[tilespmem:s20+$0x80] =	vst v5;
	v5 =	vmul.f32 v4, v32  }
0x66: {  	v58 =	vmul.f32 v4, v33;
	[tilespmem:s20+$0x90] =	vst v57  }
0x67: {  	[tilespmem:s20+$0xA0] =	vst v5;
	v5 =	vmul.f32 v4, v28  }
0x68: {  	v59 =	vmul.f32 v4, v29;
	[tilespmem:s20+$0xB0] =	vst v58  }
0x69: {  	[tilespmem:s20+$0xC0] =	vst v5;
	v5 =	vmul.f32 v4, v25  }
0x6a: {  	v60 =	vmul.f32 v4, v26;
	[tilespmem:s20+$0xD0] =	vst v59  }
0x6b: {  	[tilespmem:s20+$0xE0] =	vst v5;
	v5 =	vmul.f32 v4, v22  }
0x6c: {  	v61 =	vmul.f32 v4, v23;
	[tilespmem:s20+$0xF0] =	vst v60  }
0x6d: {  	[tilespmem:s20+$0x480] =	vst v5;
	v5 =	vmul.f32 v4, v20  }
0x6e: {  	v62 =	vmul.f32 v4, v21;
	[tilespmem:s20+$0x490] =	vst v61  }
0x6f: {  	p0 =	sne.s32 s19, $0x1F00;
	[tilespmem:s20+$0x4A0] =	vst v5;
	v5 =	vmul.f32 v4, v24  }
.Ltmp0:
0x70: {  	v63 =	vmul.f32 v4, v27;
	[tilespmem:s20+$0x4B0] =	vst v62;
	(pc) =	sbr.rel @p0 .LBB2_2-.Ltmp0, $4  }
0x71: {  	[tilespmem:s20+$0x4C0] =	vst v5;
	v5 =	vmul.f32 v4, v41  }
0x72: {  	[tilespmem:s20+$0x4D0] =	vst v63;
	v4 =	vmul.f32 v4, v43  }
0x73: {  	[tilespmem:s20+$0x4E0] =	vst v5  }
0x74: {  	s18 =	sadd.s32 $0x200, s18;
	s19 =	sadd.s32 $0x100, s19;
	[tilespmem:s20+$0x4F0] =	vst v4  }
0x75: {  	s18 =	simm.s32 $0x0  }
0x76: {  	[hbm4b:s5+s18] =	stream.linear.scatter [tilespmem:s18], [sflag:$0x3], $0x4000, $0x38;
	[tilespmem:$0x8000] =	vst v63  }
0x77: {  	_ =	swait.ge [sflag:s14], $0x4000  }
0x78: {  	[sflag:s14] =	ssyncset.done $0x0  }
0x79: {  	[sflag:s14] =	ssyncadd.s32 $0xFFFFC000  }
0x7a: {  	_ =	swait.ge [sflag:s15], $0x4000  }
0x7b: {  	[sflag:s15] =	ssyncset.done $0x0  }
0x7c: {  	s19 =	simm.s32 $0x0;
	[sflag:s15] =	ssyncadd.s32 $0xFFFFC000  }
0x7d: {  	[tilespmem:s18], [sflag:$0x1] =	stream.linear.gather [hbm4b:s6+s18], $0x4000, $0x38;
	[tilespmem:$0x8000] =	vst v63  }
.LBB2_4:
0x7e: {  	s20 =	sand.u32 $0x3800, s18;
	s21 =	sand.u32 $0x300, s19  }
0x7f: {  	s20 =	sor.u32 s21, s20  }
0x80: {  	v18 =	vld [tilespmem:s20+$0x4000]  }
0x81: {  	v19 =	vld [tilespmem:s20+$0x4010]  }
0x82: {  	v17 =	vld [tilespmem:s20+$0x4020]  }
0x83: {  	v16 =	vld [tilespmem:s20+$0x4030]  }
0x84: {  	v15 =	vld [tilespmem:s20+$0x4040]  }
0x85: {  	v14 =	vld [tilespmem:s20+$0x4050]  }
0x86: {  	v13 =	vld [tilespmem:s20+$0x4060]  }
0x87: {  	v12 =	vld [tilespmem:s20+$0x4070]  }
0x88: {  	v11 =	vld [tilespmem:s20+$0x4400]  }
0x89: {  	v9 =	vld [tilespmem:s20+$0x4410]  }
0x8a: {  	v7 =	vld [tilespmem:s20+$0x4420]  }
0x8b: {  	v4 =	vld [tilespmem:s20+$0x4430];
	v10 =	vmul.f32 v18, v18  }
0x8c: {  	v5 =	vld [tilespmem:s20+$0x4440];
	v20 =	vmul.f32 v19, v19;
	v21 =	vmul.f32 v17, v17  }
0x8d: {  	v6 =	vld [tilespmem:s20+$0x4450];
	v22 =	vmul.f32 v15, v15;
	v23 =	vmul.f32 v16, v16  }
0x8e: {  	v8 =	vld [tilespmem:s20+$0x4460];
	v24 =	vmul.f32 v14, v14;
	v25 =	vmul.f32 v13, v13  }
0x8f: {  	v26 =	vmul.f32 v12, v12;
	v44 =	vmul.f32 v11, v11;
	v22 =	vadd.f32 v22, v10;
	v10 =	vld [tilespmem:s20+$0x4470]  }
0x90: {  	v27 =	vmul.f32 v9, v9;
	v45 =	vmul.f32 v7, v7  }
0x91: {  	v46 =	vmul.f32 v4, v4;
	v47 =	vmul.f32 v5, v5;
	v20 =	vadd.f32 v24, v20  }
0x92: {  	v48 =	vmul.f32 v6, v6;
	v21 =	vadd.f32 v25, v21;
	v23 =	vadd.f32 v26, v23  }
0x93: {  	v49 =	vmul.f32 v8, v8;
	v22 =	vadd.f32 v44, v22;
	v20 =	vadd.f32 v27, v20  }
0x94: {  	v21 =	vadd.f32 v45, v21;
	v23 =	vadd.f32 v46, v23;
	v50 =	vmul.f32 v10, v10  }
0x95: {  	v22 =	vadd.f32 v47, v22;
	v20 =	vadd.f32 v48, v20  }
0x96: {  	v30 =	vld [tilespmem:s20+$0x4080];
	v21 =	vadd.f32 v49, v21;
	v23 =	vadd.f32 v50, v23  }
0x97: {  	v31 =	vld [tilespmem:s20+$0x4090]  }
0x98: {  	v32 =	vld [tilespmem:s20+$0x40A0];
	v20 =	vadd.f32 v20, v22;
	v21 =	vadd.f32 v23, v21  }
0x99: {  	v33 =	vld [tilespmem:s20+$0x40B0]  }
0x9a: {  	v28 =	vld [tilespmem:s20+$0x40C0];
	v20 =	vadd.f32 v21, v20  }
0x9b: {  	v29 =	vld [tilespmem:s20+$0x40D0]  }
0x9c: {  	v41 =	vld [tilespmem:s20+$0x44E0];
	v21 =	vperm.xlane v20, v0  }
0x9d: {  	v25 =	vld [tilespmem:s20+$0x40E0]  }
0x9e: {  	v26 =	vld [tilespmem:s20+$0x40F0];
	v20 =	vadd.f32 v20, v21  }
0x9f: {  	v24 =	vld [tilespmem:s20+$0x44C0]  }
0xa0: {  	v22 =	vld [tilespmem:s20+$0x4480];
	v21 =	vperm.xlane v20, v1  }
0xa1: {  	v36 =	vmul.f32 v30, v30;
	v37 =	vmul.f32 v31, v31;
	v23 =	vld [tilespmem:s20+$0x4490]  }
0xa2: {  	v38 =	vmul.f32 v32, v32;
	v39 =	vmul.f32 v28, v28;
	v34 =	vadd.f32 v20, v21;
	v20 =	vld [tilespmem:s20+$0x44A0]  }
0xa3: {  	v51 =	vmul.f32 v33, v33;
	v40 =	vmul.f32 v29, v29;
	v21 =	vld [tilespmem:s20+$0x44B0]  }
0xa4: {  	v58 =	vmul.f32 v41, v41;
	v27 =	vld [tilespmem:s20+$0x44D0];
	v52 =	vmul.f32 v25, v25  }
0xa5: {  	v43 =	vld [tilespmem:s20+$0x44F0];
	v36 =	vadd.f32 v39, v36;
	v37 =	vadd.f32 v40, v37;
	v35 =	vperm.xlane v34, v2  }
0xa6: {  	v42 =	vmul.f32 v26, v26;
	v56 =	vmul.f32 v24, v24;
	v38 =	vadd.f32 v52, v38  }
0xa7: {  	v53 =	vmul.f32 v22, v22;
	v44 =	vmul.f32 v23, v23;
	v34 =	vadd.f32 v34, v35  }
0xa8: {  	v35 =	vadd.f32 v42, v51;
	v54 =	vmul.f32 v20, v20;
	v55 =	vmul.f32 v21, v21  }
0xa9: {  	v57 =	vmul.f32 v27, v27;
	v36 =	vadd.f32 v53, v36;
	v37 =	vadd.f32 v44, v37  }
0xaa: {  	v59 =	vmul.f32 v43, v43;
	v38 =	vadd.f32 v54, v38;
	v35 =	vadd.f32 v55, v35  }
0xab: {  	v36 =	vadd.f32 v56, v36;
	v37 =	vadd.f32 v57, v37  }
0xac: {  	v38 =	vadd.f32 v58, v38;
	v35 =	vadd.f32 v59, v35;
	_ =	sdelay $0x1  }
0xad: {  	v36 =	vadd.f32 v37, v36;
	v60 =	vperm.xlane v34, v3;
	v35 =	vadd.f32 v35, v38;
	_ =	sdelay $0x1  }
0xae: {  	v34 =	vadd.f32 v34, v60;
	v35 =	vadd.f32 v35, v36;
	_ =	sdelay $0x1  }
0xaf: {  	v61 =	vshrl.u32 v34, $0x1;
	v34 =	vmul.f32 $5.000000000e-01, v34;
	v62 =	vperm.xlane v35, v0  }
0xb0: {  	v36 =	vsub.s32 $0x5F3759DF, v61  }
0xb1: {  	v63 =	vmul.f32 v36, v34;
	v35 =	vadd.f32 v35, v62;
	_ =	sdelay $0x1  }
0xb2: {  	v40 =	vmul.f32 v36, v63;
	v42 =	vperm.xlane v35, v1;
	_ =	sdelay $0x1  }
0xb3: {  	v37 =	vsub.f32 $1.500000000e+00, v40;
	v35 =	vadd.f32 v35, v42;
	_ =	sdelay $0x1  }
0xb4: {  	v36 =	vmul.f32 v36, v37;
	v44 =	vperm.xlane v35, v2;
	_ =	sdelay $0x1  }
0xb5: {  	v45 =	vmul.f32 v36, v34;
	v35 =	vadd.f32 v35, v44;
	_ =	sdelay $0x1  }
0xb6: {  	v46 =	vmul.f32 v45, v36;
	v47 =	vperm.xlane v35, v3;
	_ =	sdelay $0x1  }
0xb7: {  	v37 =	vsub.f32 $1.500000000e+00, v46;
	v35 =	vadd.f32 v35, v47;
	_ =	sdelay $0x1  }
0xb8: {  	v36 =	vmul.f32 v37, v36;
	v48 =	vshrl.u32 v35, $0x1;
	v35 =	vmul.f32 $5.000000000e-01, v35  }
0xb9: {  	v37 =	vsub.s32 $0x5F3759DF, v48  }
0xba: {  	v34 =	vmul.f32 v36, v34;
	v49 =	vmul.f32 v37, v35;
	_ =	sdelay $0x1  }
0xbb: {  	v34 =	vmul.f32 v34, v36;
	v38 =	vmul.f32 v37, v49;
	_ =	sdelay $0x1  }
0xbc: {  	v34 =	vsub.f32 $1.500000000e+00, v34;
	v38 =	vsub.f32 $1.500000000e+00, v38;
	_ =	sdelay $0x1  }
0xbd: {  	v34 =	vmul.f32 v34, v36;
	v50 =	vmul.f32 v37, v38;
	_ =	sdelay $0x1  }
0xbe: {  	v34 =	vmin.f32 v34, $9.999999950e+11;
	v37 =	vmul.f32 v50, v35  }
0xbf: {  	v18 =	vmul.f32 v34, v18  }
0xc0: {  	v19 =	vmul.f32 v34, v19;
	v37 =	vmul.f32 v37, v50  }
0xc1: {  	v17 =	vmul.f32 v34, v17;
	[tilespmem:s20+$0x4000] =	vst v18  }
0xc2: {  	v16 =	vmul.f32 v34, v16;
	[tilespmem:s20+$0x4010] =	vst v19;
	v51 =	vsub.f32 $1.500000000e+00, v37  }
0xc3: {  	v15 =	vmul.f32 v34, v15;
	[tilespmem:s20+$0x4020] =	vst v17  }
0xc4: {  	v14 =	vmul.f32 v34, v14;
	[tilespmem:s20+$0x4030] =	vst v16;
	v52 =	vmul.f32 v51, v50  }
0xc5: {  	v13 =	vmul.f32 v34, v13;
	[tilespmem:s20+$0x4040] =	vst v15  }
0xc6: {  	v12 =	vmul.f32 v34, v12;
	[tilespmem:s20+$0x4050] =	vst v14;
	v53 =	vmul.f32 v52, v35  }
0xc7: {  	v11 =	vmul.f32 v34, v11;
	[tilespmem:s20+$0x4060] =	vst v13  }
0xc8: {  	v9 =	vmul.f32 v34, v9;
	[tilespmem:s20+$0x4070] =	vst v12;
	v54 =	vmul.f32 v53, v52  }
0xc9: {  	v7 =	vmul.f32 v34, v7;
	[tilespmem:s20+$0x4400] =	vst v11  }
0xca: {  	v4 =	vmul.f32 v34, v4;
	[tilespmem:s20+$0x4410] =	vst v9;
	v55 =	vsub.f32 $1.500000000e+00, v54  }
0xcb: {  	v5 =	vmul.f32 v34, v5;
	[tilespmem:s20+$0x4420] =	vst v7  }
0xcc: {  	v6 =	vmul.f32 v34, v6;
	[tilespmem:s20+$0x4430] =	vst v4;
	v4 =	vmul.f32 v55, v52  }
0xcd: {  	[tilespmem:s20+$0x4440] =	vst v5;
	v5 =	vmul.f32 v34, v8  }
0xce: {  	v56 =	vmul.f32 v34, v10;
	[tilespmem:s20+$0x4450] =	vst v6;
	v4 =	vmin.f32 v4, $9.999999950e+11  }
0xcf: {  	[tilespmem:s20+$0x4460] =	vst v5;
	v5 =	vmul.f32 v4, v30  }
0xd0: {  	[tilespmem:s20+$0x4470] =	vst v56;
	v57 =	vmul.f32 v4, v31  }
0xd1: {  	[tilespmem:s20+$0x4080] =	vst v5;
	v5 =	vmul.f32 v4, v32  }
0xd2: {  	v58 =	vmul.f32 v4, v33;
	[tilespmem:s20+$0x4090] =	vst v57  }
0xd3: {  	[tilespmem:s20+$0x40A0] =	vst v5;
	v5 =	vmul.f32 v4, v28  }
0xd4: {  	v59 =	vmul.f32 v4, v29;
	[tilespmem:s20+$0x40B0] =	vst v58  }
0xd5: {  	[tilespmem:s20+$0x40C0] =	vst v5;
	v5 =	vmul.f32 v4, v25  }
0xd6: {  	v60 =	vmul.f32 v4, v26;
	[tilespmem:s20+$0x40D0] =	vst v59  }
0xd7: {  	[tilespmem:s20+$0x40E0] =	vst v5;
	v5 =	vmul.f32 v4, v22  }
0xd8: {  	v61 =	vmul.f32 v4, v23;
	[tilespmem:s20+$0x40F0] =	vst v60  }
0xd9: {  	[tilespmem:s20+$0x4480] =	vst v5;
	v5 =	vmul.f32 v4, v20  }
0xda: {  	v62 =	vmul.f32 v4, v21;
	[tilespmem:s20+$0x4490] =	vst v61  }
0xdb: {  	p0 =	sne.s32 s19, $0x1F00;
	[tilespmem:s20+$0x44A0] =	vst v5;
	v5 =	vmul.f32 v4, v24  }
.Ltmp1:
0xdc: {  	v63 =	vmul.f32 v4, v27;
	[tilespmem:s20+$0x44B0] =	vst v62;
	(pc) =	sbr.rel @p0 .LBB2_4-.Ltmp1, $4  }
0xdd: {  	[tilespmem:s20+$0x44C0] =	vst v5;
	v5 =	vmul.f32 v4, v41  }
0xde: {  	[tilespmem:s20+$0x44D0] =	vst v63;
	v4 =	vmul.f32 v4, v43  }
0xdf: {  	[tilespmem:s20+$0x44E0] =	vst v5  }
0xe0: {  	s18 =	sadd.s32 $0x200, s18;
	s19 =	sadd.s32 $0x100, s19;
	[tilespmem:s20+$0x44F0] =	vst v4  }
0xe1: {  	s18 =	simm.s32 $0x0  }
0xe2: {  	[hbm4b:s7+s18] =	stream.linear.scatter [tilespmem:s13], [sflag:$0x4], $0x4000, $0x38;
	[tilespmem:$0x8000] =	vst v63  }
0xe3: {  	_ =	swait.ge [sflag:s12], $0x4000  }
0xe4: {  	[sflag:s12] =	ssyncset.done $0x0  }
0xe5: {  	[sflag:s12] =	ssyncadd.s32 $0xFFFFC000  }
0xe6: {  	_ =	swait.ge [sflag:s16], $0x4000  }
0xe7: {  	[sflag:s16] =	ssyncset.done $0x0  }
0xe8: {  	s19 =	simm.s32 $0x0;
	[sflag:s16] =	ssyncadd.s32 $0xFFFFC000  }
0xe9: {  	[tilespmem:s13], [sflag:$0x2] =	stream.linear.gather [hbm4b:s8+s18], $0x4000, $0x38;
	[tilespmem:$0x8000] =	vst v63  }
.LBB2_6:
0xea: {  	s20 =	sand.u32 $0x3800, s18;
	s21 =	sand.u32 $0x300, s19  }
0xeb: {  	s20 =	sor.u32 s21, s20  }
0xec: {  	v18 =	vld [tilespmem:s20+$0x0]  }
0xed: {  	v19 =	vld [tilespmem:s20+$0x10]  }
0xee: {  	v17 =	vld [tilespmem:s20+$0x20]  }
0xef: {  	v16 =	vld [tilespmem:s20+$0x30]  }
0xf0: {  	v15 =	vld [tilespmem:s20+$0x40]  }
0xf1: {  	v14 =	vld [tilespmem:s20+$0x50]  }
0xf2: {  	v13 =	vld [tilespmem:s20+$0x60]  }
0xf3: {  	v12 =	vld [tilespmem:s20+$0x70]  }
0xf4: {  	v11 =	vld [tilespmem:s20+$0x400]  }
0xf5: {  	v9 =	vld [tilespmem:s20+$0x410]  }
0xf6: {  	v7 =	vld [tilespmem:s20+$0x420]  }
0xf7: {  	v4 =	vld [tilespmem:s20+$0x430];
	v10 =	vmul.f32 v18, v18  }
0xf8: {  	v5 =	vld [tilespmem:s20+$0x440];
	v20 =	vmul.f32 v19, v19;
	v21 =	vmul.f32 v17, v17  }
0xf9: {  	v6 =	vld [tilespmem:s20+$0x450];
	v22 =	vmul.f32 v15, v15;
	v23 =	vmul.f32 v16, v16  }
0xfa: {  	v8 =	vld [tilespmem:s20+$0x460];
	v24 =	vmul.f32 v14, v14;
	v25 =	vmul.f32 v13, v13  }
0xfb: {  	v26 =	vmul.f32 v12, v12;
	v44 =	vmul.f32 v11, v11;
	v22 =	vadd.f32 v22, v10;
	v10 =	vld [tilespmem:s20+$0x470]  }
0xfc: {  	v27 =	vmul.f32 v9, v9;
	v45 =	vmul.f32 v7, v7  }
0xfd: {  	v46 =	vmul.f32 v4, v4;
	v47 =	vmul.f32 v5, v5;
	v20 =	vadd.f32 v24, v20  }
0xfe: {  	v48 =	vmul.f32 v6, v6;
	v21 =	vadd.f32 v25, v21;
	v23 =	vadd.f32 v26, v23  }
0xff: {  	v49 =	vmul.f32 v8, v8;
	v22 =	vadd.f32 v44, v22;
	v20 =	vadd.f32 v27, v20  }
0x100: {  	v21 =	vadd.f32 v45, v21;
	v23 =	vadd.f32 v46, v23;
	v50 =	vmul.f32 v10, v10  }
0x101: {  	v22 =	vadd.f32 v47, v22;
	v20 =	vadd.f32 v48, v20  }
0x102: {  	v30 =	vld [tilespmem:s20+$0x80];
	v21 =	vadd.f32 v49, v21;
	v23 =	vadd.f32 v50, v23  }
0x103: {  	v31 =	vld [tilespmem:s20+$0x90]  }
0x104: {  	v32 =	vld [tilespmem:s20+$0xA0];
	v20 =	vadd.f32 v20, v22;
	v21 =	vadd.f32 v23, v21  }
0x105: {  	v33 =	vld [tilespmem:s20+$0xB0]  }
0x106: {  	v28 =	vld [tilespmem:s20+$0xC0];
	v20 =	vadd.f32 v21, v20  }
0x107: {  	v29 =	vld [tilespmem:s20+$0xD0]  }
0x108: {  	v41 =	vld [tilespmem:s20+$0x4E0];
	v21 =	vperm.xlane v20, v0  }
0x109: {  	v25 =	vld [tilespmem:s20+$0xE0]  }
0x10a: {  	v26 =	vld [tilespmem:s20+$0xF0];
	v20 =	vadd.f32 v20, v21  }
0x10b: {  	v24 =	vld [tilespmem:s20+$0x4C0]  }
0x10c: {  	v22 =	vld [tilespmem:s20+$0x480];
	v21 =	vperm.xlane v20, v1  }
0x10d: {  	v36 =	vmul.f32 v30, v30;
	v37 =	vmul.f32 v31, v31;
	v23 =	vld [tilespmem:s20+$0x490]  }
0x10e: {  	v38 =	vmul.f32 v32, v32;
	v39 =	vmul.f32 v28, v28;
	v34 =	vadd.f32 v20, v21;
	v20 =	vld [tilespmem:s20+$0x4A0]  }
0x10f: {  	v51 =	vmul.f32 v33, v33;
	v40 =	vmul.f32 v29, v29;
	v21 =	vld [tilespmem:s20+$0x4B0]  }
0x110: {  	v58 =	vmul.f32 v41, v41;
	v27 =	vld [tilespmem:s20+$0x4D0];
	v52 =	vmul.f32 v25, v25  }
0x111: {  	v43 =	vld [tilespmem:s20+$0x4F0];
	v36 =	vadd.f32 v39, v36;
	v37 =	vadd.f32 v40, v37;
	v35 =	vperm.xlane v34, v2  }
0x112: {  	v42 =	vmul.f32 v26, v26;
	v56 =	vmul.f32 v24, v24;
	v38 =	vadd.f32 v52, v38  }
0x113: {  	v53 =	vmul.f32 v22, v22;
	v44 =	vmul.f32 v23, v23;
	v34 =	vadd.f32 v34, v35  }
0x114: {  	v35 =	vadd.f32 v42, v51;
	v54 =	vmul.f32 v20, v20;
	v55 =	vmul.f32 v21, v21  }
0x115: {  	v57 =	vmul.f32 v27, v27;
	v36 =	vadd.f32 v53, v36;
	v37 =	vadd.f32 v44, v37  }
0x116: {  	v59 =	vmul.f32 v43, v43;
	v38 =	vadd.f32 v54, v38;
	v35 =	vadd.f32 v55, v35  }
0x117: {  	v36 =	vadd.f32 v56, v36;
	v37 =	vadd.f32 v57, v37  }
0x118: {  	v38 =	vadd.f32 v58, v38;
	v35 =	vadd.f32 v59, v35;
	_ =	sdelay $0x1  }
0x119: {  	v36 =	vadd.f32 v37, v36;
	v60 =	vperm.xlane v34, v3;
	v35 =	vadd.f32 v35, v38;
	_ =	sdelay $0x1  }
0x11a: {  	v34 =	vadd.f32 v34, v60;
	v35 =	vadd.f32 v35, v36;
	_ =	sdelay $0x1  }
0x11b: {  	v61 =	vshrl.u32 v34, $0x1;
	v34 =	vmul.f32 $5.000000000e-01, v34;
	v62 =	vperm.xlane v35, v0  }
0x11c: {  	v36 =	vsub.s32 $0x5F3759DF, v61  }
0x11d: {  	v63 =	vmul.f32 v36, v34;
	v35 =	vadd.f32 v35, v62;
	_ =	sdelay $0x1  }
0x11e: {  	v40 =	vmul.f32 v36, v63;
	v42 =	vperm.xlane v35, v1;
	_ =	sdelay $0x1  }
0x11f: {  	v37 =	vsub.f32 $1.500000000e+00, v40;
	v35 =	vadd.f32 v35, v42;
	_ =	sdelay $0x1  }
0x120: {  	v36 =	vmul.f32 v36, v37;
	v44 =	vperm.xlane v35, v2;
	_ =	sdelay $0x1  }
0x121: {  	v45 =	vmul.f32 v36, v34;
	v35 =	vadd.f32 v35, v44;
	_ =	sdelay $0x1  }
0x122: {  	v46 =	vmul.f32 v45, v36;
	v47 =	vperm.xlane v35, v3;
	_ =	sdelay $0x1  }
0x123: {  	v37 =	vsub.f32 $1.500000000e+00, v46;
	v35 =	vadd.f32 v35, v47;
	_ =	sdelay $0x1  }
0x124: {  	v36 =	vmul.f32 v37, v36;
	v48 =	vshrl.u32 v35, $0x1;
	v35 =	vmul.f32 $5.000000000e-01, v35  }
0x125: {  	v37 =	vsub.s32 $0x5F3759DF, v48  }
0x126: {  	v34 =	vmul.f32 v36, v34;
	v49 =	vmul.f32 v37, v35;
	_ =	sdelay $0x1  }
0x127: {  	v34 =	vmul.f32 v34, v36;
	v38 =	vmul.f32 v37, v49;
	_ =	sdelay $0x1  }
0x128: {  	v34 =	vsub.f32 $1.500000000e+00, v34;
	v38 =	vsub.f32 $1.500000000e+00, v38;
	_ =	sdelay $0x1  }
0x129: {  	v34 =	vmul.f32 v34, v36;
	v50 =	vmul.f32 v37, v38;
	_ =	sdelay $0x1  }
0x12a: {  	v34 =	vmin.f32 v34, $9.999999950e+11;
	v37 =	vmul.f32 v50, v35  }
0x12b: {  	v18 =	vmul.f32 v34, v18  }
0x12c: {  	v19 =	vmul.f32 v34, v19;
	v37 =	vmul.f32 v37, v50  }
0x12d: {  	v17 =	vmul.f32 v34, v17;
	[tilespmem:s20+$0x0] =	vst v18  }
0x12e: {  	v16 =	vmul.f32 v34, v16;
	[tilespmem:s20+$0x10] =	vst v19;
	v51 =	vsub.f32 $1.500000000e+00, v37  }
0x12f: {  	v15 =	vmul.f32 v34, v15;
	[tilespmem:s20+$0x20] =	vst v17  }
0x130: {  	v14 =	vmul.f32 v34, v14;
	[tilespmem:s20+$0x30] =	vst v16;
	v52 =	vmul.f32 v51, v50  }
0x131: {  	v13 =	vmul.f32 v34, v13;
	[tilespmem:s20+$0x40] =	vst v15  }
0x132: {  	v12 =	vmul.f32 v34, v12;
	[tilespmem:s20+$0x50] =	vst v14;
	v53 =	vmul.f32 v52, v35  }
0x133: {  	v11 =	vmul.f32 v34, v11;
	[tilespmem:s20+$0x60] =	vst v13  }
0x134: {  	v9 =	vmul.f32 v34, v9;
	[tilespmem:s20+$0x70] =	vst v12;
	v54 =	vmul.f32 v53, v52  }
0x135: {  	v7 =	vmul.f32 v34, v7;
	[tilespmem:s20+$0x400] =	vst v11  }
0x136: {  	v4 =	vmul.f32 v34, v4;
	[tilespmem:s20+$0x410] =	vst v9;
	v55 =	vsub.f32 $1.500000000e+00, v54  }
0x137: {  	v5 =	vmul.f32 v34, v5;
	[tilespmem:s20+$0x420] =	vst v7  }
0x138: {  	v6 =	vmul.f32 v34, v6;
	[tilespmem:s20+$0x430] =	vst v4;
	v4 =	vmul.f32 v55, v52  }
0x139: {  	[tilespmem:s20+$0x440] =	vst v5;
	v5 =	vmul.f32 v34, v8  }
0x13a: {  	v56 =	vmul.f32 v34, v10;
	[tilespmem:s20+$0x450] =	vst v6;
	v4 =	vmin.f32 v4, $9.999999950e+11  }
0x13b: {  	[tilespmem:s20+$0x460] =	vst v5;
	v5 =	vmul.f32 v4, v30  }
0x13c: {  	[tilespmem:s20+$0x470] =	vst v56;
	v57 =	vmul.f32 v4, v31  }
0x13d: {  	[tilespmem:s20+$0x80] =	vst v5;
	v5 =	vmul.f32 v4, v32  }
0x13e: {  	v58 =	vmul.f32 v4, v33;
	[tilespmem:s20+$0x90] =	vst v57  }
0x13f: {  	[tilespmem:s20+$0xA0] =	vst v5;
	v5 =	vmul.f32 v4, v28  }
0x140: {  	v59 =	vmul.f32 v4, v29;
	[tilespmem:s20+$0xB0] =	vst v58  }
0x141: {  	[tilespmem:s20+$0xC0] =	vst v5;
	v5 =	vmul.f32 v4, v25  }
0x142: {  	v60 =	vmul.f32 v4, v26;
	[tilespmem:s20+$0xD0] =	vst v59  }
0x143: {  	[tilespmem:s20+$0xE0] =	vst v5;
	v5 =	vmul.f32 v4, v22  }
0x144: {  	v61 =	vmul.f32 v4, v23;
	[tilespmem:s20+$0xF0] =	vst v60  }
0x145: {  	[tilespmem:s20+$0x480] =	vst v5;
	v5 =	vmul.f32 v4, v20  }
0x146: {  	v62 =	vmul.f32 v4, v21;
	[tilespmem:s20+$0x490] =	vst v61  }
0x147: {  	p0 =	sne.s32 s19, $0x1F00;
	[tilespmem:s20+$0x4A0] =	vst v5;
	v5 =	vmul.f32 v4, v24  }
.Ltmp2:
0x148: {  	v63 =	vmul.f32 v4, v27;
	[tilespmem:s20+$0x4B0] =	vst v62;
	(pc) =	sbr.rel @p0 .LBB2_6-.Ltmp2, $4  }
0x149: {  	[tilespmem:s20+$0x4C0] =	vst v5;
	v5 =	vmul.f32 v4, v41  }
0x14a: {  	[tilespmem:s20+$0x4D0] =	vst v63;
	v4 =	vmul.f32 v4, v43  }
0x14b: {  	[tilespmem:s20+$0x4E0] =	vst v5  }
0x14c: {  	s18 =	sadd.s32 $0x200, s18;
	s19 =	sadd.s32 $0x100, s19;
	[tilespmem:s20+$0x4F0] =	vst v4  }
0x14d: {  	s18 =	simm.s32 $0x0  }
0x14e: {  	[hbm4b:s9+s18] =	stream.linear.scatter [tilespmem:s18], [sflag:$0x3], $0x4000, $0x38;
	[tilespmem:$0x8000] =	vst v63  }
0x14f: {  	_ =	swait.ge [sflag:s14], $0x4000  }
0x150: {  	[sflag:s14] =	ssyncset.done $0x0  }
0x151: {  	s19 =	simm.s32 $0x0;
	[sflag:s14] =	ssyncadd.s32 $0xFFFFC000  }
.LBB2_8:
0x152: {  	s20 =	sand.u32 $0x3800, s18;
	s21 =	sand.u32 $0x300, s19  }
0x153: {  	s20 =	sor.u32 s21, s20  }
0x154: {  	v18 =	vld [tilespmem:s20+$0x4000]  }
0x155: {  	v19 =	vld [tilespmem:s20+$0x4010]  }
0x156: {  	v17 =	vld [tilespmem:s20+$0x4020]  }
0x157: {  	v16 =	vld [tilespmem:s20+$0x4030]  }
0x158: {  	v15 =	vld [tilespmem:s20+$0x4040]  }
0x159: {  	v14 =	vld [tilespmem:s20+$0x4050]  }
0x15a: {  	v13 =	vld [tilespmem:s20+$0x4060]  }
0x15b: {  	v12 =	vld [tilespmem:s20+$0x4070]  }
0x15c: {  	v11 =	vld [tilespmem:s20+$0x4400]  }
0x15d: {  	v9 =	vld [tilespmem:s20+$0x4410]  }
0x15e: {  	v7 =	vld [tilespmem:s20+$0x4420]  }
0x15f: {  	v4 =	vld [tilespmem:s20+$0x4430];
	v10 =	vmul.f32 v18, v18  }
0x160: {  	v5 =	vld [tilespmem:s20+$0x4440];
	v20 =	vmul.f32 v19, v19;
	v21 =	vmul.f32 v17, v17  }
0x161: {  	v6 =	vld [tilespmem:s20+$0x4450];
	v22 =	vmul.f32 v15, v15;
	v23 =	vmul.f32 v16, v16  }
0x162: {  	v8 =	vld [tilespmem:s20+$0x4460];
	v24 =	vmul.f32 v14, v14;
	v25 =	vmul.f32 v13, v13  }
0x163: {  	v26 =	vmul.f32 v12, v12;
	v44 =	vmul.f32 v11, v11;
	v22 =	vadd.f32 v22, v10;
	v10 =	vld [tilespmem:s20+$0x4470]  }
0x164: {  	v27 =	vmul.f32 v9, v9;
	v45 =	vmul.f32 v7, v7  }
0x165: {  	v46 =	vmul.f32 v4, v4;
	v47 =	vmul.f32 v5, v5;
	v20 =	vadd.f32 v24, v20  }
0x166: {  	v48 =	vmul.f32 v6, v6;
	v21 =	vadd.f32 v25, v21;
	v23 =	vadd.f32 v26, v23  }
0x167: {  	v49 =	vmul.f32 v8, v8;
	v22 =	vadd.f32 v44, v22;
	v20 =	vadd.f32 v27, v20  }
0x168: {  	v21 =	vadd.f32 v45, v21;
	v23 =	vadd.f32 v46, v23;
	v50 =	vmul.f32 v10, v10  }
0x169: {  	v22 =	vadd.f32 v47, v22;
	v20 =	vadd.f32 v48, v20  }
0x16a: {  	v30 =	vld [tilespmem:s20+$0x4080];
	v21 =	vadd.f32 v49, v21;
	v23 =	vadd.f32 v50, v23  }
0x16b: {  	v31 =	vld [tilespmem:s20+$0x4090]  }
0x16c: {  	v32 =	vld [tilespmem:s20+$0x40A0];
	v20 =	vadd.f32 v20, v22;
	v21 =	vadd.f32 v23, v21  }
0x16d: {  	v33 =	vld [tilespmem:s20+$0x40B0]  }
0x16e: {  	v28 =	vld [tilespmem:s20+$0x40C0];
	v20 =	vadd.f32 v21, v20  }
0x16f: {  	v29 =	vld [tilespmem:s20+$0x40D0]  }
0x170: {  	v41 =	vld [tilespmem:s20+$0x44E0];
	v21 =	vperm.xlane v20, v0  }
0x171: {  	v25 =	vld [tilespmem:s20+$0x40E0]  }
0x172: {  	v26 =	vld [tilespmem:s20+$0x40F0];
	v20 =	vadd.f32 v20, v21  }
0x173: {  	v24 =	vld [tilespmem:s20+$0x44C0]  }
0x174: {  	v22 =	vld [tilespmem:s20+$0x4480];
	v21 =	vperm.xlane v20, v1  }
0x175: {  	v36 =	vmul.f32 v30, v30;
	v37 =	vmul.f32 v31, v31;
	v23 =	vld [tilespmem:s20+$0x4490]  }
0x176: {  	v38 =	vmul.f32 v32, v32;
	v39 =	vmul.f32 v28, v28;
	v34 =	vadd.f32 v20, v21;
	v20 =	vld [tilespmem:s20+$0x44A0]  }
0x177: {  	v51 =	vmul.f32 v33, v33;
	v40 =	vmul.f32 v29, v29;
	v21 =	vld [tilespmem:s20+$0x44B0]  }
0x178: {  	v58 =	vmul.f32 v41, v41;
	v27 =	vld [tilespmem:s20+$0x44D0];
	v52 =	vmul.f32 v25, v25  }
0x179: {  	v43 =	vld [tilespmem:s20+$0x44F0];
	v36 =	vadd.f32 v39, v36;
	v37 =	vadd.f32 v40, v37;
	v35 =	vperm.xlane v34, v2  }
0x17a: {  	v42 =	vmul.f32 v26, v26;
	v56 =	vmul.f32 v24, v24;
	v38 =	vadd.f32 v52, v38  }
0x17b: {  	v53 =	vmul.f32 v22, v22;
	v44 =	vmul.f32 v23, v23;
	v34 =	vadd.f32 v34, v35  }
0x17c: {  	v35 =	vadd.f32 v42, v51;
	v54 =	vmul.f32 v20, v20;
	v55 =	vmul.f32 v21, v21  }
0x17d: {  	v57 =	vmul.f32 v27, v27;
	v36 =	vadd.f32 v53, v36;
	v37 =	vadd.f32 v44, v37  }
0x17e: {  	v59 =	vmul.f32 v43, v43;
	v38 =	vadd.f32 v54, v38;
	v35 =	vadd.f32 v55, v35  }
0x17f: {  	v36 =	vadd.f32 v56, v36;
	v37 =	vadd.f32 v57, v37  }
0x180: {  	v38 =	vadd.f32 v58, v38;
	v35 =	vadd.f32 v59, v35;
	_ =	sdelay $0x1  }
0x181: {  	v36 =	vadd.f32 v37, v36;
	v60 =	vperm.xlane v34, v3;
	v35 =	vadd.f32 v35, v38;
	_ =	sdelay $0x1  }
0x182: {  	v34 =	vadd.f32 v34, v60;
	v35 =	vadd.f32 v35, v36;
	_ =	sdelay $0x1  }
0x183: {  	v61 =	vshrl.u32 v34, $0x1;
	v34 =	vmul.f32 $5.000000000e-01, v34;
	v62 =	vperm.xlane v35, v0  }
0x184: {  	v36 =	vsub.s32 $0x5F3759DF, v61  }
0x185: {  	v63 =	vmul.f32 v36, v34;
	v35 =	vadd.f32 v35, v62;
	_ =	sdelay $0x1  }
0x186: {  	v40 =	vmul.f32 v36, v63;
	v42 =	vperm.xlane v35, v1;
	_ =	sdelay $0x1  }
0x187: {  	v37 =	vsub.f32 $1.500000000e+00, v40;
	v35 =	vadd.f32 v35, v42;
	_ =	sdelay $0x1  }
0x188: {  	v36 =	vmul.f32 v36, v37;
	v44 =	vperm.xlane v35, v2;
	_ =	sdelay $0x1  }
0x189: {  	v45 =	vmul.f32 v36, v34;
	v35 =	vadd.f32 v35, v44;
	_ =	sdelay $0x1  }
0x18a: {  	v46 =	vmul.f32 v45, v36;
	v47 =	vperm.xlane v35, v3;
	_ =	sdelay $0x1  }
0x18b: {  	v37 =	vsub.f32 $1.500000000e+00, v46;
	v35 =	vadd.f32 v35, v47;
	_ =	sdelay $0x1  }
0x18c: {  	v36 =	vmul.f32 v37, v36;
	v48 =	vshrl.u32 v35, $0x1;
	v35 =	vmul.f32 $5.000000000e-01, v35  }
0x18d: {  	v37 =	vsub.s32 $0x5F3759DF, v48  }
0x18e: {  	v34 =	vmul.f32 v36, v34;
	v49 =	vmul.f32 v37, v35;
	_ =	sdelay $0x1  }
0x18f: {  	v34 =	vmul.f32 v34, v36;
	v38 =	vmul.f32 v37, v49;
	_ =	sdelay $0x1  }
0x190: {  	v34 =	vsub.f32 $1.500000000e+00, v34;
	v38 =	vsub.f32 $1.500000000e+00, v38;
	_ =	sdelay $0x1  }
0x191: {  	v34 =	vmul.f32 v34, v36;
	v50 =	vmul.f32 v37, v38;
	_ =	sdelay $0x1  }
0x192: {  	v34 =	vmin.f32 v34, $9.999999950e+11;
	v37 =	vmul.f32 v50, v35  }
0x193: {  	v18 =	vmul.f32 v34, v18  }
0x194: {  	v19 =	vmul.f32 v34, v19;
	v37 =	vmul.f32 v37, v50  }
0x195: {  	v17 =	vmul.f32 v34, v17;
	[tilespmem:s20+$0x4000] =	vst v18  }
0x196: {  	v16 =	vmul.f32 v34, v16;
	[tilespmem:s20+$0x4010] =	vst v19;
	v51 =	vsub.f32 $1.500000000e+00, v37  }
0x197: {  	v15 =	vmul.f32 v34, v15;
	[tilespmem:s20+$0x4020] =	vst v17  }
0x198: {  	v14 =	vmul.f32 v34, v14;
	[tilespmem:s20+$0x4030] =	vst v16;
	v52 =	vmul.f32 v51, v50  }
0x199: {  	v13 =	vmul.f32 v34, v13;
	[tilespmem:s20+$0x4040] =	vst v15  }
0x19a: {  	v12 =	vmul.f32 v34, v12;
	[tilespmem:s20+$0x4050] =	vst v14;
	v53 =	vmul.f32 v52, v35  }
0x19b: {  	v11 =	vmul.f32 v34, v11;
	[tilespmem:s20+$0x4060] =	vst v13  }
0x19c: {  	v9 =	vmul.f32 v34, v9;
	[tilespmem:s20+$0x4070] =	vst v12;
	v54 =	vmul.f32 v53, v52  }
0x19d: {  	v7 =	vmul.f32 v34, v7;
	[tilespmem:s20+$0x4400] =	vst v11  }
0x19e: {  	v4 =	vmul.f32 v34, v4;
	[tilespmem:s20+$0x4410] =	vst v9;
	v55 =	vsub.f32 $1.500000000e+00, v54  }
0x19f: {  	v5 =	vmul.f32 v34, v5;
	[tilespmem:s20+$0x4420] =	vst v7  }
0x1a0: {  	v6 =	vmul.f32 v34, v6;
	[tilespmem:s20+$0x4430] =	vst v4;
	v4 =	vmul.f32 v55, v52  }
0x1a1: {  	[tilespmem:s20+$0x4440] =	vst v5;
	v5 =	vmul.f32 v34, v8  }
0x1a2: {  	v56 =	vmul.f32 v34, v10;
	[tilespmem:s20+$0x4450] =	vst v6;
	v4 =	vmin.f32 v4, $9.999999950e+11  }
0x1a3: {  	[tilespmem:s20+$0x4460] =	vst v5;
	v5 =	vmul.f32 v4, v30  }
0x1a4: {  	[tilespmem:s20+$0x4470] =	vst v56;
	v57 =	vmul.f32 v4, v31  }
0x1a5: {  	[tilespmem:s20+$0x4080] =	vst v5;
	v5 =	vmul.f32 v4, v32  }
0x1a6: {  	v58 =	vmul.f32 v4, v33;
	[tilespmem:s20+$0x4090] =	vst v57  }
0x1a7: {  	[tilespmem:s20+$0x40A0] =	vst v5;
	v5 =	vmul.f32 v4, v28  }
0x1a8: {  	v59 =	vmul.f32 v4, v29;
	[tilespmem:s20+$0x40B0] =	vst v58  }
0x1a9: {  	[tilespmem:s20+$0x40C0] =	vst v5;
	v5 =	vmul.f32 v4, v25  }
0x1aa: {  	v60 =	vmul.f32 v4, v26;
	[tilespmem:s20+$0x40D0] =	vst v59  }
0x1ab: {  	[tilespmem:s20+$0x40E0] =	vst v5;
	v5 =	vmul.f32 v4, v22  }
0x1ac: {  	v61 =	vmul.f32 v4, v23;
	[tilespmem:s20+$0x40F0] =	vst v60  }
0x1ad: {  	[tilespmem:s20+$0x4480] =	vst v5;
	v5 =	vmul.f32 v4, v20  }
0x1ae: {  	v62 =	vmul.f32 v4, v21;
	[tilespmem:s20+$0x4490] =	vst v61  }
0x1af: {  	p0 =	sne.s32 s19, $0x1F00;
	[tilespmem:s20+$0x44A0] =	vst v5;
	v5 =	vmul.f32 v4, v24  }
.Ltmp3:
0x1b0: {  	v63 =	vmul.f32 v4, v27;
	[tilespmem:s20+$0x44B0] =	vst v62;
	(pc) =	sbr.rel @p0 .LBB2_8-.Ltmp3, $4  }
0x1b1: {  	[tilespmem:s20+$0x44C0] =	vst v5;
	v5 =	vmul.f32 v4, v41  }
0x1b2: {  	[tilespmem:s20+$0x44D0] =	vst v63;
	v4 =	vmul.f32 v4, v43  }
0x1b3: {  	[tilespmem:s20+$0x44E0] =	vst v5  }
0x1b4: {  	s18 =	sadd.s32 $0x200, s18;
	s19 =	sadd.s32 $0x100, s19;
	[tilespmem:s20+$0x44F0] =	vst v4  }
0x1b5: {  	[hbm4b:s10+s2] =	stream.linear.scatter [tilespmem:s13], [sflag:$0x4], $0x4000, $0x38;
	[tilespmem:$0x8000] =	vst v63  }
0x1b6: {  	s17 =	sadd.s32 $0x1, s17  }
0x1b7: {  	_ =	swait.ge [sflag:s15], $0x4000;
	p0 =	sne.s32 s17, s11  }
.Ltmp4:
0x1b8: {  	[sflag:s15] =	ssyncset.done $0x0;
	(pc) =	sbr.rel @p0 .LBB2_1-.Ltmp4, $4  }
0x1b9: {  	[sflag:s15] =	ssyncadd.s32 $0xFFFFC000  }
0x1ba: {  	_ =	swait.ge [sflag:s16], $0x4000  }
0x1bb: {  	[sflag:s16] =	ssyncset.done $0x0  }
0x1bc: {  	[sflag:s16] =	ssyncadd.s32 $0xFFFFC000  }
0x1bd: {  	_ =	sfence.sel $0x180000  }
0x1be: {  	[bflag:$0x0] =	sbarrier.arrive $0xFFFF  }
0x1bf: {  	p0 =	sne.s32 s1, $0x0;
	_ =	strace $0x90000047  }
0x1c0: {  	s0 =	sadd.s32 @!p0 $0x100000, s0;
	[bflag:$0x2] =	sbarrier.arrive $0xFFFF  }
0x1c1: {  	[sflag:s0] =	ssyncadd.tile.s32 @!p0 $0x1;
	_ =	shalt  }
.Lfunc_end2:
_tile_overlayer_lowered:
.L_overlay_start_2:
0x1c2: {  	(tag) =	ssettag $0x2  }
0x1c3: {  	s0 =	rddreg [dreg:$0x0];
	s2 =	stileid.u32  }
0x1c4: {  	s1 =	rddreg [dreg:$0x1];
	p0 =	sne.s32 s2, $0x0  }
0x1c5: {  	s3 =	rddreg [dreg:$0x2];
	[bflag:$0x3] =	sbarrier.arrive $0xFFFF;
	s2 =	simm.s32 @!p0 $0x1C05  }
0x1c6: {  	[timem:s3], [sflag:s2] =	dma.local @!p0 [hbm:s0], s1  }
0x1c7: {  	s0 =	simm.s32 @!p0 $0x5  }
0x1c8: {  	_ =	swait.ge @!p0 [sflag:s0], s1  }
0x1c9: {  	s1 =	ssub.s32 @!p0 $0x0, s1;
	[sflag:s0] =	ssyncset.done @!p0 $0x0  }
0x1ca: {  	[sflag:s0] =	ssyncadd.s32 @!p0 s1  }
0x1cb: {  	[bflag:$0x3] =	sbarrier.arrive $0xFFFF  }
0x1cc: {  	_ =	shalt  }

</sc_bundles>
